<compile_context>
chip_gen: v7x
topology: tpu7x:2x2x1
jax: 0.10.2.dev20260603
libtpu: 0.0.44.dev20260713+nightly
codegen_flags: <defaults>
</compile_context>

<pallas_src>
import functools

import jax
import jax.numpy as jnp
from jax import lax
from jax.experimental import pallas as pl
from jax.experimental.pallas import tpu as pltpu
from jax.experimental.pallas import tpu_sc as plsc

D = 128
ALPHA = 0.5

NC = 2
NS = 16
L = 16
NW = NC * NS
BLK = 128



def _mm_bias_kernel(x_ref, w_ref, b_ref, o_ref):
    o_ref[...] = (
        jnp.dot(x_ref[...], w_ref[...], preferred_element_type=jnp.float32)
        + b_ref[...]
    )


def _mm_bias(x, w, b, tile):
    n = x.shape[0]
    return pl.pallas_call(
        _mm_bias_kernel,
        grid=(n // tile,),
        in_specs=[
            pl.BlockSpec((tile, D), lambda i: (i, 0)),
            pl.BlockSpec((D, D), lambda i: (0, 0)),
            pl.BlockSpec((1, D), lambda i: (0, 0)),
        ],
        out_specs=pl.BlockSpec((tile, D), lambda i: (i, 0)),
        out_shape=jax.ShapeDtypeStruct((n, D), jnp.float32),
        compiler_params=pltpu.CompilerParams(dimension_semantics=("parallel",)),
    )(x, w, b.reshape(1, D))


def _xe_norm_kernel(p0_ref, p1_ref, invd_ref, o_ref):
    o_ref[...] = (p0_ref[...] + p1_ref[...]) * invd_ref[...]


def _xe_norm(p0, p1, invd, tile):
    h = p0.shape[0]
    row = lambda i: (i, 0)
    return pl.pallas_call(
        _xe_norm_kernel,
        grid=(h // tile,),
        in_specs=[
            pl.BlockSpec((tile, D), row),
            pl.BlockSpec((tile, D), row),
            pl.BlockSpec((tile, 1), row),
        ],
        out_specs=pl.BlockSpec((tile, D), row),
        out_shape=jax.ShapeDtypeStruct((h, D), jnp.float32),
        compiler_params=pltpu.CompilerParams(dimension_semantics=("parallel",)),
    )(p0, p1, invd)


def _final_kernel(x_ref, x0_ref, m_ref, invc_ref, mask_ref, w2a_ref,
                  w2b_ref, b2_ref, ww_ref, wb_ref, o_ref):
    p = jnp.dot(x_ref[...], w2a_ref[...], preferred_element_type=jnp.float32)
    q = jnp.dot(m_ref[...] * invc_ref[...], w2b_ref[...],
                preferred_element_type=jnp.float32)
    xv = mask_ref[...] * (p + b2_ref[...]) + q
    pre = (1.0 - ALPHA) * xv + ALPHA * x0_ref[...]
    o_ref[...] = (
        jnp.dot(pre, ww_ref[...], preferred_element_type=jnp.float32)
        + wb_ref[...]
    )


def _final_stage(x, x0, m, inv_cnt, mask, w2a, w2b, b2, ww, wb, tile=1000):
    n = x.shape[0]
    full = lambda i: (0, 0)
    row = lambda i: (i, 0)
    return pl.pallas_call(
        _final_kernel,
        grid=(n // tile,),
        in_specs=[
            pl.BlockSpec((tile, D), row),
            pl.BlockSpec((tile, D), row),
            pl.BlockSpec((tile, D), row),
            pl.BlockSpec((tile, 1), row),
            pl.BlockSpec((tile, 1), row),
            pl.BlockSpec((D, D), full),
            pl.BlockSpec((D, D), full),
            pl.BlockSpec((1, D), full),
            pl.BlockSpec((D, D), full),
            pl.BlockSpec((1, D), full),
        ],
        out_specs=pl.BlockSpec((tile, D), row),
        out_shape=jax.ShapeDtypeStruct((n, D), jnp.float32),
        compiler_params=pltpu.CompilerParams(dimension_semantics=("parallel",)),
    )(x, x0, m, inv_cnt, mask, w2a, w2b, b2.reshape(1, D), ww, wb.reshape(1, D))



def _wid_blocks(wid, nblk):
    per = nblk // NW
    rem = nblk - per * NW
    base = wid * per + jnp.minimum(wid, rem)
    cnt = per + jnp.where(wid < rem, 1, 0)
    return base, cnt


def _pad16(n):
    per = -(-n // NS)
    return -(-per // 8) * 8


def _sc_edge_build(E, H):
    nblk = E // BLK
    rows_h = _pad16(H)
    hp = rows_h * NS
    mesh = plsc.VectorSubcoreMesh(core_axis_name="c", subcore_axis_name="s")

    @functools.partial(
        pl.kernel,
        out_type=[
            jax.ShapeDtypeStruct((E, D), jnp.float32),
            jax.ShapeDtypeStruct((NC, hp, D), jnp.float32),
        ],
        mesh=mesh,
        scratch_types=[
            pltpu.VMEM((BLK,), jnp.int32),
            pltpu.VMEM((1, BLK), jnp.int32),
            pltpu.VMEM((BLK, D), jnp.float32),
            pltpu.VMEM((BLK, D), jnp.float32),
            pltpu.VMEM_SHARED((hp, D), jnp.float32),
            pltpu.SemaphoreType.DMA,
            pltpu.SemaphoreType.DMA,
            pltpu.SemaphoreType.DMA,
            pltpu.SemaphoreType.DMA,
        ],
    )
    def sc_edge(eb_hbm, xw1_hbm, src_hbm, dst_hbm, zf_hbm,
                ean_hbm, xep_hbm,
                srcv, dstv, rowsE, rowsG, xe_acc,
                sem_e, sem_g, sem_w1, sem_w2):
        cid = lax.axis_index("c")
        sid = lax.axis_index("s")
        wid = sid * NC + cid

        rh0 = sid * rows_h
        pltpu.sync_copy(zf_hbm, xe_acc.at[pl.ds(rh0, rows_h)])
        plsc.subcore_barrier()

        base, cnt = _wid_blocks(wid, nblk)

        def do_block(j, c):
            b = base + j
            pltpu.sync_copy(src_hbm.at[b], srcv)
            ce = pltpu.async_copy(eb_hbm.at[pl.ds(b * BLK, BLK)], rowsE, sem_e)
            cg = pltpu.async_copy(xw1_hbm.at[srcv], rowsG, sem_g)
            pltpu.sync_copy(dst_hbm.at[b], dstv.at[0])
            ce.wait()
            cg.wait()

            def vadd(r, cc):
                for k in range(D // L):
                    s = pl.ds(k * L, L)
                    rowsE[r, s] = rowsE[r, s] + rowsG[r, s]
                return cc

            lax.fori_loop(0, BLK, vadd, 0)
            w1 = pltpu.async_copy(rowsE, ean_hbm.at[pl.ds(b * BLK, BLK)],
                                  sem_w1)
            w2 = pltpu.async_copy(rowsE, xe_acc.at[dstv.at[0]], sem_w2,
                                  add=True)
            w1.wait()
            w2.wait()
            return c

        lax.fori_loop(0, cnt, do_block, 0)

        plsc.subcore_barrier()
        pltpu.sync_copy(xe_acc.at[pl.ds(rh0, rows_h)],
                        xep_hbm.at[cid, pl.ds(rh0, rows_h)])

    return sc_edge


def _sc_e2v_build(E, H, N):
    nblk = E // BLK
    rows_n = _pad16(N)
    np_ = rows_n * NS
    mesh = plsc.VectorSubcoreMesh(core_axis_name="c", subcore_axis_name="s")

    @functools.partial(
        pl.kernel,
        out_type=jax.ShapeDtypeStruct((NC, np_, D), jnp.float32),
        mesh=mesh,
        scratch_types=[
            pltpu.VMEM((2, BLK), jnp.int32),
            pltpu.VMEM((BLK,), jnp.int32),
            pltpu.VMEM((BLK,), jnp.int32),
            pltpu.VMEM((BLK, D), jnp.float32),
            pltpu.VMEM((BLK, D), jnp.float32),
            pltpu.VMEM_SHARED((np_, D), jnp.float32),
            pltpu.SemaphoreType.DMA,
            pltpu.SemaphoreType.DMA,
        ],
    )
    def sc_e2v(xe_hbm, src_hbm, dst_hbm, zf_hbm,
               mp_hbm,
               srcv, dstv0, dstv1, rows0, rows1, m_acc, sem_g0, sem_g1):
        cid = lax.axis_index("c")
        sid = lax.axis_index("s")
        wid = sid * NC + cid

        rn0 = sid * rows_n
        pltpu.sync_copy(zf_hbm, m_acc.at[pl.ds(rn0, rows_n)])
        plsc.subcore_barrier()

        base, cnt = _wid_blocks(wid, nblk)
        npairs = cnt // 2

        def do_pair(j, c):
            b0 = base + 2 * j
            b1 = b0 + 1
            pltpu.sync_copy(dst_hbm.at[b0], dstv0)
            pltpu.sync_copy(dst_hbm.at[b1], dstv1)
            g0 = pltpu.async_copy(xe_hbm.at[dstv0], rows0, sem_g0)
            g1 = pltpu.async_copy(xe_hbm.at[dstv1], rows1, sem_g1)
            pltpu.sync_copy(src_hbm.at[b0], srcv.at[0])
            pltpu.sync_copy(src_hbm.at[b1], srcv.at[1])
            g0.wait()
            pltpu.sync_copy(rows0, m_acc.at[srcv.at[0]], add=True)
            g1.wait()
            pltpu.sync_copy(rows1, m_acc.at[srcv.at[1]], add=True)
            return c

        lax.fori_loop(0, npairs, do_pair, 0)

        def do_single(j, c):
            b = base + 2 * npairs + j
            pltpu.sync_copy(dst_hbm.at[b], dstv0)
            g0 = pltpu.async_copy(xe_hbm.at[dstv0], rows0, sem_g0)
            pltpu.sync_copy(src_hbm.at[b], srcv.at[0])
            g0.wait()
            pltpu.sync_copy(rows0, m_acc.at[srcv.at[0]], add=True)
            return c

        lax.fori_loop(0, cnt - 2 * npairs, do_single, 0)

        plsc.subcore_barrier()
        pltpu.sync_copy(m_acc.at[pl.ds(rn0, rows_n)],
                        mp_hbm.at[cid, pl.ds(rn0, rows_n)])

    return sc_e2v


def _sc_counts_build(E, H, N):
    nblk = E // BLK
    hp = _pad16(H) * NS
    np_ = _pad16(N) * NS
    mesh = plsc.VectorSubcoreMesh(core_axis_name="c", subcore_axis_name="s")

    @functools.partial(
        pl.kernel,
        out_type=[
            jax.ShapeDtypeStruct((NC, NS, hp), jnp.float32),
            jax.ShapeDtypeStruct((NC, NS, np_), jnp.float32),
        ],
        mesh=mesh,
        scratch_types=[
            pltpu.VMEM((BLK,), jnp.int32),
            pltpu.VMEM((BLK,), jnp.int32),
            pltpu.VMEM((hp,), jnp.float32),
            pltpu.VMEM((np_,), jnp.float32),
        ],
        compiler_params=pltpu.CompilerParams(needs_layout_passes=False),
    )
    def sc_counts(src_hbm, dst_hbm,
                  cdp_hbm, csp_hbm,
                  srcv, dstv, cd_hist, cs_hist):
        cid = lax.axis_index("c")
        sid = lax.axis_index("s")
        wid = sid * NC + cid

        zvec = jnp.zeros((L,), jnp.float32)

        def zero_h(i, c):
            cd_hist[pl.ds(i * L, L)] = zvec
            return c

        def zero_n(i, c):
            cs_hist[pl.ds(i * L, L)] = zvec
            return c

        lax.fori_loop(0, hp // L, zero_h, 0)
        lax.fori_loop(0, np_ // L, zero_n, 0)

        base, cnt = _wid_blocks(wid, nblk)
        onev = jnp.ones((L,), jnp.float32)

        def do_block(j, c):
            b = base + j
            pltpu.sync_copy(src_hbm.at[b], srcv)
            pltpu.sync_copy(dst_hbm.at[b], dstv)
            for k in range(BLK // L):
                s = pl.ds(k * L, L)
                plsc.addupdate_scatter(cd_hist, [dstv[s]], onev)
                plsc.addupdate_scatter(cs_hist, [srcv[s]], onev)
            return c

        lax.fori_loop(0, cnt, do_block, 0)

        pltpu.sync_copy(cd_hist, cdp_hbm.at[cid, sid])
        pltpu.sync_copy(cs_hist, csp_hbm.at[cid, sid])

    return sc_counts



def kernel(X, edge_index, edge_attr, X0, W1_w, W1_b, W2_w, W2_b, W_w, W_b):
    N = X.shape[0]
    E = edge_attr.shape[0]
    H = N
    src = edge_index[0]
    dst = edge_index[1]
    src2d = src.reshape(E // BLK, BLK)
    dst2d = dst.reshape(E // BLK, BLK)

    W1a, W1b = W1_w[:D], W1_w[D:]
    W2a, W2b = W2_w[:D], W2_w[D:]

    XW1 = _mm_bias(X, W1a, jnp.zeros((D,), jnp.float32), tile=1000)
    EB = _mm_bias(edge_attr, W1b, W1_b, tile=2000)

    cdp, csp = _sc_counts_build(E, H, N)(src2d, dst2d)
    cnt_dst = cdp.sum((0, 1))
    cnt_src = csp.sum((0, 1))[:N]

    zf = jnp.zeros((_pad16(H), D), jnp.float32)
    EB2 = lax.optimization_barrier((EB, cdp))[0]
    ean, xep = _sc_edge_build(E, H)(EB2, XW1, src2d, dst2d, zf)

    inv_d = (1.0 / jnp.maximum(cnt_dst, 1.0))[:, None]
    xe_pad = _xe_norm(xep[0], xep[1], inv_d, tile=_pad16(H))
    xe = xe_pad[:H]

    mp = _sc_e2v_build(E, H, N)(xe_pad, src2d, dst2d, zf)
    msum = mp[0, :N] + mp[1, :N]

    inv_c = (1.0 / jnp.maximum(cnt_src, 1.0))[:, None]
    mask = (cnt_src > 0).astype(jnp.float32)[:, None]

    Xout = _final_stage(X, X0, msum, inv_c, mask, W2a, W2b, W2_b, W_w, W_b)
    return (Xout, ean, xe)

# --- scband reference (transcript-rebuilt; emitter-appended) ---
"""Pipeline reference for scband-equiv-set-conv-74509092651639 (READ-ONLY COPY).

The authoritative reference and input builder live on the scoring server;
editing this copy changes nothing except your own understanding.
"""

import jax, jax.numpy as jnp
import numpy as np

N = 10000   # exact_num_nodes
H = 10000   # exact_num_hyperedges
E = 320000  # number of (node, hyperedge) incidences
D = 128     # in_features == out_features
ALPHA = 0.5


def _linear_init(key, fan_in, fan_out):
    k1, k2 = jax.random.split(key)
    bound = 1.0 / np.sqrt(fan_in)
    w = jax.random.uniform(k1, (fan_in, fan_out), minval=-bound, maxval=bound, dtype=jnp.float32)
    b = jax.random.uniform(k2, (fan_out,), minval=-bound, maxval=bound, dtype=jnp.float32)
    return w, b


def setup_inputs(seed: int = 0) -> dict:
    key = jax.random.key(seed)
    ks = jax.random.split(key, 8)
    X = jax.random.normal(ks[0], (N, D), dtype=jnp.float32)
    edge_index = jax.random.randint(ks[1], (2, E), 0, N, dtype=jnp.int32)
    edge_attr = jax.random.normal(ks[2], (E, D), dtype=jnp.float32)
    X0 = jax.random.normal(ks[3], (N, D), dtype=jnp.float32)
    # MLPs are 1-layer with Normalization='None', dropout=0.0 (eval) -> plain Linear
    W1_w, W1_b = _linear_init(ks[4], D + D, D)  # W1: Linear(in_features+out_features, out_features)
    W2_w, W2_b = _linear_init(ks[5], D + D, D)  # W2: Linear(in_features+out_features, out_features)
    W_w, W_b = _linear_init(ks[6], D, D)        # W : Linear(out_features, out_features)
    return {"X": X, "edge_index": edge_index, "edge_attr": edge_attr, "X0": X0,
            "W1_w": W1_w, "W1_b": W1_b, "W2_w": W2_w, "W2_b": W2_b, "W_w": W_w, "W_b": W_b}


def _scatter_mean(vals, idx, num_segments):
    sums = jax.ops.segment_sum(vals, idx, num_segments=num_segments)
    cnt = jax.ops.segment_sum(jnp.ones((vals.shape[0], 1), vals.dtype), idx, num_segments=num_segments)
    return sums / jnp.maximum(cnt, 1.0)


def reference(X, edge_index, edge_attr, X0, W1_w, W1_b, W2_w, W2_b, W_w, W_b):
    src = edge_index[0]  # node indices
    dst = edge_index[1]  # hyperedge indices
    # spec == 1, batch_size == 0 branch
    msg = jnp.concatenate([X[src], edge_attr], axis=-1)          # [E, 2D]
    edge_attr_new = msg @ W1_w + W1_b                             # W1 (1-layer MLP)
    xe = _scatter_mean(edge_attr_new, dst, H)                     # scatter mean over hyperedges
    e2v_in = jnp.concatenate([X[src], xe[dst]], axis=-1)          # [E, 2D]
    e2v_attr = e2v_in @ W2_w + W2_b                               # W2 (1-layer MLP)
    xv = _scatter_mean(e2v_attr, src, N)                          # scatter mean over nodes
    Xout = (1.0 - ALPHA) * xv + ALPHA * X0
    Xout = Xout @ W_w + W_b                                       # W (1-layer MLP)
    return (Xout, edge_attr_new, xe)

if __name__ == "__main__":
    import jax
    _d = setup_inputs()
    print(jax.jit(kernel)(*tuple(_d.values())))

</pallas_src>

<mosaic_0001>
#map = affine_map<(d0, d1) -> (0, 0)>
#map1 = affine_map<(d0, d1) -> (0, 0, 0)>
module attributes {stable_mosaic.version = 14 : i64} {
  func.func @sc_counts(%arg0: i32, %arg1: i32, %arg2: memref<2500x128xi32, #tpu.memory_space<hbm>>, %arg3: memref<2500x128xi32, #tpu.memory_space<hbm>>, %arg4: memref<2x16x10112xf32, #tpu.memory_space<hbm>>, %arg5: memref<2x16x10112xf32, #tpu.memory_space<hbm>>, %arg6: memref<128xi32, #tpu.memory_space<vmem>>, %arg7: memref<128xi32, #tpu.memory_space<vmem>>, %arg8: memref<10112xf32, #tpu.memory_space<vmem>>, %arg9: memref<10112xf32, #tpu.memory_space<vmem>>) attributes {dimension_semantics = [#tpu.dimension_semantics<core_parallel>, #tpu.dimension_semantics<subcore_parallel>], iteration_bounds = array<i64: 2, 16>, scalar_prefetch = 0 : i64, scratch_operands = 4 : i64, tpu.core_type = #tpu.core_type<sc_vector_subcore>, window_params = [{transform_indices = #map}, {transform_indices = #map}, {transform_indices = #map1}, {transform_indices = #map1}]} {
    %mul3A = arith.constant 2 : i32
    %mul3A_0 = arith.muli %arg1, %mul3A : i32
    %add3A = arith.addi %mul3A_0, %arg0 : i32
    %broadcast_in_dim3A = arith.constant 0.000000e+00 : f32
    %broadcast_in_dim3A_1 = vector.broadcast %broadcast_in_dim3A : f32 to vector<16xf32>
    %scan3A = arith.constant 0 : i32
    %scan3A_2 = arith.constant 0 : i32
    %scan3A_3 = arith.constant 632 : i32
    %scan3A_4 = arith.addi %scan3A_2, %scan3A_3 : i32
    %scan3A_5 = arith.constant 1 : i32
    scf.for %scan3A_32 = %scan3A_2 to %scan3A_4 step %scan3A_5  : i32 {
      %mul3A_33 = arith.constant 16 : i32
      %mul3A_34 = arith.muli %scan3A_32, %mul3A_33 : i32
      %swap3A = arith.index_cast %mul3A_34 : i32 to index
      %swap3A_35 = tpu.vector_load %arg8[%swap3A] {strides = array<i32>} : memref<10112xf32, #tpu.memory_space<vmem>>, vector<16xf32>,
      tpu.vector_store %arg8[%swap3A], %broadcast_in_dim3A_1 {strides = array<i32>} : memref<10112xf32, #tpu.memory_space<vmem>>, vector<16xf32>,
    }
    %scan3A_6 = arith.constant 632 : i32
    %scan3A_7 = arith.constant 0 : i32
    %scan3A_8 = arith.constant 0 : i32
    %scan3A_9 = arith.constant 632 : i32
    %scan3A_10 = arith.addi %scan3A_8, %scan3A_9 : i32
    %scan3A_11 = arith.constant 1 : i32
    scf.for %scan3A_32 = %scan3A_8 to %scan3A_10 step %scan3A_11  : i32 {
      %mul3A_33 = arith.constant 16 : i32
      %mul3A_34 = arith.muli %scan3A_32, %mul3A_33 : i32
      %swap3A = arith.index_cast %mul3A_34 : i32 to index
      %swap3A_35 = tpu.vector_load %arg9[%swap3A] {strides = array<i32>} : memref<10112xf32, #tpu.memory_space<vmem>>, vector<16xf32>,
      tpu.vector_store %arg9[%swap3A], %broadcast_in_dim3A_1 {strides = array<i32>} : memref<10112xf32, #tpu.memory_space<vmem>>, vector<16xf32>,
    }
    %scan3A_12 = arith.constant 632 : i32
    %mul3A_13 = arith.constant 78 : i32
    %mul3A_14 = arith.muli %add3A, %mul3A_13 : i32
    %min3A = arith.constant 4 : i32
    %min3A_15 = arith.minsi %add3A, %min3A : i32
    %add3A_16 = arith.addi %mul3A_14, %min3A_15 : i32
    %lt3A = arith.constant 4 : i32
    %lt3A_17 = arith.cmpi slt, %add3A, %lt3A : i32
    %jit3A = arith.constant 1 : i32
    %jit3A_18 = arith.constant 0 : i32
    %select_n3A = arith.select %lt3A_17, %jit3A, %jit3A_18 : i32
    %add3A_19 = arith.constant 78 : i32
    %add3A_20 = arith.addi %add3A_19, %select_n3A : i32
    %broadcast_in_dim3A_21 = arith.constant 1.000000e+00 : f32
    %broadcast_in_dim3A_22 = vector.broadcast %broadcast_in_dim3A_21 : f32 to vector<16xf32>
    %while3A = arith.constant 0 : i32
    %while3A_23 = arith.constant 0 : i32
    %while3A_24 = arith.subi %add3A_20, %while3A_23 : i32
    %while3A_25 = arith.addi %while3A_23, %while3A_24 : i32
    %while3A_26 = arith.constant 1 : i32
    %while3A_27 = arith.divsi %while3A_24, %while3A_26 : i32
    %while3A_28 = arith.muli %while3A_27, %while3A_26 : i32
    %while3A_29 = arith.addi %while3A_23, %while3A_28 : i32
    %while3A_30 = arith.constant 1 : i32
    scf.for %while3A_32 = %while3A_23 to %while3A_29 step %while3A_30  : i32 {
      %add3A_33 = arith.addi %add3A_16, %while3A_32 : i32
      "tpu.region"() ({
        %run_scoped3A = tpu.sem_alloc : memref<!tpu.dma_semaphore, #tpu.memory_space<semaphore_mem>>
        %dma_start3A = arith.constant 0 : i32
        %dma_start3A_65 = tpu.memref_slice %arg2[%add3A_33, %dma_start3A] : memref<2500x128xi32, #tpu.memory_space<hbm>> -> memref<1x128xi32, #tpu.memory_space<hbm>>
        %dma_start3A_66 = tpu.memref_squeeze %dma_start3A_65 : memref<1x128xi32, #tpu.memory_space<hbm>> -> memref<128xi32, #tpu.memory_space<hbm>>
        %dma_start3A_67 = arith.constant 0 : i32
        %dma_start3A_68 = tpu.memref_slice %arg2[%add3A_33, %dma_start3A_67] : memref<2500x128xi32, #tpu.memory_space<hbm>> -> memref<1x128xi32, #tpu.memory_space<hbm>>
        %dma_start3A_69 = tpu.memref_squeeze %dma_start3A_68 : memref<1x128xi32, #tpu.memory_space<hbm>> -> memref<128xi32, #tpu.memory_space<hbm>>
        tpu.enqueue_dma source(%dma_start3A_69 : memref<128xi32, #tpu.memory_space<hbm>>) target(%arg6 : memref<128xi32, #tpu.memory_space<vmem>>) target_semaphore(%run_scoped3A : memref<!tpu.dma_semaphore, #tpu.memory_space<semaphore_mem>>)
        %dma_wait3A = arith.constant 0 : i32
        %dma_wait3A_70 = tpu.memref_slice %arg2[%add3A_33, %dma_wait3A] : memref<2500x128xi32, #tpu.memory_space<hbm>> -> memref<1x128xi32, #tpu.memory_space<hbm>>
        %dma_wait3A_71 = tpu.memref_squeeze %dma_wait3A_70 : memref<1x128xi32, #tpu.memory_space<hbm>> -> memref<128xi32, #tpu.memory_space<hbm>>
        %dma_wait3A_72 = arith.constant 0 : i32
        %dma_wait3A_73 = tpu.memref_slice %arg2[%add3A_33, %dma_wait3A_72] : memref<2500x128xi32, #tpu.memory_space<hbm>> -> memref<1x128xi32, #tpu.memory_space<hbm>>
        %dma_wait3A_74 = tpu.memref_squeeze %dma_wait3A_73 : memref<1x128xi32, #tpu.memory_space<hbm>> -> memref<128xi32, #tpu.memory_space<hbm>>
        tpu.wait_dma2 semaphore(%run_scoped3A : memref<!tpu.dma_semaphore, #tpu.memory_space<semaphore_mem>>) src(%dma_wait3A_74 : memref<128xi32, #tpu.memory_space<hbm>>) dst(%arg6 : memref<128xi32, #tpu.memory_space<vmem>>)
        tpu.yield
      }) : () -> ()
      "tpu.region"() ({
        %run_scoped3A = tpu.sem_alloc : memref<!tpu.dma_semaphore, #tpu.memory_space<semaphore_mem>>
        %dma_start3A = arith.constant 0 : i32
        %dma_start3A_65 = tpu.memref_slice %arg3[%add3A_33, %dma_start3A] : memref<2500x128xi32, #tpu.memory_space<hbm>> -> memref<1x128xi32, #tpu.memory_space<hbm>>
        %dma_start3A_66 = tpu.memref_squeeze %dma_start3A_65 : memref<1x128xi32, #tpu.memory_space<hbm>> -> memref<128xi32, #tpu.memory_space<hbm>>
        %dma_start3A_67 = arith.constant 0 : i32
        %dma_start3A_68 = tpu.memref_slice %arg3[%add3A_33, %dma_start3A_67] : memref<2500x128xi32, #tpu.memory_space<hbm>> -> memref<1x128xi32, #tpu.memory_space<hbm>>
        %dma_start3A_69 = tpu.memref_squeeze %dma_start3A_68 : memref<1x128xi32, #tpu.memory_space<hbm>> -> memref<128xi32, #tpu.memory_space<hbm>>
        tpu.enqueue_dma source(%dma_start3A_69 : memref<128xi32, #tpu.memory_space<hbm>>) target(%arg7 : memref<128xi32, #tpu.memory_space<vmem>>) target_semaphore(%run_scoped3A : memref<!tpu.dma_semaphore, #tpu.memory_space<semaphore_mem>>)
        %dma_wait3A = arith.constant 0 : i32
        %dma_wait3A_70 = tpu.memref_slice %arg3[%add3A_33, %dma_wait3A] : memref<2500x128xi32, #tpu.memory_space<hbm>> -> memref<1x128xi32, #tpu.memory_space<hbm>>
        %dma_wait3A_71 = tpu.memref_squeeze %dma_wait3A_70 : memref<1x128xi32, #tpu.memory_space<hbm>> -> memref<128xi32, #tpu.memory_space<hbm>>
        %dma_wait3A_72 = arith.constant 0 : i32
        %dma_wait3A_73 = tpu.memref_slice %arg3[%add3A_33, %dma_wait3A_72] : memref<2500x128xi32, #tpu.memory_space<hbm>> -> memref<1x128xi32, #tpu.memory_space<hbm>>
        %dma_wait3A_74 = tpu.memref_squeeze %dma_wait3A_73 : memref<1x128xi32, #tpu.memory_space<hbm>> -> memref<128xi32, #tpu.memory_space<hbm>>
        tpu.wait_dma2 semaphore(%run_scoped3A : memref<!tpu.dma_semaphore, #tpu.memory_space<semaphore_mem>>) src(%dma_wait3A_74 : memref<128xi32, #tpu.memory_space<hbm>>) dst(%arg7 : memref<128xi32, #tpu.memory_space<vmem>>)
        tpu.yield
      }) : () -> ()
      %get3A = arith.constant 0 : index
      %get3A_34 = tpu.vector_load %arg7[%get3A] {strides = array<i32>} : memref<128xi32, #tpu.memory_space<vmem>>, vector<16xi32>,
      tpu.vector_store_idx %arg8[%get3A_34], %broadcast_in_dim3A_22 {add = true} : memref<10112xf32, #tpu.memory_space<vmem>>[vector<16xi32>], vector<16xf32>,
      %get3A_35 = arith.constant 0 : index
      %get3A_36 = tpu.vector_load %arg6[%get3A_35] {strides = array<i32>} : memref<128xi32, #tpu.memory_space<vmem>>, vector<16xi32>,
      tpu.vector_store_idx %arg9[%get3A_36], %broadcast_in_dim3A_22 {add = true} : memref<10112xf32, #tpu.memory_space<vmem>>[vector<16xi32>], vector<16xf32>,
      %get3A_37 = arith.constant 16 : index
      %get3A_38 = tpu.vector_load %arg7[%get3A_37] {strides = array<i32>} : memref<128xi32, #tpu.memory_space<vmem>>, vector<16xi32>,
      tpu.vector_store_idx %arg8[%get3A_38], %broadcast_in_dim3A_22 {add = true} : memref<10112xf32, #tpu.memory_space<vmem>>[vector<16xi32>], vector<16xf32>,
      %get3A_39 = arith.constant 16 : index
      %get3A_40 = tpu.vector_load %arg6[%get3A_39] {strides = array<i32>} : memref<128xi32, #tpu.memory_space<vmem>>, vector<16xi32>,
      tpu.vector_store_idx %arg9[%get3A_40], %broadcast_in_dim3A_22 {add = true} : memref<10112xf32, #tpu.memory_space<vmem>>[vector<16xi32>], vector<16xf32>,
      %get3A_41 = arith.constant 32 : index
      %get3A_42 = tpu.vector_load %arg7[%get3A_41] {strides = array<i32>} : memref<128xi32, #tpu.memory_space<vmem>>, vector<16xi32>,
      tpu.vector_store_idx %arg8[%get3A_42], %broadcast_in_dim3A_22 {add = true} : memref<10112xf32, #tpu.memory_space<vmem>>[vector<16xi32>], vector<16xf32>,
      %get3A_43 = arith.constant 32 : index
      %get3A_44 = tpu.vector_load %arg6[%get3A_43] {strides = array<i32>} : memref<128xi32, #tpu.memory_space<vmem>>, vector<16xi32>,
      tpu.vector_store_idx %arg9[%get3A_44], %broadcast_in_dim3A_22 {add = true} : memref<10112xf32, #tpu.memory_space<vmem>>[vector<16xi32>], vector<16xf32>,
      %get3A_45 = arith.constant 48 : index
      %get3A_46 = tpu.vector_load %arg7[%get3A_45] {strides = array<i32>} : memref<128xi32, #tpu.memory_space<vmem>>, vector<16xi32>,
      tpu.vector_store_idx %arg8[%get3A_46], %broadcast_in_dim3A_22 {add = true} : memref<10112xf32, #tpu.memory_space<vmem>>[vector<16xi32>], vector<16xf32>,
      %get3A_47 = arith.constant 48 : index
      %get3A_48 = tpu.vector_load %arg6[%get3A_47] {strides = array<i32>} : memref<128xi32, #tpu.memory_space<vmem>>, vector<16xi32>,
      tpu.vector_store_idx %arg9[%get3A_48], %broadcast_in_dim3A_22 {add = true} : memref<10112xf32, #tpu.memory_space<vmem>>[vector<16xi32>], vector<16xf32>,
      %get3A_49 = arith.constant 64 : index
      %get3A_50 = tpu.vector_load %arg7[%get3A_49] {strides = array<i32>} : memref<128xi32, #tpu.memory_space<vmem>>, vector<16xi32>,
      tpu.vector_store_idx %arg8[%get3A_50], %broadcast_in_dim3A_22 {add = true} : memref<10112xf32, #tpu.memory_space<vmem>>[vector<16xi32>], vector<16xf32>,
      %get3A_51 = arith.constant 64 : index
      %get3A_52 = tpu.vector_load %arg6[%get3A_51] {strides = array<i32>} : memref<128xi32, #tpu.memory_space<vmem>>, vector<16xi32>,
      tpu.vector_store_idx %arg9[%get3A_52], %broadcast_in_dim3A_22 {add = true} : memref<10112xf32, #tpu.memory_space<vmem>>[vector<16xi32>], vector<16xf32>,
      %get3A_53 = arith.constant 80 : index
      %get3A_54 = tpu.vector_load %arg7[%get3A_53] {strides = array<i32>} : memref<128xi32, #tpu.memory_space<vmem>>, vector<16xi32>,
      tpu.vector_store_idx %arg8[%get3A_54], %broadcast_in_dim3A_22 {add = true} : memref<10112xf32, #tpu.memory_space<vmem>>[vector<16xi32>], vector<16xf32>,
      %get3A_55 = arith.constant 80 : index
      %get3A_56 = tpu.vector_load %arg6[%get3A_55] {strides = array<i32>} : memref<128xi32, #tpu.memory_space<vmem>>, vector<16xi32>,
      tpu.vector_store_idx %arg9[%get3A_56], %broadcast_in_dim3A_22 {add = true} : memref<10112xf32, #tpu.memory_space<vmem>>[vector<16xi32>], vector<16xf32>,
      %get3A_57 = arith.constant 96 : index
      %get3A_58 = tpu.vector_load %arg7[%get3A_57] {strides = array<i32>} : memref<128xi32, #tpu.memory_space<vmem>>, vector<16xi32>,
      tpu.vector_store_idx %arg8[%get3A_58], %broadcast_in_dim3A_22 {add = true} : memref<10112xf32, #tpu.memory_space<vmem>>[vector<16xi32>], vector<16xf32>,
      %get3A_59 = arith.constant 96 : index
      %get3A_60 = tpu.vector_load %arg6[%get3A_59] {strides = array<i32>} : memref<128xi32, #tpu.memory_space<vmem>>, vector<16xi32>,
      tpu.vector_store_idx %arg9[%get3A_60], %broadcast_in_dim3A_22 {add = true} : memref<10112xf32, #tpu.memory_space<vmem>>[vector<16xi32>], vector<16xf32>,
      %get3A_61 = arith.constant 112 : index
      %get3A_62 = tpu.vector_load %arg7[%get3A_61] {strides = array<i32>} : memref<128xi32, #tpu.memory_space<vmem>>, vector<16xi32>,
      tpu.vector_store_idx %arg8[%get3A_62], %broadcast_in_dim3A_22 {add = true} : memref<10112xf32, #tpu.memory_space<vmem>>[vector<16xi32>], vector<16xf32>,
      %get3A_63 = arith.constant 112 : index
      %get3A_64 = tpu.vector_load %arg6[%get3A_63] {strides = array<i32>} : memref<128xi32, #tpu.memory_space<vmem>>, vector<16xi32>,
      tpu.vector_store_idx %arg9[%get3A_64], %broadcast_in_dim3A_22 {add = true} : memref<10112xf32, #tpu.memory_space<vmem>>[vector<16xi32>], vector<16xf32>,
    }
    %while3A_31 = arith.constant 1 : i32
    scf.for %while3A_32 = %while3A_29 to %while3A_25 step %while3A_31  : i32 {
      %add3A_33 = arith.addi %add3A_16, %while3A_32 : i32
      "tpu.region"() ({
        %run_scoped3A = tpu.sem_alloc : memref<!tpu.dma_semaphore, #tpu.memory_space<semaphore_mem>>
        %dma_start3A = arith.constant 0 : i32
        %dma_start3A_65 = tpu.memref_slice %arg2[%add3A_33, %dma_start3A] : memref<2500x128xi32, #tpu.memory_space<hbm>> -> memref<1x128xi32, #tpu.memory_space<hbm>>
        %dma_start3A_66 = tpu.memref_squeeze %dma_start3A_65 : memref<1x128xi32, #tpu.memory_space<hbm>> -> memref<128xi32, #tpu.memory_space<hbm>>
        %dma_start3A_67 = arith.constant 0 : i32
        %dma_start3A_68 = tpu.memref_slice %arg2[%add3A_33, %dma_start3A_67] : memref<2500x128xi32, #tpu.memory_space<hbm>> -> memref<1x128xi32, #tpu.memory_space<hbm>>
        %dma_start3A_69 = tpu.memref_squeeze %dma_start3A_68 : memref<1x128xi32, #tpu.memory_space<hbm>> -> memref<128xi32, #tpu.memory_space<hbm>>
        tpu.enqueue_dma source(%dma_start3A_69 : memref<128xi32, #tpu.memory_space<hbm>>) target(%arg6 : memref<128xi32, #tpu.memory_space<vmem>>) target_semaphore(%run_scoped3A : memref<!tpu.dma_semaphore, #tpu.memory_space<semaphore_mem>>)
        %dma_wait3A = arith.constant 0 : i32
        %dma_wait3A_70 = tpu.memref_slice %arg2[%add3A_33, %dma_wait3A] : memref<2500x128xi32, #tpu.memory_space<hbm>> -> memref<1x128xi32, #tpu.memory_space<hbm>>
        %dma_wait3A_71 = tpu.memref_squeeze %dma_wait3A_70 : memref<1x128xi32, #tpu.memory_space<hbm>> -> memref<128xi32, #tpu.memory_space<hbm>>
        %dma_wait3A_72 = arith.constant 0 : i32
        %dma_wait3A_73 = tpu.memref_slice %arg2[%add3A_33, %dma_wait3A_72] : memref<2500x128xi32, #tpu.memory_space<hbm>> -> memref<1x128xi32, #tpu.memory_space<hbm>>
        %dma_wait3A_74 = tpu.memref_squeeze %dma_wait3A_73 : memref<1x128xi32, #tpu.memory_space<hbm>> -> memref<128xi32, #tpu.memory_space<hbm>>
        tpu.wait_dma2 semaphore(%run_scoped3A : memref<!tpu.dma_semaphore, #tpu.memory_space<semaphore_mem>>) src(%dma_wait3A_74 : memref<128xi32, #tpu.memory_space<hbm>>) dst(%arg6 : memref<128xi32, #tpu.memory_space<vmem>>)
        tpu.yield
      }) : () -> ()
      "tpu.region"() ({
        %run_scoped3A = tpu.sem_alloc : memref<!tpu.dma_semaphore, #tpu.memory_space<semaphore_mem>>
        %dma_start3A = arith.constant 0 : i32
        %dma_start3A_65 = tpu.memref_slice %arg3[%add3A_33, %dma_start3A] : memref<2500x128xi32, #tpu.memory_space<hbm>> -> memref<1x128xi32, #tpu.memory_space<hbm>>
        %dma_start3A_66 = tpu.memref_squeeze %dma_start3A_65 : memref<1x128xi32, #tpu.memory_space<hbm>> -> memref<128xi32, #tpu.memory_space<hbm>>
        %dma_start3A_67 = arith.constant 0 : i32
        %dma_start3A_68 = tpu.memref_slice %arg3[%add3A_33, %dma_start3A_67] : memref<2500x128xi32, #tpu.memory_space<hbm>> -> memref<1x128xi32, #tpu.memory_space<hbm>>
        %dma_start3A_69 = tpu.memref_squeeze %dma_start3A_68 : memref<1x128xi32, #tpu.memory_space<hbm>> -> memref<128xi32, #tpu.memory_space<hbm>>
        tpu.enqueue_dma source(%dma_start3A_69 : memref<128xi32, #tpu.memory_space<hbm>>) target(%arg7 : memref<128xi32, #tpu.memory_space<vmem>>) target_semaphore(%run_scoped3A : memref<!tpu.dma_semaphore, #tpu.memory_space<semaphore_mem>>)
        %dma_wait3A = arith.constant 0 : i32
        %dma_wait3A_70 = tpu.memref_slice %arg3[%add3A_33, %dma_wait3A] : memref<2500x128xi32, #tpu.memory_space<hbm>> -> memref<1x128xi32, #tpu.memory_space<hbm>>
        %dma_wait3A_71 = tpu.memref_squeeze %dma_wait3A_70 : memref<1x128xi32, #tpu.memory_space<hbm>> -> memref<128xi32, #tpu.memory_space<hbm>>
        %dma_wait3A_72 = arith.constant 0 : i32
        %dma_wait3A_73 = tpu.memref_slice %arg3[%add3A_33, %dma_wait3A_72] : memref<2500x128xi32, #tpu.memory_space<hbm>> -> memref<1x128xi32, #tpu.memory_space<hbm>>
        %dma_wait3A_74 = tpu.memref_squeeze %dma_wait3A_73 : memref<1x128xi32, #tpu.memory_space<hbm>> -> memref<128xi32, #tpu.memory_space<hbm>>
        tpu.wait_dma2 semaphore(%run_scoped3A : memref<!tpu.dma_semaphore, #tpu.memory_space<semaphore_mem>>) src(%dma_wait3A_74 : memref<128xi32, #tpu.memory_space<hbm>>) dst(%arg7 : memref<128xi32, #tpu.memory_space<vmem>>)
        tpu.yield
      }) : () -> ()
      %get3A = arith.constant 0 : index
      %get3A_34 = tpu.vector_load %arg7[%get3A] {strides = array<i32>} : memref<128xi32, #tpu.memory_space<vmem>>, vector<16xi32>,
      tpu.vector_store_idx %arg8[%get3A_34], %broadcast_in_dim3A_22 {add = true} : memref<10112xf32, #tpu.memory_space<vmem>>[vector<16xi32>], vector<16xf32>,
      %get3A_35 = arith.constant 0 : index
      %get3A_36 = tpu.vector_load %arg6[%get3A_35] {strides = array<i32>} : memref<128xi32, #tpu.memory_space<vmem>>, vector<16xi32>,
      tpu.vector_store_idx %arg9[%get3A_36], %broadcast_in_dim3A_22 {add = true} : memref<10112xf32, #tpu.memory_space<vmem>>[vector<16xi32>], vector<16xf32>,
      %get3A_37 = arith.constant 16 : index
      %get3A_38 = tpu.vector_load %arg7[%get3A_37] {strides = array<i32>} : memref<128xi32, #tpu.memory_space<vmem>>, vector<16xi32>,
      tpu.vector_store_idx %arg8[%get3A_38], %broadcast_in_dim3A_22 {add = true} : memref<10112xf32, #tpu.memory_space<vmem>>[vector<16xi32>], vector<16xf32>,
      %get3A_39 = arith.constant 16 : index
      %get3A_40 = tpu.vector_load %arg6[%get3A_39] {strides = array<i32>} : memref<128xi32, #tpu.memory_space<vmem>>, vector<16xi32>,
      tpu.vector_store_idx %arg9[%get3A_40], %broadcast_in_dim3A_22 {add = true} : memref<10112xf32, #tpu.memory_space<vmem>>[vector<16xi32>], vector<16xf32>,
      %get3A_41 = arith.constant 32 : index
      %get3A_42 = tpu.vector_load %arg7[%get3A_41] {strides = array<i32>} : memref<128xi32, #tpu.memory_space<vmem>>, vector<16xi32>,
      tpu.vector_store_idx %arg8[%get3A_42], %broadcast_in_dim3A_22 {add = true} : memref<10112xf32, #tpu.memory_space<vmem>>[vector<16xi32>], vector<16xf32>,
      %get3A_43 = arith.constant 32 : index
      %get3A_44 = tpu.vector_load %arg6[%get3A_43] {strides = array<i32>} : memref<128xi32, #tpu.memory_space<vmem>>, vector<16xi32>,
      tpu.vector_store_idx %arg9[%get3A_44], %broadcast_in_dim3A_22 {add = true} : memref<10112xf32, #tpu.memory_space<vmem>>[vector<16xi32>], vector<16xf32>,
      %get3A_45 = arith.constant 48 : index
      %get3A_46 = tpu.vector_load %arg7[%get3A_45] {strides = array<i32>} : memref<128xi32, #tpu.memory_space<vmem>>, vector<16xi32>,
      tpu.vector_store_idx %arg8[%get3A_46], %broadcast_in_dim3A_22 {add = true} : memref<10112xf32, #tpu.memory_space<vmem>>[vector<16xi32>], vector<16xf32>,
      %get3A_47 = arith.constant 48 : index
      %get3A_48 = tpu.vector_load %arg6[%get3A_47] {strides = array<i32>} : memref<128xi32, #tpu.memory_space<vmem>>, vector<16xi32>,
      tpu.vector_store_idx %arg9[%get3A_48], %broadcast_in_dim3A_22 {add = true} : memref<10112xf32, #tpu.memory_space<vmem>>[vector<16xi32>], vector<16xf32>,
      %get3A_49 = arith.constant 64 : index
      %get3A_50 = tpu.vector_load %arg7[%get3A_49] {strides = array<i32>} : memref<128xi32, #tpu.memory_space<vmem>>, vector<16xi32>,
      tpu.vector_store_idx %arg8[%get3A_50], %broadcast_in_dim3A_22 {add = true} : memref<10112xf32, #tpu.memory_space<vmem>>[vector<16xi32>], vector<16xf32>,
      %get3A_51 = arith.constant 64 : index
      %get3A_52 = tpu.vector_load %arg6[%get3A_51] {strides = array<i32>} : memref<128xi32, #tpu.memory_space<vmem>>, vector<16xi32>,
      tpu.vector_store_idx %arg9[%get3A_52], %broadcast_in_dim3A_22 {add = true} : memref<10112xf32, #tpu.memory_space<vmem>>[vector<16xi32>], vector<16xf32>,
      %get3A_53 = arith.constant 80 : index
      %get3A_54 = tpu.vector_load %arg7[%get3A_53] {strides = array<i32>} : memref<128xi32, #tpu.memory_space<vmem>>, vector<16xi32>,
      tpu.vector_store_idx %arg8[%get3A_54], %broadcast_in_dim3A_22 {add = true} : memref<10112xf32, #tpu.memory_space<vmem>>[vector<16xi32>], vector<16xf32>,
      %get3A_55 = arith.constant 80 : index
      %get3A_56 = tpu.vector_load %arg6[%get3A_55] {strides = array<i32>} : memref<128xi32, #tpu.memory_space<vmem>>, vector<16xi32>,
      tpu.vector_store_idx %arg9[%get3A_56], %broadcast_in_dim3A_22 {add = true} : memref<10112xf32, #tpu.memory_space<vmem>>[vector<16xi32>], vector<16xf32>,
      %get3A_57 = arith.constant 96 : index
      %get3A_58 = tpu.vector_load %arg7[%get3A_57] {strides = array<i32>} : memref<128xi32, #tpu.memory_space<vmem>>, vector<16xi32>,
      tpu.vector_store_idx %arg8[%get3A_58], %broadcast_in_dim3A_22 {add = true} : memref<10112xf32, #tpu.memory_space<vmem>>[vector<16xi32>], vector<16xf32>,
      %get3A_59 = arith.constant 96 : index
      %get3A_60 = tpu.vector_load %arg6[%get3A_59] {strides = array<i32>} : memref<128xi32, #tpu.memory_space<vmem>>, vector<16xi32>,
      tpu.vector_store_idx %arg9[%get3A_60], %broadcast_in_dim3A_22 {add = true} : memref<10112xf32, #tpu.memory_space<vmem>>[vector<16xi32>], vector<16xf32>,
      %get3A_61 = arith.constant 112 : index
      %get3A_62 = tpu.vector_load %arg7[%get3A_61] {strides = array<i32>} : memref<128xi32, #tpu.memory_space<vmem>>, vector<16xi32>,
      tpu.vector_store_idx %arg8[%get3A_62], %broadcast_in_dim3A_22 {add = true} : memref<10112xf32, #tpu.memory_space<vmem>>[vector<16xi32>], vector<16xf32>,
      %get3A_63 = arith.constant 112 : index
      %get3A_64 = tpu.vector_load %arg6[%get3A_63] {strides = array<i32>} : memref<128xi32, #tpu.memory_space<vmem>>, vector<16xi32>,
      tpu.vector_store_idx %arg9[%get3A_64], %broadcast_in_dim3A_22 {add = true} : memref<10112xf32, #tpu.memory_space<vmem>>[vector<16xi32>], vector<16xf32>,
    }
    "tpu.region"() ({
      %run_scoped3A = tpu.sem_alloc : memref<!tpu.dma_semaphore, #tpu.memory_space<semaphore_mem>>
      %dma_start3A = arith.constant 0 : i32
      %dma_start3A_32 = tpu.memref_slice %arg4[%arg0, %arg1, %dma_start3A] : memref<2x16x10112xf32, #tpu.memory_space<hbm>> -> memref<1x1x10112xf32, #tpu.memory_space<hbm>>
      %dma_start3A_33 = tpu.memref_squeeze %dma_start3A_32 : memref<1x1x10112xf32, #tpu.memory_space<hbm>> -> memref<10112xf32, #tpu.memory_space<hbm>>
      %dma_start3A_34 = arith.constant 0 : i32
      %dma_start3A_35 = tpu.memref_slice %arg4[%arg0, %arg1, %dma_start3A_34] : memref<2x16x10112xf32, #tpu.memory_space<hbm>> -> memref<1x1x10112xf32, #tpu.memory_space<hbm>>
      %dma_start3A_36 = tpu.memref_squeeze %dma_start3A_35 : memref<1x1x10112xf32, #tpu.memory_space<hbm>> -> memref<10112xf32, #tpu.memory_space<hbm>>
      tpu.enqueue_dma source(%arg8 : memref<10112xf32, #tpu.memory_space<vmem>>) target(%dma_start3A_36 : memref<10112xf32, #tpu.memory_space<hbm>>) target_semaphore(%run_scoped3A : memref<!tpu.dma_semaphore, #tpu.memory_space<semaphore_mem>>)
      %dma_wait3A = arith.constant 0 : i32
      %dma_wait3A_37 = tpu.memref_slice %arg4[%arg0, %arg1, %dma_wait3A] : memref<2x16x10112xf32, #tpu.memory_space<hbm>> -> memref<1x1x10112xf32, #tpu.memory_space<hbm>>
      %dma_wait3A_38 = tpu.memref_squeeze %dma_wait3A_37 : memref<1x1x10112xf32, #tpu.memory_space<hbm>> -> memref<10112xf32, #tpu.memory_space<hbm>>
      %dma_wait3A_39 = arith.constant 0 : i32
      %dma_wait3A_40 = tpu.memref_slice %arg4[%arg0, %arg1, %dma_wait3A_39] : memref<2x16x10112xf32, #tpu.memory_space<hbm>> -> memref<1x1x10112xf32, #tpu.memory_space<hbm>>
      %dma_wait3A_41 = tpu.memref_squeeze %dma_wait3A_40 : memref<1x1x10112xf32, #tpu.memory_space<hbm>> -> memref<10112xf32, #tpu.memory_space<hbm>>
      tpu.wait_dma2 semaphore(%run_scoped3A : memref<!tpu.dma_semaphore, #tpu.memory_space<semaphore_mem>>) src(%arg8 : memref<10112xf32, #tpu.memory_space<vmem>>) dst(%dma_wait3A_41 : memref<10112xf32, #tpu.memory_space<hbm>>)
      tpu.yield
    }) : () -> ()
    "tpu.region"() ({
      %run_scoped3A = tpu.sem_alloc : memref<!tpu.dma_semaphore, #tpu.memory_space<semaphore_mem>>
      %dma_start3A = arith.constant 0 : i32
      %dma_start3A_32 = tpu.memref_slice %arg5[%arg0, %arg1, %dma_start3A] : memref<2x16x10112xf32, #tpu.memory_space<hbm>> -> memref<1x1x10112xf32, #tpu.memory_space<hbm>>
      %dma_start3A_33 = tpu.memref_squeeze %dma_start3A_32 : memref<1x1x10112xf32, #tpu.memory_space<hbm>> -> memref<10112xf32, #tpu.memory_space<hbm>>
      %dma_start3A_34 = arith.constant 0 : i32
      %dma_start3A_35 = tpu.memref_slice %arg5[%arg0, %arg1, %dma_start3A_34] : memref<2x16x10112xf32, #tpu.memory_space<hbm>> -> memref<1x1x10112xf32, #tpu.memory_space<hbm>>
      %dma_start3A_36 = tpu.memref_squeeze %dma_start3A_35 : memref<1x1x10112xf32, #tpu.memory_space<hbm>> -> memref<10112xf32, #tpu.memory_space<hbm>>
      tpu.enqueue_dma source(%arg9 : memref<10112xf32, #tpu.memory_space<vmem>>) target(%dma_start3A_36 : memref<10112xf32, #tpu.memory_space<hbm>>) target_semaphore(%run_scoped3A : memref<!tpu.dma_semaphore, #tpu.memory_space<semaphore_mem>>)
      %dma_wait3A = arith.constant 0 : i32
      %dma_wait3A_37 = tpu.memref_slice %arg5[%arg0, %arg1, %dma_wait3A] : memref<2x16x10112xf32, #tpu.memory_space<hbm>> -> memref<1x1x10112xf32, #tpu.memory_space<hbm>>
      %dma_wait3A_38 = tpu.memref_squeeze %dma_wait3A_37 : memref<1x1x10112xf32, #tpu.memory_space<hbm>> -> memref<10112xf32, #tpu.memory_space<hbm>>
      %dma_wait3A_39 = arith.constant 0 : i32
      %dma_wait3A_40 = tpu.memref_slice %arg5[%arg0, %arg1, %dma_wait3A_39] : memref<2x16x10112xf32, #tpu.memory_space<hbm>> -> memref<1x1x10112xf32, #tpu.memory_space<hbm>>
      %dma_wait3A_41 = tpu.memref_squeeze %dma_wait3A_40 : memref<1x1x10112xf32, #tpu.memory_space<hbm>> -> memref<10112xf32, #tpu.memory_space<hbm>>
      tpu.wait_dma2 semaphore(%run_scoped3A : memref<!tpu.dma_semaphore, #tpu.memory_space<semaphore_mem>>) src(%arg9 : memref<10112xf32, #tpu.memory_space<vmem>>) dst(%dma_wait3A_41 : memref<10112xf32, #tpu.memory_space<hbm>>)
      tpu.yield
    }) : () -> ()
    return
  }
}

#map = affine_map<(d0, d1) -> (0, 0)>
#map1 = affine_map<(d0, d1) -> (0, 0, 0)>
module attributes {stable_mosaic.version = 14 : i64} {
  func.func @sc_edge(%arg0: i32, %arg1: i32, %arg2: memref<320000x128xf32, #tpu.memory_space<hbm>>, %arg3: memref<10000x128xf32, #tpu.memory_space<hbm>>, %arg4: memref<2500x128xi32, #tpu.memory_space<hbm>>, %arg5: memref<2500x128xi32, #tpu.memory_space<hbm>>, %arg6: memref<632x128xf32, #tpu.memory_space<hbm>>, %arg7: memref<320000x128xf32, #tpu.memory_space<hbm>>, %arg8: memref<2x10112x128xf32, #tpu.memory_space<hbm>>, %arg9: memref<128xi32, #tpu.memory_space<vmem>>, %arg10: memref<1x128xi32, #tpu.memory_space<vmem>>, %arg11: memref<128x128xf32, #tpu.memory_space<vmem>>, %arg12: memref<128x128xf32, #tpu.memory_space<vmem>>, %arg13: memref<10112x128xf32, #tpu.memory_space<vmem_shared>>, %arg14: memref<!tpu.dma_semaphore, #tpu.memory_space<semaphore_mem>>, %arg15: memref<!tpu.dma_semaphore, #tpu.memory_space<semaphore_mem>>, %arg16: memref<!tpu.dma_semaphore, #tpu.memory_space<semaphore_mem>>, %arg17: memref<!tpu.dma_semaphore, #tpu.memory_space<semaphore_mem>>) attributes {dimension_semantics = [#tpu.dimension_semantics<core_parallel>, #tpu.dimension_semantics<subcore_parallel>], iteration_bounds = array<i64: 2, 16>, scalar_prefetch = 0 : i64, scratch_operands = 9 : i64, tpu.core_type = #tpu.core_type<sc_vector_subcore>, window_params = [{transform_indices = #map}, {transform_indices = #map}, {transform_indices = #map}, {transform_indices = #map}, {transform_indices = #map}, {transform_indices = #map}, {transform_indices = #map1}]} {
    %mul3A = arith.constant 2 : i32
    %mul3A_0 = arith.muli %arg1, %mul3A : i32
    %add3A = arith.addi %mul3A_0, %arg0 : i32
    %mul3A_1 = arith.constant 632 : i32
    %mul3A_2 = arith.muli %arg1, %mul3A_1 : i32
    "tpu.region"() ({
      %run_scoped3A = tpu.sem_alloc : memref<!tpu.dma_semaphore, #tpu.memory_space<semaphore_mem>>
      %dma_start3A = arith.constant 0 : i32
      %dma_start3A_21 = tpu.memref_slice %arg13[%mul3A_2, %dma_start3A] : memref<10112x128xf32, #tpu.memory_space<vmem_shared>> -> memref<632x128xf32, #tpu.memory_space<vmem_shared>>
      tpu.enqueue_dma source(%arg6 : memref<632x128xf32, #tpu.memory_space<hbm>>) target(%dma_start3A_21 : memref<632x128xf32, #tpu.memory_space<vmem_shared>>) target_semaphore(%run_scoped3A : memref<!tpu.dma_semaphore, #tpu.memory_space<semaphore_mem>>)
      %dma_wait3A = arith.constant 0 : i32
      %dma_wait3A_22 = tpu.memref_slice %arg13[%mul3A_2, %dma_wait3A] : memref<10112x128xf32, #tpu.memory_space<vmem_shared>> -> memref<632x128xf32, #tpu.memory_space<vmem_shared>>
      tpu.wait_dma2 semaphore(%run_scoped3A : memref<!tpu.dma_semaphore, #tpu.memory_space<semaphore_mem>>) src(%arg6 : memref<632x128xf32, #tpu.memory_space<hbm>>) dst(%dma_wait3A_22 : memref<632x128xf32, #tpu.memory_space<vmem_shared>>)
      tpu.yield
    }) : () -> ()
    %barrier3A = arith.constant 0 : index
    tpu.barrier barrier_id(%barrier3A)
    %mul3A_3 = arith.constant 78 : i32
    %mul3A_4 = arith.muli %add3A, %mul3A_3 : i32
    %min3A = arith.constant 4 : i32
    %min3A_5 = arith.minsi %add3A, %min3A : i32
    %add3A_6 = arith.addi %mul3A_4, %min3A_5 : i32
    %lt3A = arith.constant 4 : i32
    %lt3A_7 = arith.cmpi slt, %add3A, %lt3A : i32
    %jit3A = arith.constant 1 : i32
    %jit3A_8 = arith.constant 0 : i32
    %select_n3A = arith.select %lt3A_7, %jit3A, %jit3A_8 : i32
    %add3A_9 = arith.constant 78 : i32
    %add3A_10 = arith.addi %add3A_9, %select_n3A : i32
    %while3A = arith.constant 0 : i32
    %while3A_11 = arith.constant 0 : i32
    %while3A_12 = arith.subi %add3A_10, %while3A_11 : i32
    %while3A_13 = arith.addi %while3A_11, %while3A_12 : i32
    %while3A_14 = arith.constant 1 : i32
    %while3A_15 = arith.divsi %while3A_12, %while3A_14 : i32
    %while3A_16 = arith.muli %while3A_15, %while3A_14 : i32
    %while3A_17 = arith.addi %while3A_11, %while3A_16 : i32
    %while3A_18 = arith.constant 1 : i32
    scf.for %while3A_21 = %while3A_11 to %while3A_17 step %while3A_18  : i32 {
      %add3A_22 = arith.addi %add3A_6, %while3A_21 : i32
      "tpu.region"() ({
        %run_scoped3A_66 = tpu.sem_alloc : memref<!tpu.dma_semaphore, #tpu.memory_space<semaphore_mem>>
        %dma_start3A_67 = arith.constant 0 : i32
        %dma_start3A_68 = tpu.memref_slice %arg4[%add3A_22, %dma_start3A_67] : memref<2500x128xi32, #tpu.memory_space<hbm>> -> memref<1x128xi32, #tpu.memory_space<hbm>>
        %dma_start3A_69 = tpu.memref_squeeze %dma_start3A_68 : memref<1x128xi32, #tpu.memory_space<hbm>> -> memref<128xi32, #tpu.memory_space<hbm>>
        %dma_start3A_70 = arith.constant 0 : i32
        %dma_start3A_71 = tpu.memref_slice %arg4[%add3A_22, %dma_start3A_70] : memref<2500x128xi32, #tpu.memory_space<hbm>> -> memref<1x128xi32, #tpu.memory_space<hbm>>
        %dma_start3A_72 = tpu.memref_squeeze %dma_start3A_71 : memref<1x128xi32, #tpu.memory_space<hbm>> -> memref<128xi32, #tpu.memory_space<hbm>>
        tpu.enqueue_dma source(%dma_start3A_72 : memref<128xi32, #tpu.memory_space<hbm>>) target(%arg9 : memref<128xi32, #tpu.memory_space<vmem>>) target_semaphore(%run_scoped3A_66 : memref<!tpu.dma_semaphore, #tpu.memory_space<semaphore_mem>>)
        %dma_wait3A_73 = arith.constant 0 : i32
        %dma_wait3A_74 = tpu.memref_slice %arg4[%add3A_22, %dma_wait3A_73] : memref<2500x128xi32, #tpu.memory_space<hbm>> -> memref<1x128xi32, #tpu.memory_space<hbm>>
        %dma_wait3A_75 = tpu.memref_squeeze %dma_wait3A_74 : memref<1x128xi32, #tpu.memory_space<hbm>> -> memref<128xi32, #tpu.memory_space<hbm>>
        %dma_wait3A_76 = arith.constant 0 : i32
        %dma_wait3A_77 = tpu.memref_slice %arg4[%add3A_22, %dma_wait3A_76] : memref<2500x128xi32, #tpu.memory_space<hbm>> -> memref<1x128xi32, #tpu.memory_space<hbm>>
        %dma_wait3A_78 = tpu.memref_squeeze %dma_wait3A_77 : memref<1x128xi32, #tpu.memory_space<hbm>> -> memref<128xi32, #tpu.memory_space<hbm>>
        tpu.wait_dma2 semaphore(%run_scoped3A_66 : memref<!tpu.dma_semaphore, #tpu.memory_space<semaphore_mem>>) src(%dma_wait3A_78 : memref<128xi32, #tpu.memory_space<hbm>>) dst(%arg9 : memref<128xi32, #tpu.memory_space<vmem>>)
        tpu.yield
      }) : () -> ()
      %mul3A_23 = arith.constant 128 : i32
      %mul3A_24 = arith.muli %add3A_22, %mul3A_23 : i32
      %dma_start3A = arith.constant 0 : i32
      %dma_start3A_25 = tpu.memref_slice %arg2[%mul3A_24, %dma_start3A] : memref<320000x128xf32, #tpu.memory_space<hbm>> -> memref<128x128xf32, #tpu.memory_space<hbm>>
      %dma_start3A_26 = arith.constant 0 : i32
      %dma_start3A_27 = tpu.memref_slice %arg2[%mul3A_24, %dma_start3A_26] : memref<320000x128xf32, #tpu.memory_space<hbm>> -> memref<128x128xf32, #tpu.memory_space<hbm>>
      tpu.enqueue_dma source(%dma_start3A_27 : memref<128x128xf32, #tpu.memory_space<hbm>>) target(%arg11 : memref<128x128xf32, #tpu.memory_space<vmem>>) target_semaphore(%arg14 : memref<!tpu.dma_semaphore, #tpu.memory_space<semaphore_mem>>)
      %dma_start3A_28 = arith.constant 0 : i32
      %dma_start3A_29 = arith.constant 0 : i32
      %dma_start3A_30 = tpu.memref_slice %arg3[%dma_start3A_28, %dma_start3A_29] : memref<10000x128xf32, #tpu.memory_space<hbm>> -> memref<10000x128xf32, #tpu.memory_space<hbm>>
      tpu.enqueue_indirect_dma source(%dma_start3A_30 : memref<10000x128xf32, #tpu.memory_space<hbm>>) target(%arg12 : memref<128x128xf32, #tpu.memory_space<vmem>>) offsets(%arg9 : memref<128xi32, #tpu.memory_space<vmem>>) semaphore(%arg15 : memref<!tpu.dma_semaphore, #tpu.memory_space<semaphore_mem>>)
      %run_scoped3A = arith.constant 0 : i32
      "tpu.region"() ({
        %run_scoped3A_66 = tpu.sem_alloc : memref<!tpu.dma_semaphore, #tpu.memory_space<semaphore_mem>>
        %dma_start3A_67 = arith.constant 0 : i32
        %dma_start3A_68 = tpu.memref_slice %arg10[%run_scoped3A, %dma_start3A_67] : memref<1x128xi32, #tpu.memory_space<vmem>> -> memref<1x128xi32, #tpu.memory_space<vmem>>
        %dma_start3A_69 = tpu.memref_squeeze %dma_start3A_68 : memref<1x128xi32, #tpu.memory_space<vmem>> -> memref<128xi32, #tpu.memory_space<vmem>>
        %dma_start3A_70 = arith.constant 0 : i32
        %dma_start3A_71 = tpu.memref_slice %arg5[%add3A_22, %dma_start3A_70] : memref<2500x128xi32, #tpu.memory_space<hbm>> -> memref<1x128xi32, #tpu.memory_space<hbm>>
        %dma_start3A_72 = tpu.memref_squeeze %dma_start3A_71 : memref<1x128xi32, #tpu.memory_space<hbm>> -> memref<128xi32, #tpu.memory_space<hbm>>
        %dma_start3A_73 = arith.constant 0 : i32
        %dma_start3A_74 = tpu.memref_slice %arg10[%run_scoped3A, %dma_start3A_73] : memref<1x128xi32, #tpu.memory_space<vmem>> -> memref<1x128xi32, #tpu.memory_space<vmem>>
        %dma_start3A_75 = tpu.memref_squeeze %dma_start3A_74 : memref<1x128xi32, #tpu.memory_space<vmem>> -> memref<128xi32, #tpu.memory_space<vmem>>
        %dma_start3A_76 = arith.constant 0 : i32
        %dma_start3A_77 = tpu.memref_slice %arg5[%add3A_22, %dma_start3A_76] : memref<2500x128xi32, #tpu.memory_space<hbm>> -> memref<1x128xi32, #tpu.memory_space<hbm>>
        %dma_start3A_78 = tpu.memref_squeeze %dma_start3A_77 : memref<1x128xi32, #tpu.memory_space<hbm>> -> memref<128xi32, #tpu.memory_space<hbm>>
        tpu.enqueue_dma source(%dma_start3A_78 : memref<128xi32, #tpu.memory_space<hbm>>) target(%dma_start3A_75 : memref<128xi32, #tpu.memory_space<vmem>>) target_semaphore(%run_scoped3A_66 : memref<!tpu.dma_semaphore, #tpu.memory_space<semaphore_mem>>)
        %dma_wait3A_79 = arith.constant 0 : i32
        %dma_wait3A_80 = tpu.memref_slice %arg10[%run_scoped3A, %dma_wait3A_79] : memref<1x128xi32, #tpu.memory_space<vmem>> -> memref<1x128xi32, #tpu.memory_space<vmem>>
        %dma_wait3A_81 = tpu.memref_squeeze %dma_wait3A_80 : memref<1x128xi32, #tpu.memory_space<vmem>> -> memref<128xi32, #tpu.memory_space<vmem>>
        %dma_wait3A_82 = arith.constant 0 : i32
        %dma_wait3A_83 = tpu.memref_slice %arg5[%add3A_22, %dma_wait3A_82] : memref<2500x128xi32, #tpu.memory_space<hbm>> -> memref<1x128xi32, #tpu.memory_space<hbm>>
        %dma_wait3A_84 = tpu.memref_squeeze %dma_wait3A_83 : memref<1x128xi32, #tpu.memory_space<hbm>> -> memref<128xi32, #tpu.memory_space<hbm>>
        %dma_wait3A_85 = arith.constant 0 : i32
        %dma_wait3A_86 = tpu.memref_slice %arg10[%run_scoped3A, %dma_wait3A_85] : memref<1x128xi32, #tpu.memory_space<vmem>> -> memref<1x128xi32, #tpu.memory_space<vmem>>
        %dma_wait3A_87 = tpu.memref_squeeze %dma_wait3A_86 : memref<1x128xi32, #tpu.memory_space<vmem>> -> memref<128xi32, #tpu.memory_space<vmem>>
        %dma_wait3A_88 = arith.constant 0 : i32
        %dma_wait3A_89 = tpu.memref_slice %arg5[%add3A_22, %dma_wait3A_88] : memref<2500x128xi32, #tpu.memory_space<hbm>> -> memref<1x128xi32, #tpu.memory_space<hbm>>
        %dma_wait3A_90 = tpu.memref_squeeze %dma_wait3A_89 : memref<1x128xi32, #tpu.memory_space<hbm>> -> memref<128xi32, #tpu.memory_space<hbm>>
        tpu.wait_dma2 semaphore(%run_scoped3A_66 : memref<!tpu.dma_semaphore, #tpu.memory_space<semaphore_mem>>) src(%dma_wait3A_90 : memref<128xi32, #tpu.memory_space<hbm>>) dst(%dma_wait3A_87 : memref<128xi32, #tpu.memory_space<vmem>>)
        tpu.yield
      }) : () -> ()
      %dma_wait3A = arith.constant 0 : i32
      %dma_wait3A_31 = tpu.memref_slice %arg2[%mul3A_24, %dma_wait3A] : memref<320000x128xf32, #tpu.memory_space<hbm>> -> memref<128x128xf32, #tpu.memory_space<hbm>>
      %dma_wait3A_32 = arith.constant 0 : i32
      %dma_wait3A_33 = tpu.memref_slice %arg2[%mul3A_24, %dma_wait3A_32] : memref<320000x128xf32, #tpu.memory_space<hbm>> -> memref<128x128xf32, #tpu.memory_space<hbm>>
      tpu.wait_dma2 semaphore(%arg14 : memref<!tpu.dma_semaphore, #tpu.memory_space<semaphore_mem>>) src(%dma_wait3A_33 : memref<128x128xf32, #tpu.memory_space<hbm>>) dst(%arg11 : memref<128x128xf32, #tpu.memory_space<vmem>>)
      %dma_wait3A_34 = arith.constant 0 : i32
      %dma_wait3A_35 = arith.constant 0 : i32
      %dma_wait3A_36 = tpu.memref_slice %arg3[%dma_wait3A_34, %dma_wait3A_35] : memref<10000x128xf32, #tpu.memory_space<hbm>> -> memref<10000x128xf32, #tpu.memory_space<hbm>>
      tpu.wait_indirect_dma semaphore(%arg15 : memref<!tpu.dma_semaphore, #tpu.memory_space<semaphore_mem>>) src(%dma_wait3A_36 : memref<10000x128xf32, #tpu.memory_space<hbm>>) dst(%arg12 : memref<128x128xf32, #tpu.memory_space<vmem>>)
      %scan3A = arith.constant 0 : i32
      %scan3A_37 = arith.constant 0 : i32
      %scan3A_38 = arith.constant 128 : i32
      %scan3A_39 = arith.addi %scan3A_37, %scan3A_38 : i32
      %scan3A_40 = arith.constant 1 : i32
      scf.for %scan3A_66 = %scan3A_37 to %scan3A_39 step %scan3A_40  : i32 {
        %get3A = arith.index_cast %scan3A_66 : i32 to index
        %get3A_67 = arith.constant 0 : index
        %get3A_68 = tpu.vector_load %arg11[%get3A, %get3A_67] {strides = array<i32>} : memref<128x128xf32, #tpu.memory_space<vmem>>, vector<1x16xf32>,
        %get3A_69 = vector.shape_cast %get3A_68 : vector<1x16xf32> to vector<16xf32>
        %get3A_70 = arith.index_cast %scan3A_66 : i32 to index
        %get3A_71 = arith.constant 0 : index
        %get3A_72 = tpu.vector_load %arg12[%get3A_70, %get3A_71] {strides = array<i32>} : memref<128x128xf32, #tpu.memory_space<vmem>>, vector<1x16xf32>,
        %get3A_73 = vector.shape_cast %get3A_72 : vector<1x16xf32> to vector<16xf32>
        %add3A_74 = arith.addf %get3A_69, %get3A_73 : vector<16xf32>
        %swap3A = arith.index_cast %scan3A_66 : i32 to index
        %swap3A_75 = arith.constant 0 : index
        %swap3A_76 = tpu.vector_load %arg11[%swap3A, %swap3A_75] {strides = array<i32>} : memref<128x128xf32, #tpu.memory_space<vmem>>, vector<1x16xf32>,
        %swap3A_77 = vector.shape_cast %swap3A_76 : vector<1x16xf32> to vector<16xf32>
        %swap3A_78 = vector.shape_cast %add3A_74 : vector<16xf32> to vector<1x16xf32>
        tpu.vector_store %arg11[%swap3A, %swap3A_75], %swap3A_78 {strides = array<i32>} : memref<128x128xf32, #tpu.memory_space<vmem>>, vector<1x16xf32>,
        %get3A_79 = arith.index_cast %scan3A_66 : i32 to index
        %get3A_80 = arith.constant 16 : index
        %get3A_81 = tpu.vector_load %arg11[%get3A_79, %get3A_80] {strides = array<i32>} : memref<128x128xf32, #tpu.memory_space<vmem>>, vector<1x16xf32>,
        %get3A_82 = vector.shape_cast %get3A_81 : vector<1x16xf32> to vector<16xf32>
        %get3A_83 = arith.index_cast %scan3A_66 : i32 to index
        %get3A_84 = arith.constant 16 : index
        %get3A_85 = tpu.vector_load %arg12[%get3A_83, %get3A_84] {strides = array<i32>} : memref<128x128xf32, #tpu.memory_space<vmem>>, vector<1x16xf32>,
        %get3A_86 = vector.shape_cast %get3A_85 : vector<1x16xf32> to vector<16xf32>
        %add3A_87 = arith.addf %get3A_82, %get3A_86 : vector<16xf32>
        %swap3A_88 = arith.index_cast %scan3A_66 : i32 to index
        %swap3A_89 = arith.constant 16 : index
        %swap3A_90 = tpu.vector_load %arg11[%swap3A_88, %swap3A_89] {strides = array<i32>} : memref<128x128xf32, #tpu.memory_space<vmem>>, vector<1x16xf32>,
        %swap3A_91 = vector.shape_cast %swap3A_90 : vector<1x16xf32> to vector<16xf32>
        %swap3A_92 = vector.shape_cast %add3A_87 : vector<16xf32> to vector<1x16xf32>
        tpu.vector_store %arg11[%swap3A_88, %swap3A_89], %swap3A_92 {strides = array<i32>} : memref<128x128xf32, #tpu.memory_space<vmem>>, vector<1x16xf32>,
        %get3A_93 = arith.index_cast %scan3A_66 : i32 to index
        %get3A_94 = arith.constant 32 : index
        %get3A_95 = tpu.vector_load %arg11[%get3A_93, %get3A_94] {strides = array<i32>} : memref<128x128xf32, #tpu.memory_space<vmem>>, vector<1x16xf32>,
        %get3A_96 = vector.shape_cast %get3A_95 : vector<1x16xf32> to vector<16xf32>
        %get3A_97 = arith.index_cast %scan3A_66 : i32 to index
        %get3A_98 = arith.constant 32 : index
        %get3A_99 = tpu.vector_load %arg12[%get3A_97, %get3A_98] {strides = array<i32>} : memref<128x128xf32, #tpu.memory_space<vmem>>, vector<1x16xf32>,
        %get3A_100 = vector.shape_cast %get3A_99 : vector<1x16xf32> to vector<16xf32>
        %add3A_101 = arith.addf %get3A_96, %get3A_100 : vector<16xf32>
        %swap3A_102 = arith.index_cast %scan3A_66 : i32 to index
        %swap3A_103 = arith.constant 32 : index
        %swap3A_104 = tpu.vector_load %arg11[%swap3A_102, %swap3A_103] {strides = array<i32>} : memref<128x128xf32, #tpu.memory_space<vmem>>, vector<1x16xf32>,
        %swap3A_105 = vector.shape_cast %swap3A_104 : vector<1x16xf32> to vector<16xf32>
        %swap3A_106 = vector.shape_cast %add3A_101 : vector<16xf32> to vector<1x16xf32>
        tpu.vector_store %arg11[%swap3A_102, %swap3A_103], %swap3A_106 {strides = array<i32>} : memref<128x128xf32, #tpu.memory_space<vmem>>, vector<1x16xf32>,
        %get3A_107 = arith.index_cast %scan3A_66 : i32 to index
        %get3A_108 = arith.constant 48 : index
        %get3A_109 = tpu.vector_load %arg11[%get3A_107, %get3A_108] {strides = array<i32>} : memref<128x128xf32, #tpu.memory_space<vmem>>, vector<1x16xf32>,
        %get3A_110 = vector.shape_cast %get3A_109 : vector<1x16xf32> to vector<16xf32>
        %get3A_111 = arith.index_cast %scan3A_66 : i32 to index
        %get3A_112 = arith.constant 48 : index
        %get3A_113 = tpu.vector_load %arg12[%get3A_111, %get3A_112] {strides = array<i32>} : memref<128x128xf32, #tpu.memory_space<vmem>>, vector<1x16xf32>,
        %get3A_114 = vector.shape_cast %get3A_113 : vector<1x16xf32> to vector<16xf32>
        %add3A_115 = arith.addf %get3A_110, %get3A_114 : vector<16xf32>
        %swap3A_116 = arith.index_cast %scan3A_66 : i32 to index
        %swap3A_117 = arith.constant 48 : index
        %swap3A_118 = tpu.vector_load %arg11[%swap3A_116, %swap3A_117] {strides = array<i32>} : memref<128x128xf32, #tpu.memory_space<vmem>>, vector<1x16xf32>,
        %swap3A_119 = vector.shape_cast %swap3A_118 : vector<1x16xf32> to vector<16xf32>
        %swap3A_120 = vector.shape_cast %add3A_115 : vector<16xf32> to vector<1x16xf32>
        tpu.vector_store %arg11[%swap3A_116, %swap3A_117], %swap3A_120 {strides = array<i32>} : memref<128x128xf32, #tpu.memory_space<vmem>>, vector<1x16xf32>,
        %get3A_121 = arith.index_cast %scan3A_66 : i32 to index
        %get3A_122 = arith.constant 64 : index
        %get3A_123 = tpu.vector_load %arg11[%get3A_121, %get3A_122] {strides = array<i32>} : memref<128x128xf32, #tpu.memory_space<vmem>>, vector<1x16xf32>,
        %get3A_124 = vector.shape_cast %get3A_123 : vector<1x16xf32> to vector<16xf32>
        %get3A_125 = arith.index_cast %scan3A_66 : i32 to index
        %get3A_126 = arith.constant 64 : index
        %get3A_127 = tpu.vector_load %arg12[%get3A_125, %get3A_126] {strides = array<i32>} : memref<128x128xf32, #tpu.memory_space<vmem>>, vector<1x16xf32>,
        %get3A_128 = vector.shape_cast %get3A_127 : vector<1x16xf32> to vector<16xf32>
        %add3A_129 = arith.addf %get3A_124, %get3A_128 : vector<16xf32>
        %swap3A_130 = arith.index_cast %scan3A_66 : i32 to index
        %swap3A_131 = arith.constant 64 : index
        %swap3A_132 = tpu.vector_load %arg11[%swap3A_130, %swap3A_131] {strides = array<i32>} : memref<128x128xf32, #tpu.memory_space<vmem>>, vector<1x16xf32>,
        %swap3A_133 = vector.shape_cast %swap3A_132 : vector<1x16xf32> to vector<16xf32>
        %swap3A_134 = vector.shape_cast %add3A_129 : vector<16xf32> to vector<1x16xf32>
        tpu.vector_store %arg11[%swap3A_130, %swap3A_131], %swap3A_134 {strides = array<i32>} : memref<128x128xf32, #tpu.memory_space<vmem>>, vector<1x16xf32>,
        %get3A_135 = arith.index_cast %scan3A_66 : i32 to index
        %get3A_136 = arith.constant 80 : index
        %get3A_137 = tpu.vector_load %arg11[%get3A_135, %get3A_136] {strides = array<i32>} : memref<128x128xf32, #tpu.memory_space<vmem>>, vector<1x16xf32>,
        %get3A_138 = vector.shape_cast %get3A_137 : vector<1x16xf32> to vector<16xf32>
        %get3A_139 = arith.index_cast %scan3A_66 : i32 to index
        %get3A_140 = arith.constant 80 : index
        %get3A_141 = tpu.vector_load %arg12[%get3A_139, %get3A_140] {strides = array<i32>} : memref<128x128xf32, #tpu.memory_space<vmem>>, vector<1x16xf32>,
        %get3A_142 = vector.shape_cast %get3A_141 : vector<1x16xf32> to vector<16xf32>
        %add3A_143 = arith.addf %get3A_138, %get3A_142 : vector<16xf32>
        %swap3A_144 = arith.index_cast %scan3A_66 : i32 to index
        %swap3A_145 = arith.constant 80 : index
        %swap3A_146 = tpu.vector_load %arg11[%swap3A_144, %swap3A_145] {strides = array<i32>} : memref<128x128xf32, #tpu.memory_space<vmem>>, vector<1x16xf32>,
        %swap3A_147 = vector.shape_cast %swap3A_146 : vector<1x16xf32> to vector<16xf32>
        %swap3A_148 = vector.shape_cast %add3A_143 : vector<16xf32> to vector<1x16xf32>
        tpu.vector_store %arg11[%swap3A_144, %swap3A_145], %swap3A_148 {strides = array<i32>} : memref<128x128xf32, #tpu.memory_space<vmem>>, vector<1x16xf32>,
        %get3A_149 = arith.index_cast %scan3A_66 : i32 to index
        %get3A_150 = arith.constant 96 : index
        %get3A_151 = tpu.vector_load %arg11[%get3A_149, %get3A_150] {strides = array<i32>} : memref<128x128xf32, #tpu.memory_space<vmem>>, vector<1x16xf32>,
        %get3A_152 = vector.shape_cast %get3A_151 : vector<1x16xf32> to vector<16xf32>
        %get3A_153 = arith.index_cast %scan3A_66 : i32 to index
        %get3A_154 = arith.constant 96 : index
        %get3A_155 = tpu.vector_load %arg12[%get3A_153, %get3A_154] {strides = array<i32>} : memref<128x128xf32, #tpu.memory_space<vmem>>, vector<1x16xf32>,
        %get3A_156 = vector.shape_cast %get3A_155 : vector<1x16xf32> to vector<16xf32>
        %add3A_157 = arith.addf %get3A_152, %get3A_156 : vector<16xf32>
        %swap3A_158 = arith.index_cast %scan3A_66 : i32 to index
        %swap3A_159 = arith.constant 96 : index
        %swap3A_160 = tpu.vector_load %arg11[%swap3A_158, %swap3A_159] {strides = array<i32>} : memref<128x128xf32, #tpu.memory_space<vmem>>, vector<1x16xf32>,
        %swap3A_161 = vector.shape_cast %swap3A_160 : vector<1x16xf32> to vector<16xf32>
        %swap3A_162 = vector.shape_cast %add3A_157 : vector<16xf32> to vector<1x16xf32>
        tpu.vector_store %arg11[%swap3A_158, %swap3A_159], %swap3A_162 {strides = array<i32>} : memref<128x128xf32, #tpu.memory_space<vmem>>, vector<1x16xf32>,
        %get3A_163 = arith.index_cast %scan3A_66 : i32 to index
        %get3A_164 = arith.constant 112 : index
        %get3A_165 = tpu.vector_load %arg11[%get3A_163, %get3A_164] {strides = array<i32>} : memref<128x128xf32, #tpu.memory_space<vmem>>, vector<1x16xf32>,
        %get3A_166 = vector.shape_cast %get3A_165 : vector<1x16xf32> to vector<16xf32>
        %get3A_167 = arith.index_cast %scan3A_66 : i32 to index
        %get3A_168 = arith.constant 112 : index
        %get3A_169 = tpu.vector_load %arg12[%get3A_167, %get3A_168] {strides = array<i32>} : memref<128x128xf32, #tpu.memory_space<vmem>>, vector<1x16xf32>,
        %get3A_170 = vector.shape_cast %get3A_169 : vector<1x16xf32> to vector<16xf32>
        %add3A_171 = arith.addf %get3A_166, %get3A_170 : vector<16xf32>
        %swap3A_172 = arith.index_cast %scan3A_66 : i32 to index
        %swap3A_173 = arith.constant 112 : index
        %swap3A_174 = tpu.vector_load %arg11[%swap3A_172, %swap3A_173] {strides = array<i32>} : memref<128x128xf32, #tpu.memory_space<vmem>>, vector<1x16xf32>,
        %swap3A_175 = vector.shape_cast %swap3A_174 : vector<1x16xf32> to vector<16xf32>
        %swap3A_176 = vector.shape_cast %add3A_171 : vector<16xf32> to vector<1x16xf32>
        tpu.vector_store %arg11[%swap3A_172, %swap3A_173], %swap3A_176 {strides = array<i32>} : memref<128x128xf32, #tpu.memory_space<vmem>>, vector<1x16xf32>,
      }
      %scan3A_41 = arith.constant 128 : i32
      %mul3A_42 = arith.constant 128 : i32
      %mul3A_43 = arith.muli %add3A_22, %mul3A_42 : i32
      %dma_start3A_44 = arith.constant 0 : i32
      %dma_start3A_45 = tpu.memref_slice %arg7[%mul3A_43, %dma_start3A_44] : memref<320000x128xf32, #tpu.memory_space<hbm>> -> memref<128x128xf32, #tpu.memory_space<hbm>>
      %dma_start3A_46 = arith.constant 0 : i32
      %dma_start3A_47 = tpu.memref_slice %arg7[%mul3A_43, %dma_start3A_46] : memref<320000x128xf32, #tpu.memory_space<hbm>> -> memref<128x128xf32, #tpu.memory_space<hbm>>
      tpu.enqueue_dma source(%arg11 : memref<128x128xf32, #tpu.memory_space<vmem>>) target(%dma_start3A_47 : memref<128x128xf32, #tpu.memory_space<hbm>>) target_semaphore(%arg16 : memref<!tpu.dma_semaphore, #tpu.memory_space<semaphore_mem>>)
      %dma_start3A_48 = arith.constant 0 : i32
      %dma_start3A_49 = arith.constant 0 : i32
      %dma_start3A_50 = tpu.memref_slice %arg10[%dma_start3A_48, %dma_start3A_49] : memref<1x128xi32, #tpu.memory_space<vmem>> -> memref<1x128xi32, #tpu.memory_space<vmem>>
      %dma_start3A_51 = tpu.memref_squeeze %dma_start3A_50 : memref<1x128xi32, #tpu.memory_space<vmem>> -> memref<128xi32, #tpu.memory_space<vmem>>
      %dma_start3A_52 = arith.constant 0 : i32
      %dma_start3A_53 = arith.constant 0 : i32
      %dma_start3A_54 = tpu.memref_slice %arg13[%dma_start3A_52, %dma_start3A_53] : memref<10112x128xf32, #tpu.memory_space<vmem_shared>> -> memref<10112x128xf32, #tpu.memory_space<vmem_shared>>
      tpu.enqueue_indirect_dma source(%arg11 : memref<128x128xf32, #tpu.memory_space<vmem>>) target(%dma_start3A_54 : memref<10112x128xf32, #tpu.memory_space<vmem_shared>>) offsets(%dma_start3A_51 : memref<128xi32, #tpu.memory_space<vmem>>) semaphore(%arg17 : memref<!tpu.dma_semaphore, #tpu.memory_space<semaphore_mem>>) {add = true}
      %dma_wait3A_55 = arith.constant 0 : i32
      %dma_wait3A_56 = tpu.memref_slice %arg7[%mul3A_43, %dma_wait3A_55] : memref<320000x128xf32, #tpu.memory_space<hbm>> -> memref<128x128xf32, #tpu.memory_space<hbm>>
      %dma_wait3A_57 = arith.constant 0 : i32
      %dma_wait3A_58 = tpu.memref_slice %arg7[%mul3A_43, %dma_wait3A_57] : memref<320000x128xf32, #tpu.memory_space<hbm>> -> memref<128x128xf32, #tpu.memory_space<hbm>>
      tpu.wait_dma2 semaphore(%arg16 : memref<!tpu.dma_semaphore, #tpu.memory_space<semaphore_mem>>) src(%arg11 : memref<128x128xf32, #tpu.memory_space<vmem>>) dst(%dma_wait3A_58 : memref<128x128xf32, #tpu.memory_space<hbm>>)
      %dma_wait3A_59 = arith.constant 0 : i32
      %dma_wait3A_60 = arith.constant 0 : i32
      %dma_wait3A_61 = tpu.memref_slice %arg10[%dma_wait3A_59, %dma_wait3A_60] : memref<1x128xi32, #tpu.memory_space<vmem>> -> memref<1x128xi32, #tpu.memory_space<vmem>>
      %dma_wait3A_62 = tpu.memref_squeeze %dma_wait3A_61 : memref<1x128xi32, #tpu.memory_space<vmem>> -> memref<128xi32, #tpu.memory_space<vmem>>
      %dma_wait3A_63 = arith.constant 0 : i32
      %dma_wait3A_64 = arith.constant 0 : i32
      %dma_wait3A_65 = tpu.memref_slice %arg13[%dma_wait3A_63, %dma_wait3A_64] : memref<10112x128xf32, #tpu.memory_space<vmem_shared>> -> memref<10112x128xf32, #tpu.memory_space<vmem_shared>>
      tpu.wait_indirect_dma semaphore(%arg17 : memref<!tpu.dma_semaphore, #tpu.memory_space<semaphore_mem>>) src(%arg11 : memref<128x128xf32, #tpu.memory_space<vmem>>) dst(%dma_wait3A_65 : memref<10112x128xf32, #tpu.memory_space<vmem_shared>>)
    }
    %while3A_19 = arith.constant 1 : i32
    scf.for %while3A_21 = %while3A_17 to %while3A_13 step %while3A_19  : i32 {
      %add3A_22 = arith.addi %add3A_6, %while3A_21 : i32
      "tpu.region"() ({
        %run_scoped3A_66 = tpu.sem_alloc : memref<!tpu.dma_semaphore, #tpu.memory_space<semaphore_mem>>
        %dma_start3A_67 = arith.constant 0 : i32
        %dma_start3A_68 = tpu.memref_slice %arg4[%add3A_22, %dma_start3A_67] : memref<2500x128xi32, #tpu.memory_space<hbm>> -> memref<1x128xi32, #tpu.memory_space<hbm>>
        %dma_start3A_69 = tpu.memref_squeeze %dma_start3A_68 : memref<1x128xi32, #tpu.memory_space<hbm>> -> memref<128xi32, #tpu.memory_space<hbm>>
        %dma_start3A_70 = arith.constant 0 : i32
        %dma_start3A_71 = tpu.memref_slice %arg4[%add3A_22, %dma_start3A_70] : memref<2500x128xi32, #tpu.memory_space<hbm>> -> memref<1x128xi32, #tpu.memory_space<hbm>>
        %dma_start3A_72 = tpu.memref_squeeze %dma_start3A_71 : memref<1x128xi32, #tpu.memory_space<hbm>> -> memref<128xi32, #tpu.memory_space<hbm>>
        tpu.enqueue_dma source(%dma_start3A_72 : memref<128xi32, #tpu.memory_space<hbm>>) target(%arg9 : memref<128xi32, #tpu.memory_space<vmem>>) target_semaphore(%run_scoped3A_66 : memref<!tpu.dma_semaphore, #tpu.memory_space<semaphore_mem>>)
        %dma_wait3A_73 = arith.constant 0 : i32
        %dma_wait3A_74 = tpu.memref_slice %arg4[%add3A_22, %dma_wait3A_73] : memref<2500x128xi32, #tpu.memory_space<hbm>> -> memref<1x128xi32, #tpu.memory_space<hbm>>
        %dma_wait3A_75 = tpu.memref_squeeze %dma_wait3A_74 : memref<1x128xi32, #tpu.memory_space<hbm>> -> memref<128xi32, #tpu.memory_space<hbm>>
        %dma_wait3A_76 = arith.constant 0 : i32
        %dma_wait3A_77 = tpu.memref_slice %arg4[%add3A_22, %dma_wait3A_76] : memref<2500x128xi32, #tpu.memory_space<hbm>> -> memref<1x128xi32, #tpu.memory_space<hbm>>
        %dma_wait3A_78 = tpu.memref_squeeze %dma_wait3A_77 : memref<1x128xi32, #tpu.memory_space<hbm>> -> memref<128xi32, #tpu.memory_space<hbm>>
        tpu.wait_dma2 semaphore(%run_scoped3A_66 : memref<!tpu.dma_semaphore, #tpu.memory_space<semaphore_mem>>) src(%dma_wait3A_78 : memref<128xi32, #tpu.memory_space<hbm>>) dst(%arg9 : memref<128xi32, #tpu.memory_space<vmem>>)
        tpu.yield
      }) : () -> ()
      %mul3A_23 = arith.constant 128 : i32
      %mul3A_24 = arith.muli %add3A_22, %mul3A_23 : i32
      %dma_start3A = arith.constant 0 : i32
      %dma_start3A_25 = tpu.memref_slice %arg2[%mul3A_24, %dma_start3A] : memref<320000x128xf32, #tpu.memory_space<hbm>> -> memref<128x128xf32, #tpu.memory_space<hbm>>
      %dma_start3A_26 = arith.constant 0 : i32
      %dma_start3A_27 = tpu.memref_slice %arg2[%mul3A_24, %dma_start3A_26] : memref<320000x128xf32, #tpu.memory_space<hbm>> -> memref<128x128xf32, #tpu.memory_space<hbm>>
      tpu.enqueue_dma source(%dma_start3A_27 : memref<128x128xf32, #tpu.memory_space<hbm>>) target(%arg11 : memref<128x128xf32, #tpu.memory_space<vmem>>) target_semaphore(%arg14 : memref<!tpu.dma_semaphore, #tpu.memory_space<semaphore_mem>>)
      %dma_start3A_28 = arith.constant 0 : i32
      %dma_start3A_29 = arith.constant 0 : i32
      %dma_start3A_30 = tpu.memref_slice %arg3[%dma_start3A_28, %dma_start3A_29] : memref<10000x128xf32, #tpu.memory_space<hbm>> -> memref<10000x128xf32, #tpu.memory_space<hbm>>
      tpu.enqueue_indirect_dma source(%dma_start3A_30 : memref<10000x128xf32, #tpu.memory_space<hbm>>) target(%arg12 : memref<128x128xf32, #tpu.memory_space<vmem>>) offsets(%arg9 : memref<128xi32, #tpu.memory_space<vmem>>) semaphore(%arg15 : memref<!tpu.dma_semaphore, #tpu.memory_space<semaphore_mem>>)
      %run_scoped3A = arith.constant 0 : i32
      "tpu.region"() ({
        %run_scoped3A_66 = tpu.sem_alloc : memref<!tpu.dma_semaphore, #tpu.memory_space<semaphore_mem>>
        %dma_start3A_67 = arith.constant 0 : i32
        %dma_start3A_68 = tpu.memref_slice %arg10[%run_scoped3A, %dma_start3A_67] : memref<1x128xi32, #tpu.memory_space<vmem>> -> memref<1x128xi32, #tpu.memory_space<vmem>>
        %dma_start3A_69 = tpu.memref_squeeze %dma_start3A_68 : memref<1x128xi32, #tpu.memory_space<vmem>> -> memref<128xi32, #tpu.memory_space<vmem>>
        %dma_start3A_70 = arith.constant 0 : i32
        %dma_start3A_71 = tpu.memref_slice %arg5[%add3A_22, %dma_start3A_70] : memref<2500x128xi32, #tpu.memory_space<hbm>> -> memref<1x128xi32, #tpu.memory_space<hbm>>
        %dma_start3A_72 = tpu.memref_squeeze %dma_start3A_71 : memref<1x128xi32, #tpu.memory_space<hbm>> -> memref<128xi32, #tpu.memory_space<hbm>>
        %dma_start3A_73 = arith.constant 0 : i32
        %dma_start3A_74 = tpu.memref_slice %arg10[%run_scoped3A, %dma_start3A_73] : memref<1x128xi32, #tpu.memory_space<vmem>> -> memref<1x128xi32, #tpu.memory_space<vmem>>
        %dma_start3A_75 = tpu.memref_squeeze %dma_start3A_74 : memref<1x128xi32, #tpu.memory_space<vmem>> -> memref<128xi32, #tpu.memory_space<vmem>>
        %dma_start3A_76 = arith.constant 0 : i32
        %dma_start3A_77 = tpu.memref_slice %arg5[%add3A_22, %dma_start3A_76] : memref<2500x128xi32, #tpu.memory_space<hbm>> -> memref<1x128xi32, #tpu.memory_space<hbm>>
        %dma_start3A_78 = tpu.memref_squeeze %dma_start3A_77 : memref<1x128xi32, #tpu.memory_space<hbm>> -> memref<128xi32, #tpu.memory_space<hbm>>
        tpu.enqueue_dma source(%dma_start3A_78 : memref<128xi32, #tpu.memory_space<hbm>>) target(%dma_start3A_75 : memref<128xi32, #tpu.memory_space<vmem>>) target_semaphore(%run_scoped3A_66 : memref<!tpu.dma_semaphore, #tpu.memory_space<semaphore_mem>>)
        %dma_wait3A_79 = arith.constant 0 : i32
        %dma_wait3A_80 = tpu.memref_slice %arg10[%run_scoped3A, %dma_wait3A_79] : memref<1x128xi32, #tpu.memory_space<vmem>> -> memref<1x128xi32, #tpu.memory_space<vmem>>
        %dma_wait3A_81 = tpu.memref_squeeze %dma_wait3A_80 : memref<1x128xi32, #tpu.memory_space<vmem>> -> memref<128xi32, #tpu.memory_space<vmem>>
        %dma_wait3A_82 = arith.constant 0 : i32
        %dma_wait3A_83 = tpu.memref_slice %arg5[%add3A_22, %dma_wait3A_82] : memref<2500x128xi32, #tpu.memory_space<hbm>> -> memref<1x128xi32, #tpu.memory_space<hbm>>
        %dma_wait3A_84 = tpu.memref_squeeze %dma_wait3A_83 : memref<1x128xi32, #tpu.memory_space<hbm>> -> memref<128xi32, #tpu.memory_space<hbm>>
        %dma_wait3A_85 = arith.constant 0 : i32
        %dma_wait3A_86 = tpu.memref_slice %arg10[%run_scoped3A, %dma_wait3A_85] : memref<1x128xi32, #tpu.memory_space<vmem>> -> memref<1x128xi32, #tpu.memory_space<vmem>>
        %dma_wait3A_87 = tpu.memref_squeeze %dma_wait3A_86 : memref<1x128xi32, #tpu.memory_space<vmem>> -> memref<128xi32, #tpu.memory_space<vmem>>
        %dma_wait3A_88 = arith.constant 0 : i32
        %dma_wait3A_89 = tpu.memref_slice %arg5[%add3A_22, %dma_wait3A_88] : memref<2500x128xi32, #tpu.memory_space<hbm>> -> memref<1x128xi32, #tpu.memory_space<hbm>>
        %dma_wait3A_90 = tpu.memref_squeeze %dma_wait3A_89 : memref<1x128xi32, #tpu.memory_space<hbm>> -> memref<128xi32, #tpu.memory_space<hbm>>
        tpu.wait_dma2 semaphore(%run_scoped3A_66 : memref<!tpu.dma_semaphore, #tpu.memory_space<semaphore_mem>>) src(%dma_wait3A_90 : memref<128xi32, #tpu.memory_space<hbm>>) dst(%dma_wait3A_87 : memref<128xi32, #tpu.memory_space<vmem>>)
        tpu.yield
      }) : () -> ()
      %dma_wait3A = arith.constant 0 : i32
      %dma_wait3A_31 = tpu.memref_slice %arg2[%mul3A_24, %dma_wait3A] : memref<320000x128xf32, #tpu.memory_space<hbm>> -> memref<128x128xf32, #tpu.memory_space<hbm>>
      %dma_wait3A_32 = arith.constant 0 : i32
      %dma_wait3A_33 = tpu.memref_slice %arg2[%mul3A_24, %dma_wait3A_32] : memref<320000x128xf32, #tpu.memory_space<hbm>> -> memref<128x128xf32, #tpu.memory_space<hbm>>
      tpu.wait_dma2 semaphore(%arg14 : memref<!tpu.dma_semaphore, #tpu.memory_space<semaphore_mem>>) src(%dma_wait3A_33 : memref<128x128xf32, #tpu.memory_space<hbm>>) dst(%arg11 : memref<128x128xf32, #tpu.memory_space<vmem>>)
      %dma_wait3A_34 = arith.constant 0 : i32
      %dma_wait3A_35 = arith.constant 0 : i32
      %dma_wait3A_36 = tpu.memref_slice %arg3[%dma_wait3A_34, %dma_wait3A_35] : memref<10000x128xf32, #tpu.memory_space<hbm>> -> memref<10000x128xf32, #tpu.memory_space<hbm>>
      tpu.wait_indirect_dma semaphore(%arg15 : memref<!tpu.dma_semaphore, #tpu.memory_space<semaphore_mem>>) src(%dma_wait3A_36 : memref<10000x128xf32, #tpu.memory_space<hbm>>) dst(%arg12 : memref<128x128xf32, #tpu.memory_space<vmem>>)
      %scan3A = arith.constant 0 : i32
      %scan3A_37 = arith.constant 0 : i32
      %scan3A_38 = arith.constant 128 : i32
      %scan3A_39 = arith.addi %scan3A_37, %scan3A_38 : i32
      %scan3A_40 = arith.constant 1 : i32
      scf.for %scan3A_66 = %scan3A_37 to %scan3A_39 step %scan3A_40  : i32 {
        %get3A = arith.index_cast %scan3A_66 : i32 to index
        %get3A_67 = arith.constant 0 : index
        %get3A_68 = tpu.vector_load %arg11[%get3A, %get3A_67] {strides = array<i32>} : memref<128x128xf32, #tpu.memory_space<vmem>>, vector<1x16xf32>,
        %get3A_69 = vector.shape_cast %get3A_68 : vector<1x16xf32> to vector<16xf32>
        %get3A_70 = arith.index_cast %scan3A_66 : i32 to index
        %get3A_71 = arith.constant 0 : index
        %get3A_72 = tpu.vector_load %arg12[%get3A_70, %get3A_71] {strides = array<i32>} : memref<128x128xf32, #tpu.memory_space<vmem>>, vector<1x16xf32>,
        %get3A_73 = vector.shape_cast %get3A_72 : vector<1x16xf32> to vector<16xf32>
        %add3A_74 = arith.addf %get3A_69, %get3A_73 : vector<16xf32>
        %swap3A = arith.index_cast %scan3A_66 : i32 to index
        %swap3A_75 = arith.constant 0 : index
        %swap3A_76 = tpu.vector_load %arg11[%swap3A, %swap3A_75] {strides = array<i32>} : memref<128x128xf32, #tpu.memory_space<vmem>>, vector<1x16xf32>,
        %swap3A_77 = vector.shape_cast %swap3A_76 : vector<1x16xf32> to vector<16xf32>
        %swap3A_78 = vector.shape_cast %add3A_74 : vector<16xf32> to vector<1x16xf32>
        tpu.vector_store %arg11[%swap3A, %swap3A_75], %swap3A_78 {strides = array<i32>} : memref<128x128xf32, #tpu.memory_space<vmem>>, vector<1x16xf32>,
        %get3A_79 = arith.index_cast %scan3A_66 : i32 to index
        %get3A_80 = arith.constant 16 : index
        %get3A_81 = tpu.vector_load %arg11[%get3A_79, %get3A_80] {strides = array<i32>} : memref<128x128xf32, #tpu.memory_space<vmem>>, vector<1x16xf32>,
        %get3A_82 = vector.shape_cast %get3A_81 : vector<1x16xf32> to vector<16xf32>
        %get3A_83 = arith.index_cast %scan3A_66 : i32 to index
        %get3A_84 = arith.constant 16 : index
        %get3A_85 = tpu.vector_load %arg12[%get3A_83, %get3A_84] {strides = array<i32>} : memref<128x128xf32, #tpu.memory_space<vmem>>, vector<1x16xf32>,
        %get3A_86 = vector.shape_cast %get3A_85 : vector<1x16xf32> to vector<16xf32>
        %add3A_87 = arith.addf %get3A_82, %get3A_86 : vector<16xf32>
        %swap3A_88 = arith.index_cast %scan3A_66 : i32 to index
        %swap3A_89 = arith.constant 16 : index
        %swap3A_90 = tpu.vector_load %arg11[%swap3A_88, %swap3A_89] {strides = array<i32>} : memref<128x128xf32, #tpu.memory_space<vmem>>, vector<1x16xf32>,
        %swap3A_91 = vector.shape_cast %swap3A_90 : vector<1x16xf32> to vector<16xf32>
        %swap3A_92 = vector.shape_cast %add3A_87 : vector<16xf32> to vector<1x16xf32>
        tpu.vector_store %arg11[%swap3A_88, %swap3A_89], %swap3A_92 {strides = array<i32>} : memref<128x128xf32, #tpu.memory_space<vmem>>, vector<1x16xf32>,
        %get3A_93 = arith.index_cast %scan3A_66 : i32 to index
        %get3A_94 = arith.constant 32 : index
        %get3A_95 = tpu.vector_load %arg11[%get3A_93, %get3A_94] {strides = array<i32>} : memref<128x128xf32, #tpu.memory_space<vmem>>, vector<1x16xf32>,
        %get3A_96 = vector.shape_cast %get3A_95 : vector<1x16xf32> to vector<16xf32>
        %get3A_97 = arith.index_cast %scan3A_66 : i32 to index
        %get3A_98 = arith.constant 32 : index
        %get3A_99 = tpu.vector_load %arg12[%get3A_97, %get3A_98] {strides = array<i32>} : memref<128x128xf32, #tpu.memory_space<vmem>>, vector<1x16xf32>,
        %get3A_100 = vector.shape_cast %get3A_99 : vector<1x16xf32> to vector<16xf32>
        %add3A_101 = arith.addf %get3A_96, %get3A_100 : vector<16xf32>
        %swap3A_102 = arith.index_cast %scan3A_66 : i32 to index
        %swap3A_103 = arith.constant 32 : index
        %swap3A_104 = tpu.vector_load %arg11[%swap3A_102, %swap3A_103] {strides = array<i32>} : memref<128x128xf32, #tpu.memory_space<vmem>>, vector<1x16xf32>,
        %swap3A_105 = vector.shape_cast %swap3A_104 : vector<1x16xf32> to vector<16xf32>
        %swap3A_106 = vector.shape_cast %add3A_101 : vector<16xf32> to vector<1x16xf32>
        tpu.vector_store %arg11[%swap3A_102, %swap3A_103], %swap3A_106 {strides = array<i32>} : memref<128x128xf32, #tpu.memory_space<vmem>>, vector<1x16xf32>,
        %get3A_107 = arith.index_cast %scan3A_66 : i32 to index
        %get3A_108 = arith.constant 48 : index
        %get3A_109 = tpu.vector_load %arg11[%get3A_107, %get3A_108] {strides = array<i32>} : memref<128x128xf32, #tpu.memory_space<vmem>>, vector<1x16xf32>,
        %get3A_110 = vector.shape_cast %get3A_109 : vector<1x16xf32> to vector<16xf32>
        %get3A_111 = arith.index_cast %scan3A_66 : i32 to index
        %get3A_112 = arith.constant 48 : index
        %get3A_113 = tpu.vector_load %arg12[%get3A_111, %get3A_112] {strides = array<i32>} : memref<128x128xf32, #tpu.memory_space<vmem>>, vector<1x16xf32>,
        %get3A_114 = vector.shape_cast %get3A_113 : vector<1x16xf32> to vector<16xf32>
        %add3A_115 = arith.addf %get3A_110, %get3A_114 : vector<16xf32>
        %swap3A_116 = arith.index_cast %scan3A_66 : i32 to index
        %swap3A_117 = arith.constant 48 : index
        %swap3A_118 = tpu.vector_load %arg11[%swap3A_116, %swap3A_117] {strides = array<i32>} : memref<128x128xf32, #tpu.memory_space<vmem>>, vector<1x16xf32>,
        %swap3A_119 = vector.shape_cast %swap3A_118 : vector<1x16xf32> to vector<16xf32>
        %swap3A_120 = vector.shape_cast %add3A_115 : vector<16xf32> to vector<1x16xf32>
        tpu.vector_store %arg11[%swap3A_116, %swap3A_117], %swap3A_120 {strides = array<i32>} : memref<128x128xf32, #tpu.memory_space<vmem>>, vector<1x16xf32>,
        %get3A_121 = arith.index_cast %scan3A_66 : i32 to index
        %get3A_122 = arith.constant 64 : index
        %get3A_123 = tpu.vector_load %arg11[%get3A_121, %get3A_122] {strides = array<i32>} : memref<128x128xf32, #tpu.memory_space<vmem>>, vector<1x16xf32>,
        %get3A_124 = vector.shape_cast %get3A_123 : vector<1x16xf32> to vector<16xf32>
        %get3A_125 = arith.index_cast %scan3A_66 : i32 to index
        %get3A_126 = arith.constant 64 : index
        %get3A_127 = tpu.vector_load %arg12[%get3A_125, %get3A_126] {strides = array<i32>} : memref<128x128xf32, #tpu.memory_space<vmem>>, vector<1x16xf32>,
        %get3A_128 = vector.shape_cast %get3A_127 : vector<1x16xf32> to vector<16xf32>
        %add3A_129 = arith.addf %get3A_124, %get3A_128 : vector<16xf32>
        %swap3A_130 = arith.index_cast %scan3A_66 : i32 to index
        %swap3A_131 = arith.constant 64 : index
        %swap3A_132 = tpu.vector_load %arg11[%swap3A_130, %swap3A_131] {strides = array<i32>} : memref<128x128xf32, #tpu.memory_space<vmem>>, vector<1x16xf32>,
        %swap3A_133 = vector.shape_cast %swap3A_132 : vector<1x16xf32> to vector<16xf32>
        %swap3A_134 = vector.shape_cast %add3A_129 : vector<16xf32> to vector<1x16xf32>
        tpu.vector_store %arg11[%swap3A_130, %swap3A_131], %swap3A_134 {strides = array<i32>} : memref<128x128xf32, #tpu.memory_space<vmem>>, vector<1x16xf32>,
        %get3A_135 = arith.index_cast %scan3A_66 : i32 to index
        %get3A_136 = arith.constant 80 : index
        %get3A_137 = tpu.vector_load %arg11[%get3A_135, %get3A_136] {strides = array<i32>} : memref<128x128xf32, #tpu.memory_space<vmem>>, vector<1x16xf32>,
        %get3A_138 = vector.shape_cast %get3A_137 : vector<1x16xf32> to vector<16xf32>
        %get3A_139 = arith.index_cast %scan3A_66 : i32 to index
        %get3A_140 = arith.constant 80 : index
        %get3A_141 = tpu.vector_load %arg12[%get3A_139, %get3A_140] {strides = array<i32>} : memref<128x128xf32, #tpu.memory_space<vmem>>, vector<1x16xf32>,
        %get3A_142 = vector.shape_cast %get3A_141 : vector<1x16xf32> to vector<16xf32>
        %add3A_143 = arith.addf %get3A_138, %get3A_142 : vector<16xf32>
        %swap3A_144 = arith.index_cast %scan3A_66 : i32 to index
        %swap3A_145 = arith.constant 80 : index
        %swap3A_146 = tpu.vector_load %arg11[%swap3A_144, %swap3A_145] {strides = array<i32>} : memref<128x128xf32, #tpu.memory_space<vmem>>, vector<1x16xf32>,
        %swap3A_147 = vector.shape_cast %swap3A_146 : vector<1x16xf32> to vector<16xf32>
        %swap3A_148 = vector.shape_cast %add3A_143 : vector<16xf32> to vector<1x16xf32>
        tpu.vector_store %arg11[%swap3A_144, %swap3A_145], %swap3A_148 {strides = array<i32>} : memref<128x128xf32, #tpu.memory_space<vmem>>, vector<1x16xf32>,
        %get3A_149 = arith.index_cast %scan3A_66 : i32 to index
        %get3A_150 = arith.constant 96 : index
        %get3A_151 = tpu.vector_load %arg11[%get3A_149, %get3A_150] {strides = array<i32>} : memref<128x128xf32, #tpu.memory_space<vmem>>, vector<1x16xf32>,
        %get3A_152 = vector.shape_cast %get3A_151 : vector<1x16xf32> to vector<16xf32>
        %get3A_153 = arith.index_cast %scan3A_66 : i32 to index
        %get3A_154 = arith.constant 96 : index
        %get3A_155 = tpu.vector_load %arg12[%get3A_153, %get3A_154] {strides = array<i32>} : memref<128x128xf32, #tpu.memory_space<vmem>>, vector<1x16xf32>,
        %get3A_156 = vector.shape_cast %get3A_155 : vector<1x16xf32> to vector<16xf32>
        %add3A_157 = arith.addf %get3A_152, %get3A_156 : vector<16xf32>
        %swap3A_158 = arith.index_cast %scan3A_66 : i32 to index
        %swap3A_159 = arith.constant 96 : index
        %swap3A_160 = tpu.vector_load %arg11[%swap3A_158, %swap3A_159] {strides = array<i32>} : memref<128x128xf32, #tpu.memory_space<vmem>>, vector<1x16xf32>,
        %swap3A_161 = vector.shape_cast %swap3A_160 : vector<1x16xf32> to vector<16xf32>
        %swap3A_162 = vector.shape_cast %add3A_157 : vector<16xf32> to vector<1x16xf32>
        tpu.vector_store %arg11[%swap3A_158, %swap3A_159], %swap3A_162 {strides = array<i32>} : memref<128x128xf32, #tpu.memory_space<vmem>>, vector<1x16xf32>,
        %get3A_163 = arith.index_cast %scan3A_66 : i32 to index
        %get3A_164 = arith.constant 112 : index
        %get3A_165 = tpu.vector_load %arg11[%get3A_163, %get3A_164] {strides = array<i32>} : memref<128x128xf32, #tpu.memory_space<vmem>>, vector<1x16xf32>,
        %get3A_166 = vector.shape_cast %get3A_165 : vector<1x16xf32> to vector<16xf32>
        %get3A_167 = arith.index_cast %scan3A_66 : i32 to index
        %get3A_168 = arith.constant 112 : index
        %get3A_169 = tpu.vector_load %arg12[%get3A_167, %get3A_168] {strides = array<i32>} : memref<128x128xf32, #tpu.memory_space<vmem>>, vector<1x16xf32>,
        %get3A_170 = vector.shape_cast %get3A_169 : vector<1x16xf32> to vector<16xf32>
        %add3A_171 = arith.addf %get3A_166, %get3A_170 : vector<16xf32>
        %swap3A_172 = arith.index_cast %scan3A_66 : i32 to index
        %swap3A_173 = arith.constant 112 : index
        %swap3A_174 = tpu.vector_load %arg11[%swap3A_172, %swap3A_173] {strides = array<i32>} : memref<128x128xf32, #tpu.memory_space<vmem>>, vector<1x16xf32>,
        %swap3A_175 = vector.shape_cast %swap3A_174 : vector<1x16xf32> to vector<16xf32>
        %swap3A_176 = vector.shape_cast %add3A_171 : vector<16xf32> to vector<1x16xf32>
        tpu.vector_store %arg11[%swap3A_172, %swap3A_173], %swap3A_176 {strides = array<i32>} : memref<128x128xf32, #tpu.memory_space<vmem>>, vector<1x16xf32>,
      }
      %scan3A_41 = arith.constant 128 : i32
      %mul3A_42 = arith.constant 128 : i32
      %mul3A_43 = arith.muli %add3A_22, %mul3A_42 : i32
      %dma_start3A_44 = arith.constant 0 : i32
      %dma_start3A_45 = tpu.memref_slice %arg7[%mul3A_43, %dma_start3A_44] : memref<320000x128xf32, #tpu.memory_space<hbm>> -> memref<128x128xf32, #tpu.memory_space<hbm>>
      %dma_start3A_46 = arith.constant 0 : i32
      %dma_start3A_47 = tpu.memref_slice %arg7[%mul3A_43, %dma_start3A_46] : memref<320000x128xf32, #tpu.memory_space<hbm>> -> memref<128x128xf32, #tpu.memory_space<hbm>>
      tpu.enqueue_dma source(%arg11 : memref<128x128xf32, #tpu.memory_space<vmem>>) target(%dma_start3A_47 : memref<128x128xf32, #tpu.memory_space<hbm>>) target_semaphore(%arg16 : memref<!tpu.dma_semaphore, #tpu.memory_space<semaphore_mem>>)
      %dma_start3A_48 = arith.constant 0 : i32
      %dma_start3A_49 = arith.constant 0 : i32
      %dma_start3A_50 = tpu.memref_slice %arg10[%dma_start3A_48, %dma_start3A_49] : memref<1x128xi32, #tpu.memory_space<vmem>> -> memref<1x128xi32, #tpu.memory_space<vmem>>
      %dma_start3A_51 = tpu.memref_squeeze %dma_start3A_50 : memref<1x128xi32, #tpu.memory_space<vmem>> -> memref<128xi32, #tpu.memory_space<vmem>>
      %dma_start3A_52 = arith.constant 0 : i32
      %dma_start3A_53 = arith.constant 0 : i32
      %dma_start3A_54 = tpu.memref_slice %arg13[%dma_start3A_52, %dma_start3A_53] : memref<10112x128xf32, #tpu.memory_space<vmem_shared>> -> memref<10112x128xf32, #tpu.memory_space<vmem_shared>>
      tpu.enqueue_indirect_dma source(%arg11 : memref<128x128xf32, #tpu.memory_space<vmem>>) target(%dma_start3A_54 : memref<10112x128xf32, #tpu.memory_space<vmem_shared>>) offsets(%dma_start3A_51 : memref<128xi32, #tpu.memory_space<vmem>>) semaphore(%arg17 : memref<!tpu.dma_semaphore, #tpu.memory_space<semaphore_mem>>) {add = true}
      %dma_wait3A_55 = arith.constant 0 : i32
      %dma_wait3A_56 = tpu.memref_slice %arg7[%mul3A_43, %dma_wait3A_55] : memref<320000x128xf32, #tpu.memory_space<hbm>> -> memref<128x128xf32, #tpu.memory_space<hbm>>
      %dma_wait3A_57 = arith.constant 0 : i32
      %dma_wait3A_58 = tpu.memref_slice %arg7[%mul3A_43, %dma_wait3A_57] : memref<320000x128xf32, #tpu.memory_space<hbm>> -> memref<128x128xf32, #tpu.memory_space<hbm>>
      tpu.wait_dma2 semaphore(%arg16 : memref<!tpu.dma_semaphore, #tpu.memory_space<semaphore_mem>>) src(%arg11 : memref<128x128xf32, #tpu.memory_space<vmem>>) dst(%dma_wait3A_58 : memref<128x128xf32, #tpu.memory_space<hbm>>)
      %dma_wait3A_59 = arith.constant 0 : i32
      %dma_wait3A_60 = arith.constant 0 : i32
      %dma_wait3A_61 = tpu.memref_slice %arg10[%dma_wait3A_59, %dma_wait3A_60] : memref<1x128xi32, #tpu.memory_space<vmem>> -> memref<1x128xi32, #tpu.memory_space<vmem>>
      %dma_wait3A_62 = tpu.memref_squeeze %dma_wait3A_61 : memref<1x128xi32, #tpu.memory_space<vmem>> -> memref<128xi32, #tpu.memory_space<vmem>>
      %dma_wait3A_63 = arith.constant 0 : i32
      %dma_wait3A_64 = arith.constant 0 : i32
      %dma_wait3A_65 = tpu.memref_slice %arg13[%dma_wait3A_63, %dma_wait3A_64] : memref<10112x128xf32, #tpu.memory_space<vmem_shared>> -> memref<10112x128xf32, #tpu.memory_space<vmem_shared>>
      tpu.wait_indirect_dma semaphore(%arg17 : memref<!tpu.dma_semaphore, #tpu.memory_space<semaphore_mem>>) src(%arg11 : memref<128x128xf32, #tpu.memory_space<vmem>>) dst(%dma_wait3A_65 : memref<10112x128xf32, #tpu.memory_space<vmem_shared>>)
    }
    %barrier3A_20 = arith.constant 0 : index
    tpu.barrier barrier_id(%barrier3A_20)
    "tpu.region"() ({
      %run_scoped3A = tpu.sem_alloc : memref<!tpu.dma_semaphore, #tpu.memory_space<semaphore_mem>>
      %dma_start3A = arith.constant 0 : i32
      %dma_start3A_21 = tpu.memref_slice %arg8[%arg0, %mul3A_2, %dma_start3A] : memref<2x10112x128xf32, #tpu.memory_space<hbm>> -> memref<1x632x128xf32, #tpu.memory_space<hbm>>
      %dma_start3A_22 = tpu.memref_squeeze %dma_start3A_21 : memref<1x632x128xf32, #tpu.memory_space<hbm>> -> memref<632x128xf32, #tpu.memory_space<hbm>>
      %dma_start3A_23 = arith.constant 0 : i32
      %dma_start3A_24 = tpu.memref_slice %arg13[%mul3A_2, %dma_start3A_23] : memref<10112x128xf32, #tpu.memory_space<vmem_shared>> -> memref<632x128xf32, #tpu.memory_space<vmem_shared>>
      tpu.enqueue_dma source(%dma_start3A_24 : memref<632x128xf32, #tpu.memory_space<vmem_shared>>) target(%dma_start3A_22 : memref<632x128xf32, #tpu.memory_space<hbm>>) target_semaphore(%run_scoped3A : memref<!tpu.dma_semaphore, #tpu.memory_space<semaphore_mem>>)
      %dma_wait3A = arith.constant 0 : i32
      %dma_wait3A_25 = tpu.memref_slice %arg8[%arg0, %mul3A_2, %dma_wait3A] : memref<2x10112x128xf32, #tpu.memory_space<hbm>> -> memref<1x632x128xf32, #tpu.memory_space<hbm>>
      %dma_wait3A_26 = tpu.memref_squeeze %dma_wait3A_25 : memref<1x632x128xf32, #tpu.memory_space<hbm>> -> memref<632x128xf32, #tpu.memory_space<hbm>>
      %dma_wait3A_27 = arith.constant 0 : i32
      %dma_wait3A_28 = tpu.memref_slice %arg13[%mul3A_2, %dma_wait3A_27] : memref<10112x128xf32, #tpu.memory_space<vmem_shared>> -> memref<632x128xf32, #tpu.memory_space<vmem_shared>>
      tpu.wait_dma2 semaphore(%run_scoped3A : memref<!tpu.dma_semaphore, #tpu.memory_space<semaphore_mem>>) src(%dma_wait3A_28 : memref<632x128xf32, #tpu.memory_space<vmem_shared>>) dst(%dma_wait3A_26 : memref<632x128xf32, #tpu.memory_space<hbm>>)
      tpu.yield
    }) : () -> ()
    return
  }
}

#map = affine_map<(d0, d1) -> (0, 0)>
#map1 = affine_map<(d0, d1) -> (0, 0, 0)>
module attributes {stable_mosaic.version = 14 : i64} {
  func.func @sc_e2v(%arg0: i32, %arg1: i32, %arg2: memref<10112x128xf32, #tpu.memory_space<hbm>>, %arg3: memref<2500x128xi32, #tpu.memory_space<hbm>>, %arg4: memref<2500x128xi32, #tpu.memory_space<hbm>>, %arg5: memref<632x128xf32, #tpu.memory_space<hbm>>, %arg6: memref<2x10112x128xf32, #tpu.memory_space<hbm>>, %arg7: memref<2x128xi32, #tpu.memory_space<vmem>>, %arg8: memref<128xi32, #tpu.memory_space<vmem>>, %arg9: memref<128xi32, #tpu.memory_space<vmem>>, %arg10: memref<128x128xf32, #tpu.memory_space<vmem>>, %arg11: memref<128x128xf32, #tpu.memory_space<vmem>>, %arg12: memref<10112x128xf32, #tpu.memory_space<vmem_shared>>, %arg13: memref<!tpu.dma_semaphore, #tpu.memory_space<semaphore_mem>>, %arg14: memref<!tpu.dma_semaphore, #tpu.memory_space<semaphore_mem>>) attributes {dimension_semantics = [#tpu.dimension_semantics<core_parallel>, #tpu.dimension_semantics<subcore_parallel>], iteration_bounds = array<i64: 2, 16>, scalar_prefetch = 0 : i64, scratch_operands = 8 : i64, tpu.core_type = #tpu.core_type<sc_vector_subcore>, window_params = [{transform_indices = #map}, {transform_indices = #map}, {transform_indices = #map}, {transform_indices = #map}, {transform_indices = #map1}]} {
    %mul3A = arith.constant 2 : i32
    %mul3A_0 = arith.muli %arg1, %mul3A : i32
    %add3A = arith.addi %mul3A_0, %arg0 : i32
    %mul3A_1 = arith.constant 632 : i32
    %mul3A_2 = arith.muli %arg1, %mul3A_1 : i32
    "tpu.region"() ({
      %run_scoped3A = tpu.sem_alloc : memref<!tpu.dma_semaphore, #tpu.memory_space<semaphore_mem>>
      %dma_start3A = arith.constant 0 : i32
      %dma_start3A_52 = tpu.memref_slice %arg12[%mul3A_2, %dma_start3A] : memref<10112x128xf32, #tpu.memory_space<vmem_shared>> -> memref<632x128xf32, #tpu.memory_space<vmem_shared>>
      tpu.enqueue_dma source(%arg5 : memref<632x128xf32, #tpu.memory_space<hbm>>) target(%dma_start3A_52 : memref<632x128xf32, #tpu.memory_space<vmem_shared>>) target_semaphore(%run_scoped3A : memref<!tpu.dma_semaphore, #tpu.memory_space<semaphore_mem>>)
      %dma_wait3A = arith.constant 0 : i32
      %dma_wait3A_53 = tpu.memref_slice %arg12[%mul3A_2, %dma_wait3A] : memref<10112x128xf32, #tpu.memory_space<vmem_shared>> -> memref<632x128xf32, #tpu.memory_space<vmem_shared>>
      tpu.wait_dma2 semaphore(%run_scoped3A : memref<!tpu.dma_semaphore, #tpu.memory_space<semaphore_mem>>) src(%arg5 : memref<632x128xf32, #tpu.memory_space<hbm>>) dst(%dma_wait3A_53 : memref<632x128xf32, #tpu.memory_space<vmem_shared>>)
      tpu.yield
    }) : () -> ()
    %barrier3A = arith.constant 0 : index
    tpu.barrier barrier_id(%barrier3A)
    %mul3A_3 = arith.constant 78 : i32
    %mul3A_4 = arith.muli %add3A, %mul3A_3 : i32
    %min3A = arith.constant 4 : i32
    %min3A_5 = arith.minsi %add3A, %min3A : i32
    %add3A_6 = arith.addi %mul3A_4, %min3A_5 : i32
    %lt3A = arith.constant 4 : i32
    %lt3A_7 = arith.cmpi slt, %add3A, %lt3A : i32
    %jit3A = arith.constant 1 : i32
    %jit3A_8 = arith.constant 0 : i32
    %select_n3A = arith.select %lt3A_7, %jit3A, %jit3A_8 : i32
    %add3A_9 = arith.constant 78 : i32
    %add3A_10 = arith.addi %add3A_9, %select_n3A : i32
    %jit3A_11 = arith.constant 2 : i32
    %div3A = arith.divsi %add3A_10, %jit3A_11 : i32
    %sign3A = arith.constant 0 : i32
    %sign3A_12 = arith.cmpi sgt, %add3A_10, %sign3A : i32
    %sign3A_13 = arith.extui %sign3A_12 : i1 to i32
    %sign3A_14 = arith.constant 0 : i32
    %sign3A_15 = arith.cmpi slt, %add3A_10, %sign3A_14 : i32
    %sign3A_16 = arith.extui %sign3A_15 : i1 to i32
    %sign3A_17 = arith.subi %sign3A_13, %sign3A_16 : i32
    %sign3A_18 = arith.constant 0 : i32
    %sign3A_19 = arith.cmpi sgt, %jit3A_11, %sign3A_18 : i32
    %sign3A_20 = arith.extui %sign3A_19 : i1 to i32
    %sign3A_21 = arith.constant 0 : i32
    %sign3A_22 = arith.cmpi slt, %jit3A_11, %sign3A_21 : i32
    %sign3A_23 = arith.extui %sign3A_22 : i1 to i32
    %sign3A_24 = arith.subi %sign3A_20, %sign3A_23 : i32
    %ne3A = arith.cmpi ne, %sign3A_17, %sign3A_24 : i32
    %rem3A = arith.remsi %add3A_10, %jit3A_11 : i32
    %ne3A_25 = arith.constant 0 : i32
    %ne3A_26 = arith.cmpi ne, %rem3A, %ne3A_25 : i32
    %and3A = arith.andi %ne3A, %ne3A_26 : i1
    %sub3A = arith.constant 1 : i32
    %sub3A_27 = arith.subi %div3A, %sub3A : i32
    %select_n3A_28 = arith.select %and3A, %sub3A_27, %div3A : i32
    %while3A = arith.constant 0 : i32
    %while3A_29 = arith.constant 0 : i32
    %while3A_30 = arith.subi %select_n3A_28, %while3A_29 : i32
    %while3A_31 = arith.addi %while3A_29, %while3A_30 : i32
    %while3A_32 = arith.constant 1 : i32
    %while3A_33 = arith.divsi %while3A_30, %while3A_32 : i32
    %while3A_34 = arith.muli %while3A_33, %while3A_32 : i32
    %while3A_35 = arith.addi %while3A_29, %while3A_34 : i32
    %while3A_36 = arith.constant 1 : i32
    scf.for %while3A_52 = %while3A_29 to %while3A_35 step %while3A_36  : i32 {
      %mul3A_53 = arith.constant 2 : i32
      %mul3A_54 = arith.muli %mul3A_53, %while3A_52 : i32
      %add3A_55 = arith.addi %add3A_6, %mul3A_54 : i32
      %add3A_56 = arith.constant 1 : i32
      %add3A_57 = arith.addi %add3A_55, %add3A_56 : i32
      "tpu.region"() ({
        %run_scoped3A_71 = tpu.sem_alloc : memref<!tpu.dma_semaphore, #tpu.memory_space<semaphore_mem>>
        %dma_start3A_72 = arith.constant 0 : i32
        %dma_start3A_73 = tpu.memref_slice %arg4[%add3A_55, %dma_start3A_72] : memref<2500x128xi32, #tpu.memory_space<hbm>> -> memref<1x128xi32, #tpu.memory_space<hbm>>
        %dma_start3A_74 = tpu.memref_squeeze %dma_start3A_73 : memref<1x128xi32, #tpu.memory_space<hbm>> -> memref<128xi32, #tpu.memory_space<hbm>>
        %dma_start3A_75 = arith.constant 0 : i32
        %dma_start3A_76 = tpu.memref_slice %arg4[%add3A_55, %dma_start3A_75] : memref<2500x128xi32, #tpu.memory_space<hbm>> -> memref<1x128xi32, #tpu.memory_space<hbm>>
        %dma_start3A_77 = tpu.memref_squeeze %dma_start3A_76 : memref<1x128xi32, #tpu.memory_space<hbm>> -> memref<128xi32, #tpu.memory_space<hbm>>
        tpu.enqueue_dma source(%dma_start3A_77 : memref<128xi32, #tpu.memory_space<hbm>>) target(%arg8 : memref<128xi32, #tpu.memory_space<vmem>>) target_semaphore(%run_scoped3A_71 : memref<!tpu.dma_semaphore, #tpu.memory_space<semaphore_mem>>)
        %dma_wait3A_78 = arith.constant 0 : i32
        %dma_wait3A_79 = tpu.memref_slice %arg4[%add3A_55, %dma_wait3A_78] : memref<2500x128xi32, #tpu.memory_space<hbm>> -> memref<1x128xi32, #tpu.memory_space<hbm>>
        %dma_wait3A_80 = tpu.memref_squeeze %dma_wait3A_79 : memref<1x128xi32, #tpu.memory_space<hbm>> -> memref<128xi32, #tpu.memory_space<hbm>>
        %dma_wait3A_81 = arith.constant 0 : i32
        %dma_wait3A_82 = tpu.memref_slice %arg4[%add3A_55, %dma_wait3A_81] : memref<2500x128xi32, #tpu.memory_space<hbm>> -> memref<1x128xi32, #tpu.memory_space<hbm>>
        %dma_wait3A_83 = tpu.memref_squeeze %dma_wait3A_82 : memref<1x128xi32, #tpu.memory_space<hbm>> -> memref<128xi32, #tpu.memory_space<hbm>>
        tpu.wait_dma2 semaphore(%run_scoped3A_71 : memref<!tpu.dma_semaphore, #tpu.memory_space<semaphore_mem>>) src(%dma_wait3A_83 : memref<128xi32, #tpu.memory_space<hbm>>) dst(%arg8 : memref<128xi32, #tpu.memory_space<vmem>>)
        tpu.yield
      }) : () -> ()
      "tpu.region"() ({
        %run_scoped3A_71 = tpu.sem_alloc : memref<!tpu.dma_semaphore, #tpu.memory_space<semaphore_mem>>
        %dma_start3A_72 = arith.constant 0 : i32
        %dma_start3A_73 = tpu.memref_slice %arg4[%add3A_57, %dma_start3A_72] : memref<2500x128xi32, #tpu.memory_space<hbm>> -> memref<1x128xi32, #tpu.memory_space<hbm>>
        %dma_start3A_74 = tpu.memref_squeeze %dma_start3A_73 : memref<1x128xi32, #tpu.memory_space<hbm>> -> memref<128xi32, #tpu.memory_space<hbm>>
        %dma_start3A_75 = arith.constant 0 : i32
        %dma_start3A_76 = tpu.memref_slice %arg4[%add3A_57, %dma_start3A_75] : memref<2500x128xi32, #tpu.memory_space<hbm>> -> memref<1x128xi32, #tpu.memory_space<hbm>>
        %dma_start3A_77 = tpu.memref_squeeze %dma_start3A_76 : memref<1x128xi32, #tpu.memory_space<hbm>> -> memref<128xi32, #tpu.memory_space<hbm>>
        tpu.enqueue_dma source(%dma_start3A_77 : memref<128xi32, #tpu.memory_space<hbm>>) target(%arg9 : memref<128xi32, #tpu.memory_space<vmem>>) target_semaphore(%run_scoped3A_71 : memref<!tpu.dma_semaphore, #tpu.memory_space<semaphore_mem>>)
        %dma_wait3A_78 = arith.constant 0 : i32
        %dma_wait3A_79 = tpu.memref_slice %arg4[%add3A_57, %dma_wait3A_78] : memref<2500x128xi32, #tpu.memory_space<hbm>> -> memref<1x128xi32, #tpu.memory_space<hbm>>
        %dma_wait3A_80 = tpu.memref_squeeze %dma_wait3A_79 : memref<1x128xi32, #tpu.memory_space<hbm>> -> memref<128xi32, #tpu.memory_space<hbm>>
        %dma_wait3A_81 = arith.constant 0 : i32
        %dma_wait3A_82 = tpu.memref_slice %arg4[%add3A_57, %dma_wait3A_81] : memref<2500x128xi32, #tpu.memory_space<hbm>> -> memref<1x128xi32, #tpu.memory_space<hbm>>
        %dma_wait3A_83 = tpu.memref_squeeze %dma_wait3A_82 : memref<1x128xi32, #tpu.memory_space<hbm>> -> memref<128xi32, #tpu.memory_space<hbm>>
        tpu.wait_dma2 semaphore(%run_scoped3A_71 : memref<!tpu.dma_semaphore, #tpu.memory_space<semaphore_mem>>) src(%dma_wait3A_83 : memref<128xi32, #tpu.memory_space<hbm>>) dst(%arg9 : memref<128xi32, #tpu.memory_space<vmem>>)
        tpu.yield
      }) : () -> ()
      %dma_start3A = arith.constant 0 : i32
      %dma_start3A_58 = arith.constant 0 : i32
      %dma_start3A_59 = tpu.memref_slice %arg2[%dma_start3A, %dma_start3A_58] : memref<10112x128xf32, #tpu.memory_space<hbm>> -> memref<10112x128xf32, #tpu.memory_space<hbm>>
      tpu.enqueue_indirect_dma source(%dma_start3A_59 : memref<10112x128xf32, #tpu.memory_space<hbm>>) target(%arg10 : memref<128x128xf32, #tpu.memory_space<vmem>>) offsets(%arg8 : memref<128xi32, #tpu.memory_space<vmem>>) semaphore(%arg13 : memref<!tpu.dma_semaphore, #tpu.memory_space<semaphore_mem>>)
      %dma_start3A_60 = arith.constant 0 : i32
      %dma_start3A_61 = arith.constant 0 : i32
      %dma_start3A_62 = tpu.memref_slice %arg2[%dma_start3A_60, %dma_start3A_61] : memref<10112x128xf32, #tpu.memory_space<hbm>> -> memref<10112x128xf32, #tpu.memory_space<hbm>>
      tpu.enqueue_indirect_dma source(%dma_start3A_62 : memref<10112x128xf32, #tpu.memory_space<hbm>>) target(%arg11 : memref<128x128xf32, #tpu.memory_space<vmem>>) offsets(%arg9 : memref<128xi32, #tpu.memory_space<vmem>>) semaphore(%arg14 : memref<!tpu.dma_semaphore, #tpu.memory_space<semaphore_mem>>)
      %run_scoped3A = arith.constant 0 : i32
      "tpu.region"() ({
        %run_scoped3A_71 = tpu.sem_alloc : memref<!tpu.dma_semaphore, #tpu.memory_space<semaphore_mem>>
        %dma_start3A_72 = arith.constant 0 : i32
        %dma_start3A_73 = tpu.memref_slice %arg7[%run_scoped3A, %dma_start3A_72] : memref<2x128xi32, #tpu.memory_space<vmem>> -> memref<1x128xi32, #tpu.memory_space<vmem>>
        %dma_start3A_74 = tpu.memref_squeeze %dma_start3A_73 : memref<1x128xi32, #tpu.memory_space<vmem>> -> memref<128xi32, #tpu.memory_space<vmem>>
        %dma_start3A_75 = arith.constant 0 : i32
        %dma_start3A_76 = tpu.memref_slice %arg3[%add3A_55, %dma_start3A_75] : memref<2500x128xi32, #tpu.memory_space<hbm>> -> memref<1x128xi32, #tpu.memory_space<hbm>>
        %dma_start3A_77 = tpu.memref_squeeze %dma_start3A_76 : memref<1x128xi32, #tpu.memory_space<hbm>> -> memref<128xi32, #tpu.memory_space<hbm>>
        %dma_start3A_78 = arith.constant 0 : i32
        %dma_start3A_79 = tpu.memref_slice %arg7[%run_scoped3A, %dma_start3A_78] : memref<2x128xi32, #tpu.memory_space<vmem>> -> memref<1x128xi32, #tpu.memory_space<vmem>>
        %dma_start3A_80 = tpu.memref_squeeze %dma_start3A_79 : memref<1x128xi32, #tpu.memory_space<vmem>> -> memref<128xi32, #tpu.memory_space<vmem>>
        %dma_start3A_81 = arith.constant 0 : i32
        %dma_start3A_82 = tpu.memref_slice %arg3[%add3A_55, %dma_start3A_81] : memref<2500x128xi32, #tpu.memory_space<hbm>> -> memref<1x128xi32, #tpu.memory_space<hbm>>
        %dma_start3A_83 = tpu.memref_squeeze %dma_start3A_82 : memref<1x128xi32, #tpu.memory_space<hbm>> -> memref<128xi32, #tpu.memory_space<hbm>>
        tpu.enqueue_dma source(%dma_start3A_83 : memref<128xi32, #tpu.memory_space<hbm>>) target(%dma_start3A_80 : memref<128xi32, #tpu.memory_space<vmem>>) target_semaphore(%run_scoped3A_71 : memref<!tpu.dma_semaphore, #tpu.memory_space<semaphore_mem>>)
        %dma_wait3A_84 = arith.constant 0 : i32
        %dma_wait3A_85 = tpu.memref_slice %arg7[%run_scoped3A, %dma_wait3A_84] : memref<2x128xi32, #tpu.memory_space<vmem>> -> memref<1x128xi32, #tpu.memory_space<vmem>>
        %dma_wait3A_86 = tpu.memref_squeeze %dma_wait3A_85 : memref<1x128xi32, #tpu.memory_space<vmem>> -> memref<128xi32, #tpu.memory_space<vmem>>
        %dma_wait3A_87 = arith.constant 0 : i32
        %dma_wait3A_88 = tpu.memref_slice %arg3[%add3A_55, %dma_wait3A_87] : memref<2500x128xi32, #tpu.memory_space<hbm>> -> memref<1x128xi32, #tpu.memory_space<hbm>>
        %dma_wait3A_89 = tpu.memref_squeeze %dma_wait3A_88 : memref<1x128xi32, #tpu.memory_space<hbm>> -> memref<128xi32, #tpu.memory_space<hbm>>
        %dma_wait3A_90 = arith.constant 0 : i32
        %dma_wait3A_91 = tpu.memref_slice %arg7[%run_scoped3A, %dma_wait3A_90] : memref<2x128xi32, #tpu.memory_space<vmem>> -> memref<1x128xi32, #tpu.memory_space<vmem>>
        %dma_wait3A_92 = tpu.memref_squeeze %dma_wait3A_91 : memref<1x128xi32, #tpu.memory_space<vmem>> -> memref<128xi32, #tpu.memory_space<vmem>>
        %dma_wait3A_93 = arith.constant 0 : i32
        %dma_wait3A_94 = tpu.memref_slice %arg3[%add3A_55, %dma_wait3A_93] : memref<2500x128xi32, #tpu.memory_space<hbm>> -> memref<1x128xi32, #tpu.memory_space<hbm>>
        %dma_wait3A_95 = tpu.memref_squeeze %dma_wait3A_94 : memref<1x128xi32, #tpu.memory_space<hbm>> -> memref<128xi32, #tpu.memory_space<hbm>>
        tpu.wait_dma2 semaphore(%run_scoped3A_71 : memref<!tpu.dma_semaphore, #tpu.memory_space<semaphore_mem>>) src(%dma_wait3A_95 : memref<128xi32, #tpu.memory_space<hbm>>) dst(%dma_wait3A_92 : memref<128xi32, #tpu.memory_space<vmem>>)
        tpu.yield
      }) : () -> ()
      %run_scoped3A_63 = arith.constant 1 : i32
      "tpu.region"() ({
        %run_scoped3A_71 = tpu.sem_alloc : memref<!tpu.dma_semaphore, #tpu.memory_space<semaphore_mem>>
        %dma_start3A_72 = arith.constant 0 : i32
        %dma_start3A_73 = tpu.memref_slice %arg7[%run_scoped3A_63, %dma_start3A_72] : memref<2x128xi32, #tpu.memory_space<vmem>> -> memref<1x128xi32, #tpu.memory_space<vmem>>
        %dma_start3A_74 = tpu.memref_squeeze %dma_start3A_73 : memref<1x128xi32, #tpu.memory_space<vmem>> -> memref<128xi32, #tpu.memory_space<vmem>>
        %dma_start3A_75 = arith.constant 0 : i32
        %dma_start3A_76 = tpu.memref_slice %arg3[%add3A_57, %dma_start3A_75] : memref<2500x128xi32, #tpu.memory_space<hbm>> -> memref<1x128xi32, #tpu.memory_space<hbm>>
        %dma_start3A_77 = tpu.memref_squeeze %dma_start3A_76 : memref<1x128xi32, #tpu.memory_space<hbm>> -> memref<128xi32, #tpu.memory_space<hbm>>
        %dma_start3A_78 = arith.constant 0 : i32
        %dma_start3A_79 = tpu.memref_slice %arg7[%run_scoped3A_63, %dma_start3A_78] : memref<2x128xi32, #tpu.memory_space<vmem>> -> memref<1x128xi32, #tpu.memory_space<vmem>>
        %dma_start3A_80 = tpu.memref_squeeze %dma_start3A_79 : memref<1x128xi32, #tpu.memory_space<vmem>> -> memref<128xi32, #tpu.memory_space<vmem>>
        %dma_start3A_81 = arith.constant 0 : i32
        %dma_start3A_82 = tpu.memref_slice %arg3[%add3A_57, %dma_start3A_81] : memref<2500x128xi32, #tpu.memory_space<hbm>> -> memref<1x128xi32, #tpu.memory_space<hbm>>
        %dma_start3A_83 = tpu.memref_squeeze %dma_start3A_82 : memref<1x128xi32, #tpu.memory_space<hbm>> -> memref<128xi32, #tpu.memory_space<hbm>>
        tpu.enqueue_dma source(%dma_start3A_83 : memref<128xi32, #tpu.memory_space<hbm>>) target(%dma_start3A_80 : memref<128xi32, #tpu.memory_space<vmem>>) target_semaphore(%run_scoped3A_71 : memref<!tpu.dma_semaphore, #tpu.memory_space<semaphore_mem>>)
        %dma_wait3A_84 = arith.constant 0 : i32
        %dma_wait3A_85 = tpu.memref_slice %arg7[%run_scoped3A_63, %dma_wait3A_84] : memref<2x128xi32, #tpu.memory_space<vmem>> -> memref<1x128xi32, #tpu.memory_space<vmem>>
        %dma_wait3A_86 = tpu.memref_squeeze %dma_wait3A_85 : memref<1x128xi32, #tpu.memory_space<vmem>> -> memref<128xi32, #tpu.memory_space<vmem>>
        %dma_wait3A_87 = arith.constant 0 : i32
        %dma_wait3A_88 = tpu.memref_slice %arg3[%add3A_57, %dma_wait3A_87] : memref<2500x128xi32, #tpu.memory_space<hbm>> -> memref<1x128xi32, #tpu.memory_space<hbm>>
        %dma_wait3A_89 = tpu.memref_squeeze %dma_wait3A_88 : memref<1x128xi32, #tpu.memory_space<hbm>> -> memref<128xi32, #tpu.memory_space<hbm>>
        %dma_wait3A_90 = arith.constant 0 : i32
        %dma_wait3A_91 = tpu.memref_slice %arg7[%run_scoped3A_63, %dma_wait3A_90] : memref<2x128xi32, #tpu.memory_space<vmem>> -> memref<1x128xi32, #tpu.memory_space<vmem>>
        %dma_wait3A_92 = tpu.memref_squeeze %dma_wait3A_91 : memref<1x128xi32, #tpu.memory_space<vmem>> -> memref<128xi32, #tpu.memory_space<vmem>>
        %dma_wait3A_93 = arith.constant 0 : i32
        %dma_wait3A_94 = tpu.memref_slice %arg3[%add3A_57, %dma_wait3A_93] : memref<2500x128xi32, #tpu.memory_space<hbm>> -> memref<1x128xi32, #tpu.memory_space<hbm>>
        %dma_wait3A_95 = tpu.memref_squeeze %dma_wait3A_94 : memref<1x128xi32, #tpu.memory_space<hbm>> -> memref<128xi32, #tpu.memory_space<hbm>>
        tpu.wait_dma2 semaphore(%run_scoped3A_71 : memref<!tpu.dma_semaphore, #tpu.memory_space<semaphore_mem>>) src(%dma_wait3A_95 : memref<128xi32, #tpu.memory_space<hbm>>) dst(%dma_wait3A_92 : memref<128xi32, #tpu.memory_space<vmem>>)
        tpu.yield
      }) : () -> ()
      %dma_wait3A = arith.constant 0 : i32
      %dma_wait3A_64 = arith.constant 0 : i32
      %dma_wait3A_65 = tpu.memref_slice %arg2[%dma_wait3A, %dma_wait3A_64] : memref<10112x128xf32, #tpu.memory_space<hbm>> -> memref<10112x128xf32, #tpu.memory_space<hbm>>
      tpu.wait_indirect_dma semaphore(%arg13 : memref<!tpu.dma_semaphore, #tpu.memory_space<semaphore_mem>>) src(%dma_wait3A_65 : memref<10112x128xf32, #tpu.memory_space<hbm>>) dst(%arg10 : memref<128x128xf32, #tpu.memory_space<vmem>>)
      %run_scoped3A_66 = arith.constant 0 : i32
      "tpu.region"() ({
        %run_scoped3A_71 = tpu.sem_alloc : memref<!tpu.dma_semaphore, #tpu.memory_space<semaphore_mem>>
        %dma_start3A_72 = arith.constant 0 : i32
        %dma_start3A_73 = tpu.memref_slice %arg7[%run_scoped3A_66, %dma_start3A_72] : memref<2x128xi32, #tpu.memory_space<vmem>> -> memref<1x128xi32, #tpu.memory_space<vmem>>
        %dma_start3A_74 = tpu.memref_squeeze %dma_start3A_73 : memref<1x128xi32, #tpu.memory_space<vmem>> -> memref<128xi32, #tpu.memory_space<vmem>>
        %dma_start3A_75 = arith.constant 0 : i32
        %dma_start3A_76 = arith.constant 0 : i32
        %dma_start3A_77 = tpu.memref_slice %arg12[%dma_start3A_75, %dma_start3A_76] : memref<10112x128xf32, #tpu.memory_space<vmem_shared>> -> memref<10112x128xf32, #tpu.memory_space<vmem_shared>>
        tpu.enqueue_indirect_dma source(%arg10 : memref<128x128xf32, #tpu.memory_space<vmem>>) target(%dma_start3A_77 : memref<10112x128xf32, #tpu.memory_space<vmem_shared>>) offsets(%dma_start3A_74 : memref<128xi32, #tpu.memory_space<vmem>>) semaphore(%run_scoped3A_71 : memref<!tpu.dma_semaphore, #tpu.memory_space<semaphore_mem>>) {add = true}
        %dma_wait3A_78 = arith.constant 0 : i32
        %dma_wait3A_79 = tpu.memref_slice %arg7[%run_scoped3A_66, %dma_wait3A_78] : memref<2x128xi32, #tpu.memory_space<vmem>> -> memref<1x128xi32, #tpu.memory_space<vmem>>
        %dma_wait3A_80 = tpu.memref_squeeze %dma_wait3A_79 : memref<1x128xi32, #tpu.memory_space<vmem>> -> memref<128xi32, #tpu.memory_space<vmem>>
        %dma_wait3A_81 = arith.constant 0 : i32
        %dma_wait3A_82 = arith.constant 0 : i32
        %dma_wait3A_83 = tpu.memref_slice %arg12[%dma_wait3A_81, %dma_wait3A_82] : memref<10112x128xf32, #tpu.memory_space<vmem_shared>> -> memref<10112x128xf32, #tpu.memory_space<vmem_shared>>
        tpu.wait_indirect_dma semaphore(%run_scoped3A_71 : memref<!tpu.dma_semaphore, #tpu.memory_space<semaphore_mem>>) src(%arg10 : memref<128x128xf32, #tpu.memory_space<vmem>>) dst(%dma_wait3A_83 : memref<10112x128xf32, #tpu.memory_space<vmem_shared>>)
        tpu.yield
      }) : () -> ()
      %dma_wait3A_67 = arith.constant 0 : i32
      %dma_wait3A_68 = arith.constant 0 : i32
      %dma_wait3A_69 = tpu.memref_slice %arg2[%dma_wait3A_67, %dma_wait3A_68] : memref<10112x128xf32, #tpu.memory_space<hbm>> -> memref<10112x128xf32, #tpu.memory_space<hbm>>
      tpu.wait_indirect_dma semaphore(%arg14 : memref<!tpu.dma_semaphore, #tpu.memory_space<semaphore_mem>>) src(%dma_wait3A_69 : memref<10112x128xf32, #tpu.memory_space<hbm>>) dst(%arg11 : memref<128x128xf32, #tpu.memory_space<vmem>>)
      %run_scoped3A_70 = arith.constant 1 : i32
      "tpu.region"() ({
        %run_scoped3A_71 = tpu.sem_alloc : memref<!tpu.dma_semaphore, #tpu.memory_space<semaphore_mem>>
        %dma_start3A_72 = arith.constant 0 : i32
        %dma_start3A_73 = tpu.memref_slice %arg7[%run_scoped3A_70, %dma_start3A_72] : memref<2x128xi32, #tpu.memory_space<vmem>> -> memref<1x128xi32, #tpu.memory_space<vmem>>
        %dma_start3A_74 = tpu.memref_squeeze %dma_start3A_73 : memref<1x128xi32, #tpu.memory_space<vmem>> -> memref<128xi32, #tpu.memory_space<vmem>>
        %dma_start3A_75 = arith.constant 0 : i32
        %dma_start3A_76 = arith.constant 0 : i32
        %dma_start3A_77 = tpu.memref_slice %arg12[%dma_start3A_75, %dma_start3A_76] : memref<10112x128xf32, #tpu.memory_space<vmem_shared>> -> memref<10112x128xf32, #tpu.memory_space<vmem_shared>>
        tpu.enqueue_indirect_dma source(%arg11 : memref<128x128xf32, #tpu.memory_space<vmem>>) target(%dma_start3A_77 : memref<10112x128xf32, #tpu.memory_space<vmem_shared>>) offsets(%dma_start3A_74 : memref<128xi32, #tpu.memory_space<vmem>>) semaphore(%run_scoped3A_71 : memref<!tpu.dma_semaphore, #tpu.memory_space<semaphore_mem>>) {add = true}
        %dma_wait3A_78 = arith.constant 0 : i32
        %dma_wait3A_79 = tpu.memref_slice %arg7[%run_scoped3A_70, %dma_wait3A_78] : memref<2x128xi32, #tpu.memory_space<vmem>> -> memref<1x128xi32, #tpu.memory_space<vmem>>
        %dma_wait3A_80 = tpu.memref_squeeze %dma_wait3A_79 : memref<1x128xi32, #tpu.memory_space<vmem>> -> memref<128xi32, #tpu.memory_space<vmem>>
        %dma_wait3A_81 = arith.constant 0 : i32
        %dma_wait3A_82 = arith.constant 0 : i32
        %dma_wait3A_83 = tpu.memref_slice %arg12[%dma_wait3A_81, %dma_wait3A_82] : memref<10112x128xf32, #tpu.memory_space<vmem_shared>> -> memref<10112x128xf32, #tpu.memory_space<vmem_shared>>
        tpu.wait_indirect_dma semaphore(%run_scoped3A_71 : memref<!tpu.dma_semaphore, #tpu.memory_space<semaphore_mem>>) src(%arg11 : memref<128x128xf32, #tpu.memory_space<vmem>>) dst(%dma_wait3A_83 : memref<10112x128xf32, #tpu.memory_space<vmem_shared>>)
        tpu.yield
      }) : () -> ()
    }
    %while3A_37 = arith.constant 1 : i32
    scf.for %while3A_52 = %while3A_35 to %while3A_31 step %while3A_37  : i32 {
      %mul3A_53 = arith.constant 2 : i32
      %mul3A_54 = arith.muli %mul3A_53, %while3A_52 : i32
      %add3A_55 = arith.addi %add3A_6, %mul3A_54 : i32
      %add3A_56 = arith.constant 1 : i32
      %add3A_57 = arith.addi %add3A_55, %add3A_56 : i32
      "tpu.region"() ({
        %run_scoped3A_71 = tpu.sem_alloc : memref<!tpu.dma_semaphore, #tpu.memory_space<semaphore_mem>>
        %dma_start3A_72 = arith.constant 0 : i32
        %dma_start3A_73 = tpu.memref_slice %arg4[%add3A_55, %dma_start3A_72] : memref<2500x128xi32, #tpu.memory_space<hbm>> -> memref<1x128xi32, #tpu.memory_space<hbm>>
        %dma_start3A_74 = tpu.memref_squeeze %dma_start3A_73 : memref<1x128xi32, #tpu.memory_space<hbm>> -> memref<128xi32, #tpu.memory_space<hbm>>
        %dma_start3A_75 = arith.constant 0 : i32
        %dma_start3A_76 = tpu.memref_slice %arg4[%add3A_55, %dma_start3A_75] : memref<2500x128xi32, #tpu.memory_space<hbm>> -> memref<1x128xi32, #tpu.memory_space<hbm>>
        %dma_start3A_77 = tpu.memref_squeeze %dma_start3A_76 : memref<1x128xi32, #tpu.memory_space<hbm>> -> memref<128xi32, #tpu.memory_space<hbm>>
        tpu.enqueue_dma source(%dma_start3A_77 : memref<128xi32, #tpu.memory_space<hbm>>) target(%arg8 : memref<128xi32, #tpu.memory_space<vmem>>) target_semaphore(%run_scoped3A_71 : memref<!tpu.dma_semaphore, #tpu.memory_space<semaphore_mem>>)
        %dma_wait3A_78 = arith.constant 0 : i32
        %dma_wait3A_79 = tpu.memref_slice %arg4[%add3A_55, %dma_wait3A_78] : memref<2500x128xi32, #tpu.memory_space<hbm>> -> memref<1x128xi32, #tpu.memory_space<hbm>>
        %dma_wait3A_80 = tpu.memref_squeeze %dma_wait3A_79 : memref<1x128xi32, #tpu.memory_space<hbm>> -> memref<128xi32, #tpu.memory_space<hbm>>
        %dma_wait3A_81 = arith.constant 0 : i32
        %dma_wait3A_82 = tpu.memref_slice %arg4[%add3A_55, %dma_wait3A_81] : memref<2500x128xi32, #tpu.memory_space<hbm>> -> memref<1x128xi32, #tpu.memory_space<hbm>>
        %dma_wait3A_83 = tpu.memref_squeeze %dma_wait3A_82 : memref<1x128xi32, #tpu.memory_space<hbm>> -> memref<128xi32, #tpu.memory_space<hbm>>
        tpu.wait_dma2 semaphore(%run_scoped3A_71 : memref<!tpu.dma_semaphore, #tpu.memory_space<semaphore_mem>>) src(%dma_wait3A_83 : memref<128xi32, #tpu.memory_space<hbm>>) dst(%arg8 : memref<128xi32, #tpu.memory_space<vmem>>)
        tpu.yield
      }) : () -> ()
      "tpu.region"() ({
        %run_scoped3A_71 = tpu.sem_alloc : memref<!tpu.dma_semaphore, #tpu.memory_space<semaphore_mem>>
        %dma_start3A_72 = arith.constant 0 : i32
        %dma_start3A_73 = tpu.memref_slice %arg4[%add3A_57, %dma_start3A_72] : memref<2500x128xi32, #tpu.memory_space<hbm>> -> memref<1x128xi32, #tpu.memory_space<hbm>>
        %dma_start3A_74 = tpu.memref_squeeze %dma_start3A_73 : memref<1x128xi32, #tpu.memory_space<hbm>> -> memref<128xi32, #tpu.memory_space<hbm>>
        %dma_start3A_75 = arith.constant 0 : i32
        %dma_start3A_76 = tpu.memref_slice %arg4[%add3A_57, %dma_start3A_75] : memref<2500x128xi32, #tpu.memory_space<hbm>> -> memref<1x128xi32, #tpu.memory_space<hbm>>
        %dma_start3A_77 = tpu.memref_squeeze %dma_start3A_76 : memref<1x128xi32, #tpu.memory_space<hbm>> -> memref<128xi32, #tpu.memory_space<hbm>>
        tpu.enqueue_dma source(%dma_start3A_77 : memref<128xi32, #tpu.memory_space<hbm>>) target(%arg9 : memref<128xi32, #tpu.memory_space<vmem>>) target_semaphore(%run_scoped3A_71 : memref<!tpu.dma_semaphore, #tpu.memory_space<semaphore_mem>>)
        %dma_wait3A_78 = arith.constant 0 : i32
        %dma_wait3A_79 = tpu.memref_slice %arg4[%add3A_57, %dma_wait3A_78] : memref<2500x128xi32, #tpu.memory_space<hbm>> -> memref<1x128xi32, #tpu.memory_space<hbm>>
        %dma_wait3A_80 = tpu.memref_squeeze %dma_wait3A_79 : memref<1x128xi32, #tpu.memory_space<hbm>> -> memref<128xi32, #tpu.memory_space<hbm>>
        %dma_wait3A_81 = arith.constant 0 : i32
        %dma_wait3A_82 = tpu.memref_slice %arg4[%add3A_57, %dma_wait3A_81] : memref<2500x128xi32, #tpu.memory_space<hbm>> -> memref<1x128xi32, #tpu.memory_space<hbm>>
        %dma_wait3A_83 = tpu.memref_squeeze %dma_wait3A_82 : memref<1x128xi32, #tpu.memory_space<hbm>> -> memref<128xi32, #tpu.memory_space<hbm>>
        tpu.wait_dma2 semaphore(%run_scoped3A_71 : memref<!tpu.dma_semaphore, #tpu.memory_space<semaphore_mem>>) src(%dma_wait3A_83 : memref<128xi32, #tpu.memory_space<hbm>>) dst(%arg9 : memref<128xi32, #tpu.memory_space<vmem>>)
        tpu.yield
      }) : () -> ()
      %dma_start3A = arith.constant 0 : i32
      %dma_start3A_58 = arith.constant 0 : i32
      %dma_start3A_59 = tpu.memref_slice %arg2[%dma_start3A, %dma_start3A_58] : memref<10112x128xf32, #tpu.memory_space<hbm>> -> memref<10112x128xf32, #tpu.memory_space<hbm>>
      tpu.enqueue_indirect_dma source(%dma_start3A_59 : memref<10112x128xf32, #tpu.memory_space<hbm>>) target(%arg10 : memref<128x128xf32, #tpu.memory_space<vmem>>) offsets(%arg8 : memref<128xi32, #tpu.memory_space<vmem>>) semaphore(%arg13 : memref<!tpu.dma_semaphore, #tpu.memory_space<semaphore_mem>>)
      %dma_start3A_60 = arith.constant 0 : i32
      %dma_start3A_61 = arith.constant 0 : i32
      %dma_start3A_62 = tpu.memref_slice %arg2[%dma_start3A_60, %dma_start3A_61] : memref<10112x128xf32, #tpu.memory_space<hbm>> -> memref<10112x128xf32, #tpu.memory_space<hbm>>
      tpu.enqueue_indirect_dma source(%dma_start3A_62 : memref<10112x128xf32, #tpu.memory_space<hbm>>) target(%arg11 : memref<128x128xf32, #tpu.memory_space<vmem>>) offsets(%arg9 : memref<128xi32, #tpu.memory_space<vmem>>) semaphore(%arg14 : memref<!tpu.dma_semaphore, #tpu.memory_space<semaphore_mem>>)
      %run_scoped3A = arith.constant 0 : i32
      "tpu.region"() ({
        %run_scoped3A_71 = tpu.sem_alloc : memref<!tpu.dma_semaphore, #tpu.memory_space<semaphore_mem>>
        %dma_start3A_72 = arith.constant 0 : i32
        %dma_start3A_73 = tpu.memref_slice %arg7[%run_scoped3A, %dma_start3A_72] : memref<2x128xi32, #tpu.memory_space<vmem>> -> memref<1x128xi32, #tpu.memory_space<vmem>>
        %dma_start3A_74 = tpu.memref_squeeze %dma_start3A_73 : memref<1x128xi32, #tpu.memory_space<vmem>> -> memref<128xi32, #tpu.memory_space<vmem>>
        %dma_start3A_75 = arith.constant 0 : i32
        %dma_start3A_76 = tpu.memref_slice %arg3[%add3A_55, %dma_start3A_75] : memref<2500x128xi32, #tpu.memory_space<hbm>> -> memref<1x128xi32, #tpu.memory_space<hbm>>
        %dma_start3A_77 = tpu.memref_squeeze %dma_start3A_76 : memref<1x128xi32, #tpu.memory_space<hbm>> -> memref<128xi32, #tpu.memory_space<hbm>>
        %dma_start3A_78 = arith.constant 0 : i32
        %dma_start3A_79 = tpu.memref_slice %arg7[%run_scoped3A, %dma_start3A_78] : memref<2x128xi32, #tpu.memory_space<vmem>> -> memref<1x128xi32, #tpu.memory_space<vmem>>
        %dma_start3A_80 = tpu.memref_squeeze %dma_start3A_79 : memref<1x128xi32, #tpu.memory_space<vmem>> -> memref<128xi32, #tpu.memory_space<vmem>>
        %dma_start3A_81 = arith.constant 0 : i32
        %dma_start3A_82 = tpu.memref_slice %arg3[%add3A_55, %dma_start3A_81] : memref<2500x128xi32, #tpu.memory_space<hbm>> -> memref<1x128xi32, #tpu.memory_space<hbm>>
        %dma_start3A_83 = tpu.memref_squeeze %dma_start3A_82 : memref<1x128xi32, #tpu.memory_space<hbm>> -> memref<128xi32, #tpu.memory_space<hbm>>
        tpu.enqueue_dma source(%dma_start3A_83 : memref<128xi32, #tpu.memory_space<hbm>>) target(%dma_start3A_80 : memref<128xi32, #tpu.memory_space<vmem>>) target_semaphore(%run_scoped3A_71 : memref<!tpu.dma_semaphore, #tpu.memory_space<semaphore_mem>>)
        %dma_wait3A_84 = arith.constant 0 : i32
        %dma_wait3A_85 = tpu.memref_slice %arg7[%run_scoped3A, %dma_wait3A_84] : memref<2x128xi32, #tpu.memory_space<vmem>> -> memref<1x128xi32, #tpu.memory_space<vmem>>
        %dma_wait3A_86 = tpu.memref_squeeze %dma_wait3A_85 : memref<1x128xi32, #tpu.memory_space<vmem>> -> memref<128xi32, #tpu.memory_space<vmem>>
        %dma_wait3A_87 = arith.constant 0 : i32
        %dma_wait3A_88 = tpu.memref_slice %arg3[%add3A_55, %dma_wait3A_87] : memref<2500x128xi32, #tpu.memory_space<hbm>> -> memref<1x128xi32, #tpu.memory_space<hbm>>
        %dma_wait3A_89 = tpu.memref_squeeze %dma_wait3A_88 : memref<1x128xi32, #tpu.memory_space<hbm>> -> memref<128xi32, #tpu.memory_space<hbm>>
        %dma_wait3A_90 = arith.constant 0 : i32
        %dma_wait3A_91 = tpu.memref_slice %arg7[%run_scoped3A, %dma_wait3A_90] : memref<2x128xi32, #tpu.memory_space<vmem>> -> memref<1x128xi32, #tpu.memory_space<vmem>>
        %dma_wait3A_92 = tpu.memref_squeeze %dma_wait3A_91 : memref<1x128xi32, #tpu.memory_space<vmem>> -> memref<128xi32, #tpu.memory_space<vmem>>
        %dma_wait3A_93 = arith.constant 0 : i32
        %dma_wait3A_94 = tpu.memref_slice %arg3[%add3A_55, %dma_wait3A_93] : memref<2500x128xi32, #tpu.memory_space<hbm>> -> memref<1x128xi32, #tpu.memory_space<hbm>>
        %dma_wait3A_95 = tpu.memref_squeeze %dma_wait3A_94 : memref<1x128xi32, #tpu.memory_space<hbm>> -> memref<128xi32, #tpu.memory_space<hbm>>
        tpu.wait_dma2 semaphore(%run_scoped3A_71 : memref<!tpu.dma_semaphore, #tpu.memory_space<semaphore_mem>>) src(%dma_wait3A_95 : memref<128xi32, #tpu.memory_space<hbm>>) dst(%dma_wait3A_92 : memref<128xi32, #tpu.memory_space<vmem>>)
        tpu.yield
      }) : () -> ()
      %run_scoped3A_63 = arith.constant 1 : i32
      "tpu.region"() ({
        %run_scoped3A_71 = tpu.sem_alloc : memref<!tpu.dma_semaphore, #tpu.memory_space<semaphore_mem>>
        %dma_start3A_72 = arith.constant 0 : i32
        %dma_start3A_73 = tpu.memref_slice %arg7[%run_scoped3A_63, %dma_start3A_72] : memref<2x128xi32, #tpu.memory_space<vmem>> -> memref<1x128xi32, #tpu.memory_space<vmem>>
        %dma_start3A_74 = tpu.memref_squeeze %dma_start3A_73 : memref<1x128xi32, #tpu.memory_space<vmem>> -> memref<128xi32, #tpu.memory_space<vmem>>
        %dma_start3A_75 = arith.constant 0 : i32
        %dma_start3A_76 = tpu.memref_slice %arg3[%add3A_57, %dma_start3A_75] : memref<2500x128xi32, #tpu.memory_space<hbm>> -> memref<1x128xi32, #tpu.memory_space<hbm>>
        %dma_start3A_77 = tpu.memref_squeeze %dma_start3A_76 : memref<1x128xi32, #tpu.memory_space<hbm>> -> memref<128xi32, #tpu.memory_space<hbm>>
        %dma_start3A_78 = arith.constant 0 : i32
        %dma_start3A_79 = tpu.memref_slice %arg7[%run_scoped3A_63, %dma_start3A_78] : memref<2x128xi32, #tpu.memory_space<vmem>> -> memref<1x128xi32, #tpu.memory_space<vmem>>
        %dma_start3A_80 = tpu.memref_squeeze %dma_start3A_79 : memref<1x128xi32, #tpu.memory_space<vmem>> -> memref<128xi32, #tpu.memory_space<vmem>>
        %dma_start3A_81 = arith.constant 0 : i32
        %dma_start3A_82 = tpu.memref_slice %arg3[%add3A_57, %dma_start3A_81] : memref<2500x128xi32, #tpu.memory_space<hbm>> -> memref<1x128xi32, #tpu.memory_space<hbm>>
        %dma_start3A_83 = tpu.memref_squeeze %dma_start3A_82 : memref<1x128xi32, #tpu.memory_space<hbm>> -> memref<128xi32, #tpu.memory_space<hbm>>
        tpu.enqueue_dma source(%dma_start3A_83 : memref<128xi32, #tpu.memory_space<hbm>>) target(%dma_start3A_80 : memref<128xi32, #tpu.memory_space<vmem>>) target_semaphore(%run_scoped3A_71 : memref<!tpu.dma_semaphore, #tpu.memory_space<semaphore_mem>>)
        %dma_wait3A_84 = arith.constant 0 : i32
        %dma_wait3A_85 = tpu.memref_slice %arg7[%run_scoped3A_63, %dma_wait3A_84] : memref<2x128xi32, #tpu.memory_space<vmem>> -> memref<1x128xi32, #tpu.memory_space<vmem>>
        %dma_wait3A_86 = tpu.memref_squeeze %dma_wait3A_85 : memref<1x128xi32, #tpu.memory_space<vmem>> -> memref<128xi32, #tpu.memory_space<vmem>>
        %dma_wait3A_87 = arith.constant 0 : i32
        %dma_wait3A_88 = tpu.memref_slice %arg3[%add3A_57, %dma_wait3A_87] : memref<2500x128xi32, #tpu.memory_space<hbm>> -> memref<1x128xi32, #tpu.memory_space<hbm>>
        %dma_wait3A_89 = tpu.memref_squeeze %dma_wait3A_88 : memref<1x128xi32, #tpu.memory_space<hbm>> -> memref<128xi32, #tpu.memory_space<hbm>>
        %dma_wait3A_90 = arith.constant 0 : i32
        %dma_wait3A_91 = tpu.memref_slice %arg7[%run_scoped3A_63, %dma_wait3A_90] : memref<2x128xi32, #tpu.memory_space<vmem>> -> memref<1x128xi32, #tpu.memory_space<vmem>>
        %dma_wait3A_92 = tpu.memref_squeeze %dma_wait3A_91 : memref<1x128xi32, #tpu.memory_space<vmem>> -> memref<128xi32, #tpu.memory_space<vmem>>
        %dma_wait3A_93 = arith.constant 0 : i32
        %dma_wait3A_94 = tpu.memref_slice %arg3[%add3A_57, %dma_wait3A_93] : memref<2500x128xi32, #tpu.memory_space<hbm>> -> memref<1x128xi32, #tpu.memory_space<hbm>>
        %dma_wait3A_95 = tpu.memref_squeeze %dma_wait3A_94 : memref<1x128xi32, #tpu.memory_space<hbm>> -> memref<128xi32, #tpu.memory_space<hbm>>
        tpu.wait_dma2 semaphore(%run_scoped3A_71 : memref<!tpu.dma_semaphore, #tpu.memory_space<semaphore_mem>>) src(%dma_wait3A_95 : memref<128xi32, #tpu.memory_space<hbm>>) dst(%dma_wait3A_92 : memref<128xi32, #tpu.memory_space<vmem>>)
        tpu.yield
      }) : () -> ()
      %dma_wait3A = arith.constant 0 : i32
      %dma_wait3A_64 = arith.constant 0 : i32
      %dma_wait3A_65 = tpu.memref_slice %arg2[%dma_wait3A, %dma_wait3A_64] : memref<10112x128xf32, #tpu.memory_space<hbm>> -> memref<10112x128xf32, #tpu.memory_space<hbm>>
      tpu.wait_indirect_dma semaphore(%arg13 : memref<!tpu.dma_semaphore, #tpu.memory_space<semaphore_mem>>) src(%dma_wait3A_65 : memref<10112x128xf32, #tpu.memory_space<hbm>>) dst(%arg10 : memref<128x128xf32, #tpu.memory_space<vmem>>)
      %run_scoped3A_66 = arith.constant 0 : i32
      "tpu.region"() ({
        %run_scoped3A_71 = tpu.sem_alloc : memref<!tpu.dma_semaphore, #tpu.memory_space<semaphore_mem>>
        %dma_start3A_72 = arith.constant 0 : i32
        %dma_start3A_73 = tpu.memref_slice %arg7[%run_scoped3A_66, %dma_start3A_72] : memref<2x128xi32, #tpu.memory_space<vmem>> -> memref<1x128xi32, #tpu.memory_space<vmem>>
        %dma_start3A_74 = tpu.memref_squeeze %dma_start3A_73 : memref<1x128xi32, #tpu.memory_space<vmem>> -> memref<128xi32, #tpu.memory_space<vmem>>
        %dma_start3A_75 = arith.constant 0 : i32
        %dma_start3A_76 = arith.constant 0 : i32
        %dma_start3A_77 = tpu.memref_slice %arg12[%dma_start3A_75, %dma_start3A_76] : memref<10112x128xf32, #tpu.memory_space<vmem_shared>> -> memref<10112x128xf32, #tpu.memory_space<vmem_shared>>
        tpu.enqueue_indirect_dma source(%arg10 : memref<128x128xf32, #tpu.memory_space<vmem>>) target(%dma_start3A_77 : memref<10112x128xf32, #tpu.memory_space<vmem_shared>>) offsets(%dma_start3A_74 : memref<128xi32, #tpu.memory_space<vmem>>) semaphore(%run_scoped3A_71 : memref<!tpu.dma_semaphore, #tpu.memory_space<semaphore_mem>>) {add = true}
        %dma_wait3A_78 = arith.constant 0 : i32
        %dma_wait3A_79 = tpu.memref_slice %arg7[%run_scoped3A_66, %dma_wait3A_78] : memref<2x128xi32, #tpu.memory_space<vmem>> -> memref<1x128xi32, #tpu.memory_space<vmem>>
        %dma_wait3A_80 = tpu.memref_squeeze %dma_wait3A_79 : memref<1x128xi32, #tpu.memory_space<vmem>> -> memref<128xi32, #tpu.memory_space<vmem>>
        %dma_wait3A_81 = arith.constant 0 : i32
        %dma_wait3A_82 = arith.constant 0 : i32
        %dma_wait3A_83 = tpu.memref_slice %arg12[%dma_wait3A_81, %dma_wait3A_82] : memref<10112x128xf32, #tpu.memory_space<vmem_shared>> -> memref<10112x128xf32, #tpu.memory_space<vmem_shared>>
        tpu.wait_indirect_dma semaphore(%run_scoped3A_71 : memref<!tpu.dma_semaphore, #tpu.memory_space<semaphore_mem>>) src(%arg10 : memref<128x128xf32, #tpu.memory_space<vmem>>) dst(%dma_wait3A_83 : memref<10112x128xf32, #tpu.memory_space<vmem_shared>>)
        tpu.yield
      }) : () -> ()
      %dma_wait3A_67 = arith.constant 0 : i32
      %dma_wait3A_68 = arith.constant 0 : i32
      %dma_wait3A_69 = tpu.memref_slice %arg2[%dma_wait3A_67, %dma_wait3A_68] : memref<10112x128xf32, #tpu.memory_space<hbm>> -> memref<10112x128xf32, #tpu.memory_space<hbm>>
      tpu.wait_indirect_dma semaphore(%arg14 : memref<!tpu.dma_semaphore, #tpu.memory_space<semaphore_mem>>) src(%dma_wait3A_69 : memref<10112x128xf32, #tpu.memory_space<hbm>>) dst(%arg11 : memref<128x128xf32, #tpu.memory_space<vmem>>)
      %run_scoped3A_70 = arith.constant 1 : i32
      "tpu.region"() ({
        %run_scoped3A_71 = tpu.sem_alloc : memref<!tpu.dma_semaphore, #tpu.memory_space<semaphore_mem>>
        %dma_start3A_72 = arith.constant 0 : i32
        %dma_start3A_73 = tpu.memref_slice %arg7[%run_scoped3A_70, %dma_start3A_72] : memref<2x128xi32, #tpu.memory_space<vmem>> -> memref<1x128xi32, #tpu.memory_space<vmem>>
        %dma_start3A_74 = tpu.memref_squeeze %dma_start3A_73 : memref<1x128xi32, #tpu.memory_space<vmem>> -> memref<128xi32, #tpu.memory_space<vmem>>
        %dma_start3A_75 = arith.constant 0 : i32
        %dma_start3A_76 = arith.constant 0 : i32
        %dma_start3A_77 = tpu.memref_slice %arg12[%dma_start3A_75, %dma_start3A_76] : memref<10112x128xf32, #tpu.memory_space<vmem_shared>> -> memref<10112x128xf32, #tpu.memory_space<vmem_shared>>
        tpu.enqueue_indirect_dma source(%arg11 : memref<128x128xf32, #tpu.memory_space<vmem>>) target(%dma_start3A_77 : memref<10112x128xf32, #tpu.memory_space<vmem_shared>>) offsets(%dma_start3A_74 : memref<128xi32, #tpu.memory_space<vmem>>) semaphore(%run_scoped3A_71 : memref<!tpu.dma_semaphore, #tpu.memory_space<semaphore_mem>>) {add = true}
        %dma_wait3A_78 = arith.constant 0 : i32
        %dma_wait3A_79 = tpu.memref_slice %arg7[%run_scoped3A_70, %dma_wait3A_78] : memref<2x128xi32, #tpu.memory_space<vmem>> -> memref<1x128xi32, #tpu.memory_space<vmem>>
        %dma_wait3A_80 = tpu.memref_squeeze %dma_wait3A_79 : memref<1x128xi32, #tpu.memory_space<vmem>> -> memref<128xi32, #tpu.memory_space<vmem>>
        %dma_wait3A_81 = arith.constant 0 : i32
        %dma_wait3A_82 = arith.constant 0 : i32
        %dma_wait3A_83 = tpu.memref_slice %arg12[%dma_wait3A_81, %dma_wait3A_82] : memref<10112x128xf32, #tpu.memory_space<vmem_shared>> -> memref<10112x128xf32, #tpu.memory_space<vmem_shared>>
        tpu.wait_indirect_dma semaphore(%run_scoped3A_71 : memref<!tpu.dma_semaphore, #tpu.memory_space<semaphore_mem>>) src(%arg11 : memref<128x128xf32, #tpu.memory_space<vmem>>) dst(%dma_wait3A_83 : memref<10112x128xf32, #tpu.memory_space<vmem_shared>>)
        tpu.yield
      }) : () -> ()
    }
    %mul3A_38 = arith.constant 2 : i32
    %mul3A_39 = arith.muli %mul3A_38, %select_n3A_28 : i32
    %sub3A_40 = arith.subi %add3A_10, %mul3A_39 : i32
    %while3A_41 = arith.constant 0 : i32
    %while3A_42 = arith.constant 0 : i32
    %while3A_43 = arith.subi %sub3A_40, %while3A_42 : i32
    %while3A_44 = arith.addi %while3A_42, %while3A_43 : i32
    %while3A_45 = arith.constant 1 : i32
    %while3A_46 = arith.divsi %while3A_43, %while3A_45 : i32
    %while3A_47 = arith.muli %while3A_46, %while3A_45 : i32
    %while3A_48 = arith.addi %while3A_42, %while3A_47 : i32
    %while3A_49 = arith.constant 1 : i32
    scf.for %while3A_52 = %while3A_42 to %while3A_48 step %while3A_49  : i32 {
      %mul3A_53 = arith.constant 2 : i32
      %mul3A_54 = arith.muli %mul3A_53, %select_n3A_28 : i32
      %add3A_55 = arith.addi %add3A_6, %mul3A_54 : i32
      %add3A_56 = arith.addi %add3A_55, %while3A_52 : i32
      "tpu.region"() ({
        %run_scoped3A_62 = tpu.sem_alloc : memref<!tpu.dma_semaphore, #tpu.memory_space<semaphore_mem>>
        %dma_start3A_63 = arith.constant 0 : i32
        %dma_start3A_64 = tpu.memref_slice %arg4[%add3A_56, %dma_start3A_63] : memref<2500x128xi32, #tpu.memory_space<hbm>> -> memref<1x128xi32, #tpu.memory_space<hbm>>
        %dma_start3A_65 = tpu.memref_squeeze %dma_start3A_64 : memref<1x128xi32, #tpu.memory_space<hbm>> -> memref<128xi32, #tpu.memory_space<hbm>>
        %dma_start3A_66 = arith.constant 0 : i32
        %dma_start3A_67 = tpu.memref_slice %arg4[%add3A_56, %dma_start3A_66] : memref<2500x128xi32, #tpu.memory_space<hbm>> -> memref<1x128xi32, #tpu.memory_space<hbm>>
        %dma_start3A_68 = tpu.memref_squeeze %dma_start3A_67 : memref<1x128xi32, #tpu.memory_space<hbm>> -> memref<128xi32, #tpu.memory_space<hbm>>
        tpu.enqueue_dma source(%dma_start3A_68 : memref<128xi32, #tpu.memory_space<hbm>>) target(%arg8 : memref<128xi32, #tpu.memory_space<vmem>>) target_semaphore(%run_scoped3A_62 : memref<!tpu.dma_semaphore, #tpu.memory_space<semaphore_mem>>)
        %dma_wait3A_69 = arith.constant 0 : i32
        %dma_wait3A_70 = tpu.memref_slice %arg4[%add3A_56, %dma_wait3A_69] : memref<2500x128xi32, #tpu.memory_space<hbm>> -> memref<1x128xi32, #tpu.memory_space<hbm>>
        %dma_wait3A_71 = tpu.memref_squeeze %dma_wait3A_70 : memref<1x128xi32, #tpu.memory_space<hbm>> -> memref<128xi32, #tpu.memory_space<hbm>>
        %dma_wait3A_72 = arith.constant 0 : i32
        %dma_wait3A_73 = tpu.memref_slice %arg4[%add3A_56, %dma_wait3A_72] : memref<2500x128xi32, #tpu.memory_space<hbm>> -> memref<1x128xi32, #tpu.memory_space<hbm>>
        %dma_wait3A_74 = tpu.memref_squeeze %dma_wait3A_73 : memref<1x128xi32, #tpu.memory_space<hbm>> -> memref<128xi32, #tpu.memory_space<hbm>>
        tpu.wait_dma2 semaphore(%run_scoped3A_62 : memref<!tpu.dma_semaphore, #tpu.memory_space<semaphore_mem>>) src(%dma_wait3A_74 : memref<128xi32, #tpu.memory_space<hbm>>) dst(%arg8 : memref<128xi32, #tpu.memory_space<vmem>>)
        tpu.yield
      }) : () -> ()
      %dma_start3A = arith.constant 0 : i32
      %dma_start3A_57 = arith.constant 0 : i32
      %dma_start3A_58 = tpu.memref_slice %arg2[%dma_start3A, %dma_start3A_57] : memref<10112x128xf32, #tpu.memory_space<hbm>> -> memref<10112x128xf32, #tpu.memory_space<hbm>>
      tpu.enqueue_indirect_dma source(%dma_start3A_58 : memref<10112x128xf32, #tpu.memory_space<hbm>>) target(%arg10 : memref<128x128xf32, #tpu.memory_space<vmem>>) offsets(%arg8 : memref<128xi32, #tpu.memory_space<vmem>>) semaphore(%arg13 : memref<!tpu.dma_semaphore, #tpu.memory_space<semaphore_mem>>)
      %run_scoped3A = arith.constant 0 : i32
      "tpu.region"() ({
        %run_scoped3A_62 = tpu.sem_alloc : memref<!tpu.dma_semaphore, #tpu.memory_space<semaphore_mem>>
        %dma_start3A_63 = arith.constant 0 : i32
        %dma_start3A_64 = tpu.memref_slice %arg7[%run_scoped3A, %dma_start3A_63] : memref<2x128xi32, #tpu.memory_space<vmem>> -> memref<1x128xi32, #tpu.memory_space<vmem>>
        %dma_start3A_65 = tpu.memref_squeeze %dma_start3A_64 : memref<1x128xi32, #tpu.memory_space<vmem>> -> memref<128xi32, #tpu.memory_space<vmem>>
        %dma_start3A_66 = arith.constant 0 : i32
        %dma_start3A_67 = tpu.memref_slice %arg3[%add3A_56, %dma_start3A_66] : memref<2500x128xi32, #tpu.memory_space<hbm>> -> memref<1x128xi32, #tpu.memory_space<hbm>>
        %dma_start3A_68 = tpu.memref_squeeze %dma_start3A_67 : memref<1x128xi32, #tpu.memory_space<hbm>> -> memref<128xi32, #tpu.memory_space<hbm>>
        %dma_start3A_69 = arith.constant 0 : i32
        %dma_start3A_70 = tpu.memref_slice %arg7[%run_scoped3A, %dma_start3A_69] : memref<2x128xi32, #tpu.memory_space<vmem>> -> memref<1x128xi32, #tpu.memory_space<vmem>>
        %dma_start3A_71 = tpu.memref_squeeze %dma_start3A_70 : memref<1x128xi32, #tpu.memory_space<vmem>> -> memref<128xi32, #tpu.memory_space<vmem>>
        %dma_start3A_72 = arith.constant 0 : i32
        %dma_start3A_73 = tpu.memref_slice %arg3[%add3A_56, %dma_start3A_72] : memref<2500x128xi32, #tpu.memory_space<hbm>> -> memref<1x128xi32, #tpu.memory_space<hbm>>
        %dma_start3A_74 = tpu.memref_squeeze %dma_start3A_73 : memref<1x128xi32, #tpu.memory_space<hbm>> -> memref<128xi32, #tpu.memory_space<hbm>>
        tpu.enqueue_dma source(%dma_start3A_74 : memref<128xi32, #tpu.memory_space<hbm>>) target(%dma_start3A_71 : memref<128xi32, #tpu.memory_space<vmem>>) target_semaphore(%run_scoped3A_62 : memref<!tpu.dma_semaphore, #tpu.memory_space<semaphore_mem>>)
        %dma_wait3A_75 = arith.constant 0 : i32
        %dma_wait3A_76 = tpu.memref_slice %arg7[%run_scoped3A, %dma_wait3A_75] : memref<2x128xi32, #tpu.memory_space<vmem>> -> memref<1x128xi32, #tpu.memory_space<vmem>>
        %dma_wait3A_77 = tpu.memref_squeeze %dma_wait3A_76 : memref<1x128xi32, #tpu.memory_space<vmem>> -> memref<128xi32, #tpu.memory_space<vmem>>
        %dma_wait3A_78 = arith.constant 0 : i32
        %dma_wait3A_79 = tpu.memref_slice %arg3[%add3A_56, %dma_wait3A_78] : memref<2500x128xi32, #tpu.memory_space<hbm>> -> memref<1x128xi32, #tpu.memory_space<hbm>>
        %dma_wait3A_80 = tpu.memref_squeeze %dma_wait3A_79 : memref<1x128xi32, #tpu.memory_space<hbm>> -> memref<128xi32, #tpu.memory_space<hbm>>
        %dma_wait3A_81 = arith.constant 0 : i32
        %dma_wait3A_82 = tpu.memref_slice %arg7[%run_scoped3A, %dma_wait3A_81] : memref<2x128xi32, #tpu.memory_space<vmem>> -> memref<1x128xi32, #tpu.memory_space<vmem>>
        %dma_wait3A_83 = tpu.memref_squeeze %dma_wait3A_82 : memref<1x128xi32, #tpu.memory_space<vmem>> -> memref<128xi32, #tpu.memory_space<vmem>>
        %dma_wait3A_84 = arith.constant 0 : i32
        %dma_wait3A_85 = tpu.memref_slice %arg3[%add3A_56, %dma_wait3A_84] : memref<2500x128xi32, #tpu.memory_space<hbm>> -> memref<1x128xi32, #tpu.memory_space<hbm>>
        %dma_wait3A_86 = tpu.memref_squeeze %dma_wait3A_85 : memref<1x128xi32, #tpu.memory_space<hbm>> -> memref<128xi32, #tpu.memory_space<hbm>>
        tpu.wait_dma2 semaphore(%run_scoped3A_62 : memref<!tpu.dma_semaphore, #tpu.memory_space<semaphore_mem>>) src(%dma_wait3A_86 : memref<128xi32, #tpu.memory_space<hbm>>) dst(%dma_wait3A_83 : memref<128xi32, #tpu.memory_space<vmem>>)
        tpu.yield
      }) : () -> ()
      %dma_wait3A = arith.constant 0 : i32
      %dma_wait3A_59 = arith.constant 0 : i32
      %dma_wait3A_60 = tpu.memref_slice %arg2[%dma_wait3A, %dma_wait3A_59] : memref<10112x128xf32, #tpu.memory_space<hbm>> -> memref<10112x128xf32, #tpu.memory_space<hbm>>
      tpu.wait_indirect_dma semaphore(%arg13 : memref<!tpu.dma_semaphore, #tpu.memory_space<semaphore_mem>>) src(%dma_wait3A_60 : memref<10112x128xf32, #tpu.memory_space<hbm>>) dst(%arg10 : memref<128x128xf32, #tpu.memory_space<vmem>>)
      %run_scoped3A_61 = arith.constant 0 : i32
      "tpu.region"() ({
        %run_scoped3A_62 = tpu.sem_alloc : memref<!tpu.dma_semaphore, #tpu.memory_space<semaphore_mem>>
        %dma_start3A_63 = arith.constant 0 : i32
        %dma_start3A_64 = tpu.memref_slice %arg7[%run_scoped3A_61, %dma_start3A_63] : memref<2x128xi32, #tpu.memory_space<vmem>> -> memref<1x128xi32, #tpu.memory_space<vmem>>
        %dma_start3A_65 = tpu.memref_squeeze %dma_start3A_64 : memref<1x128xi32, #tpu.memory_space<vmem>> -> memref<128xi32, #tpu.memory_space<vmem>>
        %dma_start3A_66 = arith.constant 0 : i32
        %dma_start3A_67 = arith.constant 0 : i32
        %dma_start3A_68 = tpu.memref_slice %arg12[%dma_start3A_66, %dma_start3A_67] : memref<10112x128xf32, #tpu.memory_space<vmem_shared>> -> memref<10112x128xf32, #tpu.memory_space<vmem_shared>>
        tpu.enqueue_indirect_dma source(%arg10 : memref<128x128xf32, #tpu.memory_space<vmem>>) target(%dma_start3A_68 : memref<10112x128xf32, #tpu.memory_space<vmem_shared>>) offsets(%dma_start3A_65 : memref<128xi32, #tpu.memory_space<vmem>>) semaphore(%run_scoped3A_62 : memref<!tpu.dma_semaphore, #tpu.memory_space<semaphore_mem>>) {add = true}
        %dma_wait3A_69 = arith.constant 0 : i32
        %dma_wait3A_70 = tpu.memref_slice %arg7[%run_scoped3A_61, %dma_wait3A_69] : memref<2x128xi32, #tpu.memory_space<vmem>> -> memref<1x128xi32, #tpu.memory_space<vmem>>
        %dma_wait3A_71 = tpu.memref_squeeze %dma_wait3A_70 : memref<1x128xi32, #tpu.memory_space<vmem>> -> memref<128xi32, #tpu.memory_space<vmem>>
        %dma_wait3A_72 = arith.constant 0 : i32
        %dma_wait3A_73 = arith.constant 0 : i32
        %dma_wait3A_74 = tpu.memref_slice %arg12[%dma_wait3A_72, %dma_wait3A_73] : memref<10112x128xf32, #tpu.memory_space<vmem_shared>> -> memref<10112x128xf32, #tpu.memory_space<vmem_shared>>
        tpu.wait_indirect_dma semaphore(%run_scoped3A_62 : memref<!tpu.dma_semaphore, #tpu.memory_space<semaphore_mem>>) src(%arg10 : memref<128x128xf32, #tpu.memory_space<vmem>>) dst(%dma_wait3A_74 : memref<10112x128xf32, #tpu.memory_space<vmem_shared>>)
        tpu.yield
      }) : () -> ()
    }
    %while3A_50 = arith.constant 1 : i32
    scf.for %while3A_52 = %while3A_48 to %while3A_44 step %while3A_50  : i32 {
      %mul3A_53 = arith.constant 2 : i32
      %mul3A_54 = arith.muli %mul3A_53, %select_n3A_28 : i32
      %add3A_55 = arith.addi %add3A_6, %mul3A_54 : i32
      %add3A_56 = arith.addi %add3A_55, %while3A_52 : i32
      "tpu.region"() ({
        %run_scoped3A_62 = tpu.sem_alloc : memref<!tpu.dma_semaphore, #tpu.memory_space<semaphore_mem>>
        %dma_start3A_63 = arith.constant 0 : i32
        %dma_start3A_64 = tpu.memref_slice %arg4[%add3A_56, %dma_start3A_63] : memref<2500x128xi32, #tpu.memory_space<hbm>> -> memref<1x128xi32, #tpu.memory_space<hbm>>
        %dma_start3A_65 = tpu.memref_squeeze %dma_start3A_64 : memref<1x128xi32, #tpu.memory_space<hbm>> -> memref<128xi32, #tpu.memory_space<hbm>>
        %dma_start3A_66 = arith.constant 0 : i32
        %dma_start3A_67 = tpu.memref_slice %arg4[%add3A_56, %dma_start3A_66] : memref<2500x128xi32, #tpu.memory_space<hbm>> -> memref<1x128xi32, #tpu.memory_space<hbm>>
        %dma_start3A_68 = tpu.memref_squeeze %dma_start3A_67 : memref<1x128xi32, #tpu.memory_space<hbm>> -> memref<128xi32, #tpu.memory_space<hbm>>
        tpu.enqueue_dma source(%dma_start3A_68 : memref<128xi32, #tpu.memory_space<hbm>>) target(%arg8 : memref<128xi32, #tpu.memory_space<vmem>>) target_semaphore(%run_scoped3A_62 : memref<!tpu.dma_semaphore, #tpu.memory_space<semaphore_mem>>)
        %dma_wait3A_69 = arith.constant 0 : i32
        %dma_wait3A_70 = tpu.memref_slice %arg4[%add3A_56, %dma_wait3A_69] : memref<2500x128xi32, #tpu.memory_space<hbm>> -> memref<1x128xi32, #tpu.memory_space<hbm>>
        %dma_wait3A_71 = tpu.memref_squeeze %dma_wait3A_70 : memref<1x128xi32, #tpu.memory_space<hbm>> -> memref<128xi32, #tpu.memory_space<hbm>>
        %dma_wait3A_72 = arith.constant 0 : i32
        %dma_wait3A_73 = tpu.memref_slice %arg4[%add3A_56, %dma_wait3A_72] : memref<2500x128xi32, #tpu.memory_space<hbm>> -> memref<1x128xi32, #tpu.memory_space<hbm>>
        %dma_wait3A_74 = tpu.memref_squeeze %dma_wait3A_73 : memref<1x128xi32, #tpu.memory_space<hbm>> -> memref<128xi32, #tpu.memory_space<hbm>>
        tpu.wait_dma2 semaphore(%run_scoped3A_62 : memref<!tpu.dma_semaphore, #tpu.memory_space<semaphore_mem>>) src(%dma_wait3A_74 : memref<128xi32, #tpu.memory_space<hbm>>) dst(%arg8 : memref<128xi32, #tpu.memory_space<vmem>>)
        tpu.yield
      }) : () -> ()
      %dma_start3A = arith.constant 0 : i32
      %dma_start3A_57 = arith.constant 0 : i32
      %dma_start3A_58 = tpu.memref_slice %arg2[%dma_start3A, %dma_start3A_57] : memref<10112x128xf32, #tpu.memory_space<hbm>> -> memref<10112x128xf32, #tpu.memory_space<hbm>>
      tpu.enqueue_indirect_dma source(%dma_start3A_58 : memref<10112x128xf32, #tpu.memory_space<hbm>>) target(%arg10 : memref<128x128xf32, #tpu.memory_space<vmem>>) offsets(%arg8 : memref<128xi32, #tpu.memory_space<vmem>>) semaphore(%arg13 : memref<!tpu.dma_semaphore, #tpu.memory_space<semaphore_mem>>)
      %run_scoped3A = arith.constant 0 : i32
      "tpu.region"() ({
        %run_scoped3A_62 = tpu.sem_alloc : memref<!tpu.dma_semaphore, #tpu.memory_space<semaphore_mem>>
        %dma_start3A_63 = arith.constant 0 : i32
        %dma_start3A_64 = tpu.memref_slice %arg7[%run_scoped3A, %dma_start3A_63] : memref<2x128xi32, #tpu.memory_space<vmem>> -> memref<1x128xi32, #tpu.memory_space<vmem>>
        %dma_start3A_65 = tpu.memref_squeeze %dma_start3A_64 : memref<1x128xi32, #tpu.memory_space<vmem>> -> memref<128xi32, #tpu.memory_space<vmem>>
        %dma_start3A_66 = arith.constant 0 : i32
        %dma_start3A_67 = tpu.memref_slice %arg3[%add3A_56, %dma_start3A_66] : memref<2500x128xi32, #tpu.memory_space<hbm>> -> memref<1x128xi32, #tpu.memory_space<hbm>>
        %dma_start3A_68 = tpu.memref_squeeze %dma_start3A_67 : memref<1x128xi32, #tpu.memory_space<hbm>> -> memref<128xi32, #tpu.memory_space<hbm>>
        %dma_start3A_69 = arith.constant 0 : i32
        %dma_start3A_70 = tpu.memref_slice %arg7[%run_scoped3A, %dma_start3A_69] : memref<2x128xi32, #tpu.memory_space<vmem>> -> memref<1x128xi32, #tpu.memory_space<vmem>>
        %dma_start3A_71 = tpu.memref_squeeze %dma_start3A_70 : memref<1x128xi32, #tpu.memory_space<vmem>> -> memref<128xi32, #tpu.memory_space<vmem>>
        %dma_start3A_72 = arith.constant 0 : i32
        %dma_start3A_73 = tpu.memref_slice %arg3[%add3A_56, %dma_start3A_72] : memref<2500x128xi32, #tpu.memory_space<hbm>> -> memref<1x128xi32, #tpu.memory_space<hbm>>
        %dma_start3A_74 = tpu.memref_squeeze %dma_start3A_73 : memref<1x128xi32, #tpu.memory_space<hbm>> -> memref<128xi32, #tpu.memory_space<hbm>>
        tpu.enqueue_dma source(%dma_start3A_74 : memref<128xi32, #tpu.memory_space<hbm>>) target(%dma_start3A_71 : memref<128xi32, #tpu.memory_space<vmem>>) target_semaphore(%run_scoped3A_62 : memref<!tpu.dma_semaphore, #tpu.memory_space<semaphore_mem>>)
        %dma_wait3A_75 = arith.constant 0 : i32
        %dma_wait3A_76 = tpu.memref_slice %arg7[%run_scoped3A, %dma_wait3A_75] : memref<2x128xi32, #tpu.memory_space<vmem>> -> memref<1x128xi32, #tpu.memory_space<vmem>>
        %dma_wait3A_77 = tpu.memref_squeeze %dma_wait3A_76 : memref<1x128xi32, #tpu.memory_space<vmem>> -> memref<128xi32, #tpu.memory_space<vmem>>
        %dma_wait3A_78 = arith.constant 0 : i32
        %dma_wait3A_79 = tpu.memref_slice %arg3[%add3A_56, %dma_wait3A_78] : memref<2500x128xi32, #tpu.memory_space<hbm>> -> memref<1x128xi32, #tpu.memory_space<hbm>>
        %dma_wait3A_80 = tpu.memref_squeeze %dma_wait3A_79 : memref<1x128xi32, #tpu.memory_space<hbm>> -> memref<128xi32, #tpu.memory_space<hbm>>
        %dma_wait3A_81 = arith.constant 0 : i32
        %dma_wait3A_82 = tpu.memref_slice %arg7[%run_scoped3A, %dma_wait3A_81] : memref<2x128xi32, #tpu.memory_space<vmem>> -> memref<1x128xi32, #tpu.memory_space<vmem>>
        %dma_wait3A_83 = tpu.memref_squeeze %dma_wait3A_82 : memref<1x128xi32, #tpu.memory_space<vmem>> -> memref<128xi32, #tpu.memory_space<vmem>>
        %dma_wait3A_84 = arith.constant 0 : i32
        %dma_wait3A_85 = tpu.memref_slice %arg3[%add3A_56, %dma_wait3A_84] : memref<2500x128xi32, #tpu.memory_space<hbm>> -> memref<1x128xi32, #tpu.memory_space<hbm>>
        %dma_wait3A_86 = tpu.memref_squeeze %dma_wait3A_85 : memref<1x128xi32, #tpu.memory_space<hbm>> -> memref<128xi32, #tpu.memory_space<hbm>>
        tpu.wait_dma2 semaphore(%run_scoped3A_62 : memref<!tpu.dma_semaphore, #tpu.memory_space<semaphore_mem>>) src(%dma_wait3A_86 : memref<128xi32, #tpu.memory_space<hbm>>) dst(%dma_wait3A_83 : memref<128xi32, #tpu.memory_space<vmem>>)
        tpu.yield
      }) : () -> ()
      %dma_wait3A = arith.constant 0 : i32
      %dma_wait3A_59 = arith.constant 0 : i32
      %dma_wait3A_60 = tpu.memref_slice %arg2[%dma_wait3A, %dma_wait3A_59] : memref<10112x128xf32, #tpu.memory_space<hbm>> -> memref<10112x128xf32, #tpu.memory_space<hbm>>
      tpu.wait_indirect_dma semaphore(%arg13 : memref<!tpu.dma_semaphore, #tpu.memory_space<semaphore_mem>>) src(%dma_wait3A_60 : memref<10112x128xf32, #tpu.memory_space<hbm>>) dst(%arg10 : memref<128x128xf32, #tpu.memory_space<vmem>>)
      %run_scoped3A_61 = arith.constant 0 : i32
      "tpu.region"() ({
        %run_scoped3A_62 = tpu.sem_alloc : memref<!tpu.dma_semaphore, #tpu.memory_space<semaphore_mem>>
        %dma_start3A_63 = arith.constant 0 : i32
        %dma_start3A_64 = tpu.memref_slice %arg7[%run_scoped3A_61, %dma_start3A_63] : memref<2x128xi32, #tpu.memory_space<vmem>> -> memref<1x128xi32, #tpu.memory_space<vmem>>
        %dma_start3A_65 = tpu.memref_squeeze %dma_start3A_64 : memref<1x128xi32, #tpu.memory_space<vmem>> -> memref<128xi32, #tpu.memory_space<vmem>>
        %dma_start3A_66 = arith.constant 0 : i32
        %dma_start3A_67 = arith.constant 0 : i32
        %dma_start3A_68 = tpu.memref_slice %arg12[%dma_start3A_66, %dma_start3A_67] : memref<10112x128xf32, #tpu.memory_space<vmem_shared>> -> memref<10112x128xf32, #tpu.memory_space<vmem_shared>>
        tpu.enqueue_indirect_dma source(%arg10 : memref<128x128xf32, #tpu.memory_space<vmem>>) target(%dma_start3A_68 : memref<10112x128xf32, #tpu.memory_space<vmem_shared>>) offsets(%dma_start3A_65 : memref<128xi32, #tpu.memory_space<vmem>>) semaphore(%run_scoped3A_62 : memref<!tpu.dma_semaphore, #tpu.memory_space<semaphore_mem>>) {add = true}
        %dma_wait3A_69 = arith.constant 0 : i32
        %dma_wait3A_70 = tpu.memref_slice %arg7[%run_scoped3A_61, %dma_wait3A_69] : memref<2x128xi32, #tpu.memory_space<vmem>> -> memref<1x128xi32, #tpu.memory_space<vmem>>
        %dma_wait3A_71 = tpu.memref_squeeze %dma_wait3A_70 : memref<1x128xi32, #tpu.memory_space<vmem>> -> memref<128xi32, #tpu.memory_space<vmem>>
        %dma_wait3A_72 = arith.constant 0 : i32
        %dma_wait3A_73 = arith.constant 0 : i32
        %dma_wait3A_74 = tpu.memref_slice %arg12[%dma_wait3A_72, %dma_wait3A_73] : memref<10112x128xf32, #tpu.memory_space<vmem_shared>> -> memref<10112x128xf32, #tpu.memory_space<vmem_shared>>
        tpu.wait_indirect_dma semaphore(%run_scoped3A_62 : memref<!tpu.dma_semaphore, #tpu.memory_space<semaphore_mem>>) src(%arg10 : memref<128x128xf32, #tpu.memory_space<vmem>>) dst(%dma_wait3A_74 : memref<10112x128xf32, #tpu.memory_space<vmem_shared>>)
        tpu.yield
      }) : () -> ()
    }
    %barrier3A_51 = arith.constant 0 : index
    tpu.barrier barrier_id(%barrier3A_51)
    "tpu.region"() ({
      %run_scoped3A = tpu.sem_alloc : memref<!tpu.dma_semaphore, #tpu.memory_space<semaphore_mem>>
      %dma_start3A = arith.constant 0 : i32
      %dma_start3A_52 = tpu.memref_slice %arg6[%arg0, %mul3A_2, %dma_start3A] : memref<2x10112x128xf32, #tpu.memory_space<hbm>> -> memref<1x632x128xf32, #tpu.memory_space<hbm>>
      %dma_start3A_53 = tpu.memref_squeeze %dma_start3A_52 : memref<1x632x128xf32, #tpu.memory_space<hbm>> -> memref<632x128xf32, #tpu.memory_space<hbm>>
      %dma_start3A_54 = arith.constant 0 : i32
      %dma_start3A_55 = tpu.memref_slice %arg12[%mul3A_2, %dma_start3A_54] : memref<10112x128xf32, #tpu.memory_space<vmem_shared>> -> memref<632x128xf32, #tpu.memory_space<vmem_shared>>
      tpu.enqueue_dma source(%dma_start3A_55 : memref<632x128xf32, #tpu.memory_space<vmem_shared>>) target(%dma_start3A_53 : memref<632x128xf32, #tpu.memory_space<hbm>>) target_semaphore(%run_scoped3A : memref<!tpu.dma_semaphore, #tpu.memory_space<semaphore_mem>>)
      %dma_wait3A = arith.constant 0 : i32
      %dma_wait3A_56 = tpu.memref_slice %arg6[%arg0, %mul3A_2, %dma_wait3A] : memref<2x10112x128xf32, #tpu.memory_space<hbm>> -> memref<1x632x128xf32, #tpu.memory_space<hbm>>
      %dma_wait3A_57 = tpu.memref_squeeze %dma_wait3A_56 : memref<1x632x128xf32, #tpu.memory_space<hbm>> -> memref<632x128xf32, #tpu.memory_space<hbm>>
      %dma_wait3A_58 = arith.constant 0 : i32
      %dma_wait3A_59 = tpu.memref_slice %arg12[%mul3A_2, %dma_wait3A_58] : memref<10112x128xf32, #tpu.memory_space<vmem_shared>> -> memref<632x128xf32, #tpu.memory_space<vmem_shared>>
      tpu.wait_dma2 semaphore(%run_scoped3A : memref<!tpu.dma_semaphore, #tpu.memory_space<semaphore_mem>>) src(%dma_wait3A_59 : memref<632x128xf32, #tpu.memory_space<vmem_shared>>) dst(%dma_wait3A_57 : memref<632x128xf32, #tpu.memory_space<hbm>>)
      tpu.yield
    }) : () -> ()
    return
  }
}

module attributes {stable_mosaic.version = 14 : i64} {
  func.func @_mm_bias_kernel(%arg0: i32, %arg1: memref<2000x128xf32, #tpu.memory_space<vmem>>, %arg2: memref<128x128xf32, #tpu.memory_space<vmem>>, %arg3: memref<1x128xf32, #tpu.memory_space<vmem>>, %arg4: memref<2000x128xf32, #tpu.memory_space<vmem>>) attributes {dimension_semantics = [#tpu.dimension_semantics<parallel>], iteration_bounds = array<i64: 160>, scalar_prefetch = 0 : i64, scratch_operands = 0 : i64, tpu.core_type = #tpu.core_type<tc>, window_params = [{transform_indices = @transform_0, window_bounds = array<i64: 2000, 128>}, {pipeline_mode = #tpu.pipeline_mode<synchronous>, transform_indices = @transform_1, window_bounds = array<i64: 128, 128>}, {pipeline_mode = #tpu.pipeline_mode<synchronous>, transform_indices = @transform_2, window_bounds = array<i64: 1, 128>}, {transform_indices = @transform_3, window_bounds = array<i64: 2000, 128>}]} {
    %get3A = arith.constant 0 : index
    %get3A_0 = arith.constant 0 : index
    %get3A_1 = vector.load %arg1[%get3A, %get3A_0] : memref<2000x128xf32, #tpu.memory_space<vmem>>, vector<2000x128xf32>
    %get3A_2 = arith.constant 0 : index
    %get3A_3 = arith.constant 0 : index
    %get3A_4 = vector.load %arg2[%get3A_2, %get3A_3] : memref<128x128xf32, #tpu.memory_space<vmem>>, vector<128x128xf32>
    %dot_general3A = arith.constant dense<0.000000e+00> : vector<2000x128xf32>
    %dot_general3A_5 = tpu.matmul %get3A_1, %get3A_4, %dot_general3A {dimension_numbers = #tpu.dot_dimension_numbers<[1], [0], [0], [1], [0, 0, 1, 1], [], []>, transpose_lhs_hint = false} : vector<2000x128xf32>, vector<128x128xf32>, vector<2000x128xf32> -> vector<2000x128xf32>
    %get3A_6 = arith.constant 0 : index
    %get3A_7 = arith.constant 0 : index
    %get3A_8 = vector.load %arg3[%get3A_6, %get3A_7] : memref<1x128xf32, #tpu.memory_space<vmem>>, vector<1x128xf32>
    %add3A = vector.broadcast %get3A_8 : vector<1x128xf32> to vector<2000x128xf32>
    %add3A_9 = arith.addf %dot_general3A_5, %add3A : vector<2000x128xf32>
    %swap3A = arith.constant 0 : index
    %swap3A_10 = arith.constant 0 : index
    %swap3A_11 = vector.load %arg4[%swap3A, %swap3A_10] : memref<2000x128xf32, #tpu.memory_space<vmem>>, vector<2000x128xf32>
    tpu.vector_store %arg4[%swap3A, %swap3A_10], %add3A_9 {strides = array<i32>} : memref<2000x128xf32, #tpu.memory_space<vmem>>, vector<2000x128xf32>,
    return
  }
  func.func @transform_0(%arg0: i32) -> (i32, i32) {
    %c0_i32 = arith.constant 0 : i32
    %c0_i32_0 = arith.constant 0 : i32
    return %arg0, %c0_i32 : i32, i32
  }
  func.func @transform_1(%arg0: i32) -> (i32, i32) {
    %c0_i32 = arith.constant 0 : i32
    %c0_i32_0 = arith.constant 0 : i32
    %c0_i32_1 = arith.constant 0 : i32
    return %c0_i32, %c0_i32_0 : i32, i32
  }
  func.func @transform_2(%arg0: i32) -> (i32, i32) {
    %c0_i32 = arith.constant 0 : i32
    %c0_i32_0 = arith.constant 0 : i32
    %c0_i32_1 = arith.constant 0 : i32
    return %c0_i32, %c0_i32_0 : i32, i32
  }
  func.func @transform_3(%arg0: i32) -> (i32, i32) {
    %c0_i32 = arith.constant 0 : i32
    %c0_i32_0 = arith.constant 0 : i32
    return %arg0, %c0_i32 : i32, i32
  }
}

module attributes {stable_mosaic.version = 14 : i64} {
  func.func @_mm_bias_kernel(%arg0: i32, %arg1: memref<1000x128xf32, #tpu.memory_space<vmem>>, %arg2: memref<128x128xf32, #tpu.memory_space<vmem>>, %arg3: memref<1x128xf32, #tpu.memory_space<vmem>>, %arg4: memref<1000x128xf32, #tpu.memory_space<vmem>>) attributes {dimension_semantics = [#tpu.dimension_semantics<parallel>], iteration_bounds = array<i64: 10>, scalar_prefetch = 0 : i64, scratch_operands = 0 : i64, tpu.core_type = #tpu.core_type<tc>, window_params = [{transform_indices = @transform_0, window_bounds = array<i64: 1000, 128>}, {pipeline_mode = #tpu.pipeline_mode<synchronous>, transform_indices = @transform_1, window_bounds = array<i64: 128, 128>}, {pipeline_mode = #tpu.pipeline_mode<synchronous>, transform_indices = @transform_2, window_bounds = array<i64: 1, 128>}, {transform_indices = @transform_3, window_bounds = array<i64: 1000, 128>}]} {
    %get3A = arith.constant 0 : index
    %get3A_0 = arith.constant 0 : index
    %get3A_1 = vector.load %arg1[%get3A, %get3A_0] : memref<1000x128xf32, #tpu.memory_space<vmem>>, vector<1000x128xf32>
    %get3A_2 = arith.constant 0 : index
    %get3A_3 = arith.constant 0 : index
    %get3A_4 = vector.load %arg2[%get3A_2, %get3A_3] : memref<128x128xf32, #tpu.memory_space<vmem>>, vector<128x128xf32>
    %dot_general3A = arith.constant dense<0.000000e+00> : vector<1000x128xf32>
    %dot_general3A_5 = tpu.matmul %get3A_1, %get3A_4, %dot_general3A {dimension_numbers = #tpu.dot_dimension_numbers<[1], [0], [0], [1], [0, 0, 1, 1], [], []>, transpose_lhs_hint = false} : vector<1000x128xf32>, vector<128x128xf32>, vector<1000x128xf32> -> vector<1000x128xf32>
    %get3A_6 = arith.constant 0 : index
    %get3A_7 = arith.constant 0 : index
    %get3A_8 = vector.load %arg3[%get3A_6, %get3A_7] : memref<1x128xf32, #tpu.memory_space<vmem>>, vector<1x128xf32>
    %add3A = vector.broadcast %get3A_8 : vector<1x128xf32> to vector<1000x128xf32>
    %add3A_9 = arith.addf %dot_general3A_5, %add3A : vector<1000x128xf32>
    %swap3A = arith.constant 0 : index
    %swap3A_10 = arith.constant 0 : index
    %swap3A_11 = vector.load %arg4[%swap3A, %swap3A_10] : memref<1000x128xf32, #tpu.memory_space<vmem>>, vector<1000x128xf32>
    tpu.vector_store %arg4[%swap3A, %swap3A_10], %add3A_9 {strides = array<i32>} : memref<1000x128xf32, #tpu.memory_space<vmem>>, vector<1000x128xf32>,
    return
  }
  func.func @transform_0(%arg0: i32) -> (i32, i32) {
    %c0_i32 = arith.constant 0 : i32
    %c0_i32_0 = arith.constant 0 : i32
    return %arg0, %c0_i32 : i32, i32
  }
  func.func @transform_1(%arg0: i32) -> (i32, i32) {
    %c0_i32 = arith.constant 0 : i32
    %c0_i32_0 = arith.constant 0 : i32
    %c0_i32_1 = arith.constant 0 : i32
    return %c0_i32, %c0_i32_0 : i32, i32
  }
  func.func @transform_2(%arg0: i32) -> (i32, i32) {
    %c0_i32 = arith.constant 0 : i32
    %c0_i32_0 = arith.constant 0 : i32
    %c0_i32_1 = arith.constant 0 : i32
    return %c0_i32, %c0_i32_0 : i32, i32
  }
  func.func @transform_3(%arg0: i32) -> (i32, i32) {
    %c0_i32 = arith.constant 0 : i32
    %c0_i32_0 = arith.constant 0 : i32
    return %arg0, %c0_i32 : i32, i32
  }
}

module attributes {stable_mosaic.version = 14 : i64} {
  func.func @_xe_norm_kernel(%arg0: i32, %arg1: memref<632x128xf32, #tpu.memory_space<vmem>>, %arg2: memref<632x128xf32, #tpu.memory_space<vmem>>, %arg3: memref<632x1xf32, #tpu.memory_space<vmem>>, %arg4: memref<632x128xf32, #tpu.memory_space<vmem>>) attributes {dimension_semantics = [#tpu.dimension_semantics<parallel>], iteration_bounds = array<i64: 16>, scalar_prefetch = 0 : i64, scratch_operands = 0 : i64, tpu.core_type = #tpu.core_type<tc>, window_params = [{transform_indices = @transform_0, window_bounds = array<i64: 632, 128>}, {transform_indices = @transform_1, window_bounds = array<i64: 632, 128>}, {transform_indices = @transform_2, window_bounds = array<i64: 632, 1>}, {transform_indices = @transform_3, window_bounds = array<i64: 632, 128>}]} {
    %get3A = arith.constant 0 : index
    %get3A_0 = arith.constant 0 : index
    %get3A_1 = vector.load %arg1[%get3A, %get3A_0] : memref<632x128xf32, #tpu.memory_space<vmem>>, vector<632x128xf32>
    %get3A_2 = arith.constant 0 : index
    %get3A_3 = arith.constant 0 : index
    %get3A_4 = vector.load %arg2[%get3A_2, %get3A_3] : memref<632x128xf32, #tpu.memory_space<vmem>>, vector<632x128xf32>
    %add3A = arith.addf %get3A_1, %get3A_4 : vector<632x128xf32>
    %get3A_5 = arith.constant 0 : index
    %get3A_6 = arith.constant 0 : index
    %get3A_7 = vector.load %arg3[%get3A_5, %get3A_6] : memref<632x1xf32, #tpu.memory_space<vmem>>, vector<632x1xf32>
    %mul3A = vector.broadcast %get3A_7 : vector<632x1xf32> to vector<632x128xf32>
    %mul3A_8 = arith.mulf %add3A, %mul3A : vector<632x128xf32>
    %swap3A = arith.constant 0 : index
    %swap3A_9 = arith.constant 0 : index
    %swap3A_10 = vector.load %arg4[%swap3A, %swap3A_9] : memref<632x128xf32, #tpu.memory_space<vmem>>, vector<632x128xf32>
    tpu.vector_store %arg4[%swap3A, %swap3A_9], %mul3A_8 {strides = array<i32>} : memref<632x128xf32, #tpu.memory_space<vmem>>, vector<632x128xf32>,
    return
  }
  func.func @transform_0(%arg0: i32) -> (i32, i32) {
    %c0_i32 = arith.constant 0 : i32
    %c0_i32_0 = arith.constant 0 : i32
    return %arg0, %c0_i32 : i32, i32
  }
  func.func @transform_1(%arg0: i32) -> (i32, i32) {
    %c0_i32 = arith.constant 0 : i32
    %c0_i32_0 = arith.constant 0 : i32
    return %arg0, %c0_i32 : i32, i32
  }
  func.func @transform_2(%arg0: i32) -> (i32, i32) {
    %c0_i32 = arith.constant 0 : i32
    %c0_i32_0 = arith.constant 0 : i32
    return %arg0, %c0_i32 : i32, i32
  }
  func.func @transform_3(%arg0: i32) -> (i32, i32) {
    %c0_i32 = arith.constant 0 : i32
    %c0_i32_0 = arith.constant 0 : i32
    return %arg0, %c0_i32 : i32, i32
  }
}

module attributes {stable_mosaic.version = 14 : i64} {
  func.func @_final_kernel(%arg0: i32, %arg1: memref<1000x128xf32, #tpu.memory_space<vmem>>, %arg2: memref<1000x128xf32, #tpu.memory_space<vmem>>, %arg3: memref<1000x128xf32, #tpu.memory_space<vmem>>, %arg4: memref<1000x1xf32, #tpu.memory_space<vmem>>, %arg5: memref<1000x1xf32, #tpu.memory_space<vmem>>, %arg6: memref<128x128xf32, #tpu.memory_space<vmem>>, %arg7: memref<128x128xf32, #tpu.memory_space<vmem>>, %arg8: memref<1x128xf32, #tpu.memory_space<vmem>>, %arg9: memref<128x128xf32, #tpu.memory_space<vmem>>, %arg10: memref<1x128xf32, #tpu.memory_space<vmem>>, %arg11: memref<1000x128xf32, #tpu.memory_space<vmem>>) attributes {dimension_semantics = [#tpu.dimension_semantics<parallel>], iteration_bounds = array<i64: 10>, scalar_prefetch = 0 : i64, scratch_operands = 0 : i64, tpu.core_type = #tpu.core_type<tc>, window_params = [{transform_indices = @transform_0, window_bounds = array<i64: 1000, 128>}, {transform_indices = @transform_1, window_bounds = array<i64: 1000, 128>}, {transform_indices = @transform_2, window_bounds = array<i64: 1000, 128>}, {transform_indices = @transform_3, window_bounds = array<i64: 1000, 1>}, {transform_indices = @transform_4, window_bounds = array<i64: 1000, 1>}, {pipeline_mode = #tpu.pipeline_mode<synchronous>, transform_indices = @transform_5, window_bounds = array<i64: 128, 128>}, {pipeline_mode = #tpu.pipeline_mode<synchronous>, transform_indices = @transform_6, window_bounds = array<i64: 128, 128>}, {pipeline_mode = #tpu.pipeline_mode<synchronous>, transform_indices = @transform_7, window_bounds = array<i64: 1, 128>}, {pipeline_mode = #tpu.pipeline_mode<synchronous>, transform_indices = @transform_8, window_bounds = array<i64: 128, 128>}, {pipeline_mode = #tpu.pipeline_mode<synchronous>, transform_indices = @transform_9, window_bounds = array<i64: 1, 128>}, {transform_indices = @transform_10, window_bounds = array<i64: 1000, 128>}]} {
    %get3A = arith.constant 0 : index
    %get3A_0 = arith.constant 0 : index
    %get3A_1 = vector.load %arg1[%get3A, %get3A_0] : memref<1000x128xf32, #tpu.memory_space<vmem>>, vector<1000x128xf32>
    %get3A_2 = arith.constant 0 : index
    %get3A_3 = arith.constant 0 : index
    %get3A_4 = vector.load %arg6[%get3A_2, %get3A_3] : memref<128x128xf32, #tpu.memory_space<vmem>>, vector<128x128xf32>
    %dot_general3A = arith.constant dense<0.000000e+00> : vector<1000x128xf32>
    %dot_general3A_5 = tpu.matmul %get3A_1, %get3A_4, %dot_general3A {dimension_numbers = #tpu.dot_dimension_numbers<[1], [0], [0], [1], [0, 0, 1, 1], [], []>, transpose_lhs_hint = false} : vector<1000x128xf32>, vector<128x128xf32>, vector<1000x128xf32> -> vector<1000x128xf32>
    %get3A_6 = arith.constant 0 : index
    %get3A_7 = arith.constant 0 : index
    %get3A_8 = vector.load %arg3[%get3A_6, %get3A_7] : memref<1000x128xf32, #tpu.memory_space<vmem>>, vector<1000x128xf32>
    %get3A_9 = arith.constant 0 : index
    %get3A_10 = arith.constant 0 : index
    %get3A_11 = vector.load %arg4[%get3A_9, %get3A_10] : memref<1000x1xf32, #tpu.memory_space<vmem>>, vector<1000x1xf32>
    %mul3A = vector.broadcast %get3A_11 : vector<1000x1xf32> to vector<1000x128xf32>
    %mul3A_12 = arith.mulf %get3A_8, %mul3A : vector<1000x128xf32>
    %get3A_13 = arith.constant 0 : index
    %get3A_14 = arith.constant 0 : index
    %get3A_15 = vector.load %arg7[%get3A_13, %get3A_14] : memref<128x128xf32, #tpu.memory_space<vmem>>, vector<128x128xf32>
    %dot_general3A_16 = arith.constant dense<0.000000e+00> : vector<1000x128xf32>
    %dot_general3A_17 = tpu.matmul %mul3A_12, %get3A_15, %dot_general3A_16 {dimension_numbers = #tpu.dot_dimension_numbers<[1], [0], [0], [1], [0, 0, 1, 1], [], []>, transpose_lhs_hint = false} : vector<1000x128xf32>, vector<128x128xf32>, vector<1000x128xf32> -> vector<1000x128xf32>
    %get3A_18 = arith.constant 0 : index
    %get3A_19 = arith.constant 0 : index
    %get3A_20 = vector.load %arg5[%get3A_18, %get3A_19] : memref<1000x1xf32, #tpu.memory_space<vmem>>, vector<1000x1xf32>
    %get3A_21 = arith.constant 0 : index
    %get3A_22 = arith.constant 0 : index
    %get3A_23 = vector.load %arg8[%get3A_21, %get3A_22] : memref<1x128xf32, #tpu.memory_space<vmem>>, vector<1x128xf32>
    %add3A = vector.broadcast %get3A_23 : vector<1x128xf32> to vector<1000x128xf32>
    %add3A_24 = arith.addf %dot_general3A_5, %add3A : vector<1000x128xf32>
    %mul3A_25 = vector.broadcast %get3A_20 : vector<1000x1xf32> to vector<1000x128xf32>
    %mul3A_26 = arith.mulf %mul3A_25, %add3A_24 : vector<1000x128xf32>
    %add3A_27 = arith.addf %mul3A_26, %dot_general3A_17 : vector<1000x128xf32>
    %mul3A_28 = arith.constant 5.000000e-01 : f32
    %mul3A_29 = vector.broadcast %mul3A_28 : f32 to vector<1000x128xf32>
    %mul3A_30 = arith.mulf %mul3A_29, %add3A_27 : vector<1000x128xf32>
    %get3A_31 = arith.constant 0 : index
    %get3A_32 = arith.constant 0 : index
    %get3A_33 = vector.load %arg2[%get3A_31, %get3A_32] : memref<1000x128xf32, #tpu.memory_space<vmem>>, vector<1000x128xf32>
    %mul3A_34 = arith.constant 5.000000e-01 : f32
    %mul3A_35 = vector.broadcast %mul3A_34 : f32 to vector<1000x128xf32>
    %mul3A_36 = arith.mulf %mul3A_35, %get3A_33 : vector<1000x128xf32>
    %add3A_37 = arith.addf %mul3A_30, %mul3A_36 : vector<1000x128xf32>
    %get3A_38 = arith.constant 0 : index
    %get3A_39 = arith.constant 0 : index
    %get3A_40 = vector.load %arg9[%get3A_38, %get3A_39] : memref<128x128xf32, #tpu.memory_space<vmem>>, vector<128x128xf32>
    %dot_general3A_41 = arith.constant dense<0.000000e+00> : vector<1000x128xf32>
    %dot_general3A_42 = tpu.matmul %add3A_37, %get3A_40, %dot_general3A_41 {dimension_numbers = #tpu.dot_dimension_numbers<[1], [0], [0], [1], [0, 0, 1, 1], [], []>, transpose_lhs_hint = false} : vector<1000x128xf32>, vector<128x128xf32>, vector<1000x128xf32> -> vector<1000x128xf32>
    %get3A_43 = arith.constant 0 : index
    %get3A_44 = arith.constant 0 : index
    %get3A_45 = vector.load %arg10[%get3A_43, %get3A_44] : memref<1x128xf32, #tpu.memory_space<vmem>>, vector<1x128xf32>
    %add3A_46 = vector.broadcast %get3A_45 : vector<1x128xf32> to vector<1000x128xf32>
    %add3A_47 = arith.addf %dot_general3A_42, %add3A_46 : vector<1000x128xf32>
    %swap3A = arith.constant 0 : index
    %swap3A_48 = arith.constant 0 : index
    %swap3A_49 = vector.load %arg11[%swap3A, %swap3A_48] : memref<1000x128xf32, #tpu.memory_space<vmem>>, vector<1000x128xf32>
    tpu.vector_store %arg11[%swap3A, %swap3A_48], %add3A_47 {strides = array<i32>} : memref<1000x128xf32, #tpu.memory_space<vmem>>, vector<1000x128xf32>,
    return
  }
  func.func @transform_0(%arg0: i32) -> (i32, i32) {
    %c0_i32 = arith.constant 0 : i32
    %c0_i32_0 = arith.constant 0 : i32
    return %arg0, %c0_i32 : i32, i32
  }
  func.func @transform_1(%arg0: i32) -> (i32, i32) {
    %c0_i32 = arith.constant 0 : i32
    %c0_i32_0 = arith.constant 0 : i32
    return %arg0, %c0_i32 : i32, i32
  }
  func.func @transform_2(%arg0: i32) -> (i32, i32) {
    %c0_i32 = arith.constant 0 : i32
    %c0_i32_0 = arith.constant 0 : i32
    return %arg0, %c0_i32 : i32, i32
  }
  func.func @transform_3(%arg0: i32) -> (i32, i32) {
    %c0_i32 = arith.constant 0 : i32
    %c0_i32_0 = arith.constant 0 : i32
    return %arg0, %c0_i32 : i32, i32
  }
  func.func @transform_4(%arg0: i32) -> (i32, i32) {
    %c0_i32 = arith.constant 0 : i32
    %c0_i32_0 = arith.constant 0 : i32
    return %arg0, %c0_i32 : i32, i32
  }
  func.func @transform_5(%arg0: i32) -> (i32, i32) {
    %c0_i32 = arith.constant 0 : i32
    %c0_i32_0 = arith.constant 0 : i32
    %c0_i32_1 = arith.constant 0 : i32
    return %c0_i32, %c0_i32_0 : i32, i32
  }
  func.func @transform_6(%arg0: i32) -> (i32, i32) {
    %c0_i32 = arith.constant 0 : i32
    %c0_i32_0 = arith.constant 0 : i32
    %c0_i32_1 = arith.constant 0 : i32
    return %c0_i32, %c0_i32_0 : i32, i32
  }
  func.func @transform_7(%arg0: i32) -> (i32, i32) {
    %c0_i32 = arith.constant 0 : i32
    %c0_i32_0 = arith.constant 0 : i32
    %c0_i32_1 = arith.constant 0 : i32
    return %c0_i32, %c0_i32_0 : i32, i32
  }
  func.func @transform_8(%arg0: i32) -> (i32, i32) {
    %c0_i32 = arith.constant 0 : i32
    %c0_i32_0 = arith.constant 0 : i32
    %c0_i32_1 = arith.constant 0 : i32
    return %c0_i32, %c0_i32_0 : i32, i32
  }
  func.func @transform_9(%arg0: i32) -> (i32, i32) {
    %c0_i32 = arith.constant 0 : i32
    %c0_i32_0 = arith.constant 0 : i32
    %c0_i32_1 = arith.constant 0 : i32
    return %c0_i32, %c0_i32_0 : i32, i32
  }
  func.func @transform_10(%arg0: i32) -> (i32, i32) {
    %c0_i32 = arith.constant 0 : i32
    %c0_i32_0 = arith.constant 0 : i32
    return %arg0, %c0_i32 : i32, i32
  }
}

</mosaic_0001>

<sc_bundles>
// kernel: kernel.12.cloned.1.call-start
scs
__scs_entry_jumppad:
0x0: {  	(pc) =	sbr.rel $0x88, $3  }
0x1: {  	(tag) =	ssettag $0x0;
	lr =	simm.s32 $0x1  }
0x2: {  	[smem:$0x3F97] =	sst lr;
	_ =	strace $0xD0000000  }
0x3: {  	_ = 	snop  }
0x4: {  	_ = 	snop  }
0x5: {  	_ = 	snop  }
0x6: {  	_ = 	snop  }
0x7: {  	_ = 	snop  }
__scs_overlays_trampoline_lowered:
0x8: {  	[smem:$0x3FA6] =	sst s0  }
0x9: {  	[smem:$0x3FA7] =	sst s1  }
0xa: {  	[smem:$0x3FA8] =	sst s2  }
0xb: {  	[smem:$0x3FA9] =	sst s3  }
0xc: {  	[smem:$0x3FAA] =	sst s4  }
0xd: {  	[smem:$0x3FAB] =	sst s5  }
0xe: {  	[smem:$0x3FAC] =	sst s6  }
0xf: {  	[smem:$0x3FAD] =	sst s7  }
0x10: {  	[smem:$0x3FAE] =	sst s8  }
0x11: {  	[smem:$0x3FAF] =	sst s9;
	s0 =	simm.s32 @!p0 $0x0  }
0x12: {  	s1 =	sld [smem:$0x3F95];
	s0 =	simm.s32 @p0 $0x1  }
0x13: {  	[smem:$0x3FB0] =	sst s0;
	s0 =	simm.s32 @!p1 $0x0  }
0x14: {  	s2 =	sld [smem:$0x3F94];
	s0 =	simm.s32 @p1 $0x1  }
0x15: {  	[smem:$0x3FB1] =	sst s0;
	s0 =	simm.s32 @!p2 $0x0  }
0x16: {  	s3 =	sld [smem:$0x3FDB];
	s0 =	simm.s32 @p2 $0x1  }
0x17: {  	s4 =	simm.s32 $0x1BF5;
	[smem:$0x3FB3] =	sst s0  }
0x18: {  	s0 =	sld [smem:$0x3F96];
	_ =	swait.ge [sflag:s4], $0x0  }
0x19: {  	s7 =	sld [smem:$0x3F97]  }
0x1a: {  	s8 =	sadd.s32 $0xFFFFE003, lr  }
0x1b: {  	s9 =	sadd.s32 $0xFFFFFEF7, lr;
	s5 =	simm.s32 $0xFFFFFFFF;
	p2 =	slt.u32 s8, $0xFFFFF086  }
0x1c: {  	p1 =	slt.u32 s9, $0xF7A;
	s5 =	simm.s32 @!p2 $0x0  }
0x1d: {  	s5 =	simm.s32 @p1 $0x1;
	p0 =	seq.s32 s7, s2  }
0x1e: {  	s7 =	smul.u32 @!p0 $0xF7A, s2;
	p2 =	seq.s32 @!p0 s5, $0x0  }
0x1f: {  	s9 =	smul.u32 $0xF7A, s1;
	s8 =	simm.s32 @!p0 $0x1BF5;
	p2 =	por !p2, p0  }
0x20: {  	[sflag:s8] =	ssyncset.s32 @!p0 $0xFFFFF086;
	s6 =	sadd.s32 @!p0 s3, s7;
	s7 =	simm.s32 @!p0 $0x108  }
0x21: {  	s3 =	sadd.s32 s3, s9;
	s6 =	sadd.s32 @!p0 $0x88, s6;
	s7 =	simm.s32 @p2 $0x1082  }
0x22: {  	[simem:s7], [sflag:s8] =	dma.local @!p0 [hbm:s6], $0xF7A  }
0x23: {  	s9 =	sor.u32 $0xD0000000, s2;
	s6 =	simm.s32 $0x108;
	_ =	swait.ge @!p0 [sflag:s8], $0x0  }
0x24: {  	s3 =	sadd.s32 $0x88, s3;
	s6 =	simm.s32 @!p1 $0x1082;
	[sflag:s4] =	ssyncset.s32 $0xFFFFF086  }
0x25: {  	[simem:s6], [sflag:s4] =	dma.local [hbm:s3], $0xF7A  }
0x26: {  	[smem:$0x3F97] =	sst s1;
	(tag) =	ssettag s2;
	_ =	strace s9  }
0x27: {  	s1 =	sld [smem:$0x3FA7]  }
0x28: {  	s2 =	sld [smem:$0x3FA8]  }
0x29: {  	s4 =	sld [smem:$0x3FAA]  }
0x2a: {  	p0 =	seq.s32 s5, $0x0;
	s5 =	sld [smem:$0x3FAB]  }
0x2b: {  	s6 =	sld [smem:$0x3FAC]  }
0x2c: {  	s7 =	sld [smem:$0x3FAD]  }
0x2d: {  	s3 =	simm.s32 $0x108;
	s8 =	sld [smem:$0x3FAE]  }
0x2e: {  	s3 =	simm.s32 @!p0 $0x1082;
	s9 =	sld [smem:$0x3FAF]  }
0x2f: {  	lr =	sadd.s32 s0, s3;
	s0 =	sld [smem:$0x3FA6]  }
0x30: {  	s3 =	sld [smem:$0x3FA9]  }
0x31: {  	[smem:$0x3FB2] =	sst s10  }
0x32: {  	s10 =	sld [smem:$0x3FB0];
	_ =	sdelay $0x3  }
0x33: {  	p0 =	seq.s32 s10, $0x1;
	s10 =	sld [smem:$0x3FB2];
	_ =	sdelay $0x3  }
0x34: {  	[smem:$0x3FB2] =	sst s10  }
0x35: {  	s10 =	sld [smem:$0x3FB1];
	_ =	sdelay $0x3  }
0x36: {  	p1 =	seq.s32 s10, $0x1;
	s10 =	sld [smem:$0x3FB2];
	_ =	sdelay $0x3  }
0x37: {  	[smem:$0x3FB2] =	sst s10  }
0x38: {  	s10 =	sld [smem:$0x3FB3]  }
0x39: {  	_ = 	snop;
	(pc) =	sbr.ind lr, $3  }
0x3a: {  	_ = 	snop  }
0x3b: {  	_ = 	snop  }
0x3c: {  	p2 =	seq.s32 s10, $0x1;
	s10 =	sld [smem:$0x3FB2]  }
0x3d: {  	_ =	shalt  }
0x3e: {  	_ =	shalt  }
0x3f: {  	_ =	shalt  }
0x40: {  	_ =	shalt  }
0x41: {  	_ =	shalt  }
0x42: {  	_ =	shalt  }
0x43: {  	_ =	shalt  }
0x44: {  	_ =	shalt  }
0x45: {  	_ =	shalt  }
0x46: {  	_ =	shalt  }
0x47: {  	_ =	shalt  }
0x48: {  	_ =	shalt  }
0x49: {  	_ =	shalt  }
0x4a: {  	_ =	shalt  }
0x4b: {  	_ =	shalt  }
0x4c: {  	_ =	shalt  }
0x4d: {  	_ =	shalt  }
0x4e: {  	_ =	shalt  }
0x4f: {  	_ =	shalt  }
0x50: {  	_ =	shalt  }
0x51: {  	_ =	shalt  }
0x52: {  	_ =	shalt  }
0x53: {  	_ =	shalt  }
0x54: {  	_ =	shalt  }
0x55: {  	_ =	shalt  }
0x56: {  	_ =	shalt  }
0x57: {  	_ =	shalt  }
0x58: {  	_ =	shalt  }
0x59: {  	_ =	shalt  }
0x5a: {  	_ =	shalt  }
0x5b: {  	_ =	shalt  }
0x5c: {  	_ =	shalt  }
0x5d: {  	_ =	shalt  }
0x5e: {  	_ =	shalt  }
0x5f: {  	_ =	shalt  }
0x60: {  	_ =	shalt  }
0x61: {  	_ =	shalt  }
0x62: {  	_ =	shalt  }
0x63: {  	_ =	shalt  }
0x64: {  	_ =	shalt  }
0x65: {  	_ =	shalt  }
0x66: {  	_ =	shalt  }
0x67: {  	_ =	shalt  }
0x68: {  	_ =	shalt  }
0x69: {  	_ =	shalt  }
0x6a: {  	_ =	shalt  }
0x6b: {  	_ =	shalt  }
0x6c: {  	_ =	shalt  }
0x6d: {  	_ =	shalt  }
0x6e: {  	_ =	shalt  }
0x6f: {  	_ =	shalt  }
0x70: {  	_ =	shalt  }
0x71: {  	_ =	shalt  }
0x72: {  	_ =	shalt  }
0x73: {  	_ =	shalt  }
0x74: {  	_ =	shalt  }
0x75: {  	_ =	shalt  }
0x76: {  	_ =	shalt  }
0x77: {  	_ =	shalt  }
0x78: {  	_ =	shalt  }
0x79: {  	_ =	shalt  }
0x7a: {  	_ =	shalt  }
0x7b: {  	_ =	shalt  }
0x7c: {  	_ =	shalt  }
0x7d: {  	_ =	shalt  }
0x7e: {  	_ =	shalt  }
0x7f: {  	_ =	shalt  }
0x80: {  	_ =	shalt  }
0x81: {  	_ =	shalt  }
0x82: {  	_ =	shalt  }
0x83: {  	_ =	shalt  }
0x84: {  	_ =	shalt  }
0x85: {  	_ =	shalt  }
0x86: {  	_ =	shalt  }
0x87: {  	_ =	shalt  }
.Lfunc_end0:
.L_simem_size_0:
called_computation.1_lowered:
.L_overlay_start_0:
0x88: {  	s2 =	sld [smem:$0x3FD9]  }
0x89: {  	s3 =	sld [smem:$0x3FFE];
	_ =	sdelay $0x1  }
0x8a: {  	s1 =	srdreg.scid  }
0x8b: {  	s0 =	sand.u32 $0x1, s1  }
0x8c: {  	s14 =	sshll.u32 s0, $0xA;
	s2 =	sadd.s32 s3, s2  }
0x8d: {  	s2 =	sadd.s32 s2, s14  }
0x8e: {  	[smem:$0x3FBE] =	sst s2  }
0x8f: {  	_ = 	snop  }
0x90: {  	s2 =	sld [smem:$0x3FD0];
	_ =	sdelay $0x2  }
0x91: {  	s15 =	simm.s32 $0xA;
	s4 =	simm.s32 $0x10  }
0x92: {  	[smem:s4], [sflag:s15] =	dma.local [hbm:s2], $0x1  }
0x93: {  	_ =	swait.eq [sflag:s15], $0x1  }
0x94: {  	[sflag:s15] =	ssyncset.done $0x0  }
0x95: {  	s16 =	sld [smem:$0x11];
	[sflag:s15] =	ssyncadd.s32 $0xFFFFFFFF  }
0x96: {  	s17 =	sld [smem:$0x12];
	(tm) =	ssettm $0x1  }
0x97: {  	s18 =	sld [smem:$0x3FFB];
	_ =	sdelay $0x3  }
0x98: {  	_ =	strace s18  }
0x99: {  	s4 =	sld [smem:$0x3FFC];
	_ =	sdelay $0x3  }
0x9a: {  	_ =	strace s4  }
0x9b: {  	s4 =	sld [smem:$0x3FFD];
	_ =	sdelay $0x3  }
0x9c: {  	_ =	strace s4  }
0x9d: {  	_ =	strace $0x8FFFFFFF  }
0x9e: {  	s19 =	sld [smem:$0x3FDB];
	_ =	sdelay $0x1  }
0x9f: {  	s5 =	simm.s32 $_scs_section_size  }
0xa0: {  	s6 =	simm.s32 $_size__tile_overlayer_lowered;
	s7 =	simm.s32 $_tile_overlayer_lowered  }
0xa1: {  	s22 =	simm.s32 $0x1BFF;
	s21 =	sshll.u32 s7, $0x1;
	s4 =	sadd.s32 s5, s19  }
0xa2: {  	s8 =	simm.s32 $0x0;
	s20 =	sshll.u32 s6, $0x1;
	s6 =	sadd.s32 s21, s4  }
0xa3: {  	[timem:s8], [sflag:s22] =	dma.local [hbm:s6], s20  }
0xa4: {  	_ =	swait.ge [sflag:s22], s20  }
0xa5: {  	s5 =	ssub.s32 $0x0, s20;
	[sflag:s22] =	ssyncset.done $0x0  }
0xa6: {  	[sflag:s22] =	ssyncadd.s32 s5;
	_ =	sdelay $0x1  }
0xa7: {  	s23 =	simm.s32 $0x1B8B  }
0xa8: {  	_ =	swait.ge [sflag:s23], $0x1  }
0xa9: {  	[sflag:s23] =	ssyncset.done $0x0  }
0xaa: {  	s25 =	simm.s32 $0x1B8E;
	s24 =	sld [smem:$0x3FFE];
	[sflag:s23] =	ssyncadd.s32 $0xFFFFFFFF  }
0xab: {  	s26 =	simm.s32 $execute0_lowered;
	[smem:$0x3FD2] =	sst s25  }
0xac: {  	s6 =	sshll.u32 s26, $0x1;
	_ =	strace $0x80000049;
	[dreg:$0x1] =	wrdreg $0xFFFFFFFF  }
0xad: {  	s28 =	simm.s32 $_size_execute0_lowered;
	s4 =	sadd.s32 s4, s6;
	[dreg:$0x0] =	wrdreg $0x0  }
0xae: {  	s6 =	sshll.u32 s28, $0x1;
	[dreg:$0x2] =	wrdreg s4  }
0xaf: {  	[dreg:$0x3] =	wrdreg s6  }
0xb0: {  	[dreg:$0x4] =	wrdreg $0xC0  }
0xb1: {  	_ =	task [dreg:s8], $0x5FFFF  }
0xb2: {  	[dreg:$0x1] =	wrdreg $0xFFFFFFFF  }
0xb3: {  	[dreg:$0x0] =	wrdreg $0x60  }
0xb4: {  	[dreg:$0x2] =	wrdreg s24  }
0xb5: {  	[dreg:$0x3] =	wrdreg s17  }
0xb6: {  	[dreg:$0x4] =	wrdreg s16  }
0xb7: {  	[dreg:$0x5] =	wrdreg $0x81000  }
0xb8: {  	[dreg:$0x6] =	wrdreg $0x9  }
0xb9: {  	_ =	task.clear_ibuf [dreg:s8], $0x7FFFF;
	_ =	strace $0x90000049  }
0xba: {  	s29 =	simm.s32 $0x9;
	_ =	strace $0x8000004B  }
0xbb: {  	_ =	swait.ge [sflag:s29], $0x1  }
0xbc: {  	[sflag:s29] =	ssyncadd.s32 $0xFFFFFFFF  }
0xbd: {  	_ =	strace $0x9000004B  }
0xbe: {  	_ =	sfence  }
0xbf: {  	s30 =	sld [smem:$0x0];
	_ =	sdelay $0x2  }
0xc0: {  	s31 =	sshll.u32 s1, $0xD;
	s1 =	sshrl.u32 s1, $0x2  }
0xc1: {  	s3 =	sand.u32 $0x4000, s31;
	s1 =	sadd.s32 s1, s30  }
0xc2: {  	s0 =	sor.u32 s3, s0;
	s1 =	sshll.u32 s1, $0x11  }
0xc3: {  	s0 =	sor.u32 s1, s0  }
0xc4: {  	s0 =	sadd.s32 $0x8F2B, s0  }
0xc5: {  	[sflag:s0] =	ssyncadd.remote.s32 $0x1  }
0xc6: {  	_ =	sfence.sel $0xFFFF  }
0xc7: {  	[dreg:$0x0] =	wrdreg $0xFFFFFFFF;
	(pc) =	sbr.abs _section_cstart, $3  }
0xc8: {  	[dreg:$0x1] =	wrdreg $0xFFFFFFFF  }
0xc9: {  	_ =	task.clear_ibuf [dreg:s8], $0x2FFFF;
	_ =	strace $0x9FFFFFFF  }
0xca: {  	(tm) =	ssettm $0x7FFFFFFF  }
0xcb: {  	_ =	shalt  }
tec
execute0_lowered:
.L_overlay_start_1:
0x0: {  	(tag) =	ssettag $0x1  }
0x1: {  	s10 =	rddreg [dreg:$0x0]  }
0x2: {  	s1 =	rddreg [dreg:$0x1]  }
0x3: {  	s2 =	rddreg [dreg:$0x2]  }
0x4: {  	s3 =	rddreg [dreg:$0x3]  }
0x5: {  	s4 =	srdreg.scid;
	s0 =	rddreg [dreg:$0x4]  }
0x6: {  	s5 =	simm.s32 $0x0;
	s18 =	simm.s32 $0x80;
	s19 =	simm.s32 $0x4100  }
0x7: {  	s20 =	simm.s32 $0x1;
	s21 =	simm.s32 $0x2;
	s22 =	simm.s32 $0x3  }
0x8: {  	s23 =	simm.s32 $0x4;
	s11 =	sand.u32 $0x1, s4;
	s4 =	stileid.u32  }
0x9: {  	[smem:$0x7FF] =	sst s5;
	s6 =	sadd.s32 $0x21400, s10;
	s7 =	sadd.s32 $0xD800, s10  }
0xa: {  	s8 =	sadd.s32 $0x3A00, s10;
	s9 =	sadd.s32 $0x503400, s10;
	s12 =	smul.u32 $0x13C000, s11  }
0xb: {  	s13 =	smul.u32 $0x13C00, s4;
	_ =	strace $0x8000004A;
	s24 =	ssub.s32 $0x2, s11  }
0xc: {  	s14 =	smul.u32 $0x4F000, s4;
	s26 =	sshll.u32 s4, $0x1;
	s30 =	sshll.u32 s4, $0x6  }
0xd: {  	p0 =	slt.u32 s4, $0x2;
	s25 =	sshrl.u32 s24, $0x1;
	s28 =	sor.u32 s11, s26  }
0xe: {  	s11 =	sor.u32 $0x1C05, s30;
	s12 =	sadd.s32 s13, s12;
	s16 =	ssub.s32 s24, s25  }
0xf: {  	s29 =	sshrl.u32 s14, $0x2;
	s31 =	smin.u32 s28, $0x4;
	s24 =	simm.s32 $0x0  }
0x10: {  	s12 =	sshrl.u32 s12, $0x3;
	s17 =	sadd.s32 s29, s3;
	s14 =	smax.u32 s16, $0x1  }
0x11: {  	s15 =	sadd.s32 s12, s10;
	s12 =	smul.u32 $0x4E, s28;
	s10 =	simm.s32 $0x4F  }
0x12: {  	s16 =	simm.s32 $0x5;
	s10 =	simm.s32 @!p0 $0x4E;
	s13 =	sadd.s32 $0x505C00, s15  }
0x13: {  	s15 =	sshrl.u32 s17, $0x3;
	s17 =	simm.s32 $0x100;
	s12 =	sadd.s32 s31, s12  }
.LBB2_1:
0x14: {  	[spmem:s15], [sflag:s11] =	dma.local [hbm:s9], $0x2780  }
0x15: {  	_ =	swait.ge [sflag:s16], $0x2780  }
0x16: {  	[sflag:s16] =	ssyncset.done $0x0  }
0x17: {  	[sflag:s16] =	ssyncadd.s32 $0xFFFFD880  }
0x18: {  	s25 =	simm.s32 $0x0;
	[bflag:$0x0] =	sbarrier.arrive $0xFFFF  }
.LBB2_2:
0x19: {  	s26 =	sadd.s32 s25, s12  }
0x1a: {  	s28 =	sshll.u32 s26, $0x4  }
0x1b: {  	s28 =	sand.u32 $0x1FFFFFF0, s28  }
0x1c: {  	s30 =	simm.s32 $0x0;
	s29 =	sadd.s32 s7, s28  }
0x1d: {  	[tilespmem:s30], [sflag:$0x5] =	stream.linear.gather [hbm4b:s29+s30], $0x80, $0x38;
	[tilespmem:$0x1BD00] =	vst v63  }
0x1e: {  	s26 =	sshll.u32 s26, $0xB;
	_ =	swait.ge [sflag:s16], $0x80  }
0x1f: {  	s26 =	sand.u32 $0x1FFFF800, s26;
	[sflag:s16] =	ssyncset.done $0x0  }
0x20: {  	s29 =	sadd.s32 s6, s26;
	[sflag:s16] =	ssyncadd.s32 $0xFFFFFF80  }
0x21: {  	[tilespmem:s17], [sflag:$0x1] =	stream.linear.gather [hbm4b:s29+s30], $0x4000, $0x38;
	[tilespmem:$0x1BD00] =	vst v63  }
0x22: {  	_ = 	snop  }
0x23: {  	[tilespmem:s19], [sflag:$0x2] =	stream.indirect.gather [hbm4b:s1+s18], $0x80, s30, s18, $0xb8;
	[tilespmem:$0x1BD00] =	vst v63  }
0x24: {  	s28 =	sadd.s32 s8, s28  }
0x25: {  	[tilespmem:s18], [sflag:$0x5] =	stream.linear.gather [hbm4b:s28+s30], $0x80, $0x38;
	[tilespmem:$0x1BD00] =	vst v63  }
0x26: {  	_ =	swait.ge [sflag:s16], $0x80  }
0x27: {  	[sflag:s16] =	ssyncset.done $0x0  }
0x28: {  	[sflag:s16] =	ssyncadd.s32 $0xFFFFFF80  }
0x29: {  	_ =	swait.ge [sflag:s20], $0x4000  }
0x2a: {  	[sflag:s20] =	ssyncset.done $0x0  }
0x2b: {  	[sflag:s20] =	ssyncadd.s32 $0xFFFFC000  }
0x2c: {  	_ =	swait.ge [sflag:s21], $0x4000  }
0x2d: {  	[sflag:s21] =	ssyncset.done $0x0  }
0x2e: {  	s28 =	simm.s32 $0x0;
	[sflag:s21] =	ssyncadd.s32 $0xFFFFC000  }
0x2f: {  	v7 =	vld [tilespmem:s28+$0x4100]  }
0x30: {  	v11 =	vld [tilespmem:s28+$0x4110]  }
0x31: {  	v5 =	vld [tilespmem:s28+$0x4120]  }
0x32: {  	v4 =	vld [tilespmem:s28+$0x4130]  }
0x33: {  	v3 =	vld [tilespmem:s28+$0x4140]  }
0x34: {  	v2 =	vld [tilespmem:s28+$0x4150]  }
0x35: {  	v1 =	vld [tilespmem:s28+$0x4160]  }
0x36: {  	v0 =	vld [tilespmem:s28+$0x4170]  }
0x37: {  	v12 =	vld [tilespmem:s28+$0x100]  }
0x38: {  	v13 =	vld [tilespmem:s28+$0x110]  }
0x39: {  	v10 =	vld [tilespmem:s28+$0x120]  }
0x3a: {  	v9 =	vld [tilespmem:s28+$0x130]  }
0x3b: {  	v8 =	vld [tilespmem:s28+$0x140]  }
0x3c: {  	v6 =	vld [tilespmem:s28+$0x150];
	v12 =	vadd.f32 v7, v12  }
0x3d: {  	s29 =	simm.s32 $0x200;
	v11 =	vadd.f32 v11, v13;
	v7 =	vld [tilespmem:s28+$0x160]  }
.LBB2_3:
0x3e: {  	s30 =	sshra.s32 s29, $0x2;
	p0 =	sne.s32 s29, $0xFE00;
	[tilespmem:s28+$0x100] =	vst v12;
	v5 =	vadd.f32 v5, v10;
	v10 =	vld [tilespmem:s28+$0x170]  }
0x3f: {  	v12 =	vld [tilespmem:s30+$0x4100];
	[tilespmem:s28+$0x110] =	vst v11;
	v4 =	vadd.f32 v4, v9  }
0x40: {  	v11 =	vld [tilespmem:s30+$0x4110];
	[tilespmem:s28+$0x120] =	vst v5;
	v3 =	vadd.f32 v3, v8  }
0x41: {  	v5 =	vld [tilespmem:s30+$0x4120];
	[tilespmem:s28+$0x130] =	vst v4;
	v2 =	vadd.f32 v2, v6  }
0x42: {  	v4 =	vld [tilespmem:s30+$0x4130];
	[tilespmem:s28+$0x140] =	vst v3;
	v1 =	vadd.f32 v1, v7  }
0x43: {  	v3 =	vld [tilespmem:s30+$0x4140];
	[tilespmem:s28+$0x150] =	vst v2;
	v0 =	vadd.f32 v0, v10  }
0x44: {  	v2 =	vld [tilespmem:s30+$0x4150];
	[tilespmem:s28+$0x160] =	vst v1  }
0x45: {  	v1 =	vld [tilespmem:s30+$0x4160];
	[tilespmem:s28+$0x170] =	vst v0;
	s28 =	smov.u32 s30  }
0x46: {  	v0 =	vld [tilespmem:s28+$0x4170]  }
0x47: {  	v6 =	vld [tilespmem:s28+$0x100]  }
0x48: {  	v7 =	vld [tilespmem:s28+$0x110]  }
.Ltmp0:
0x49: {  	v10 =	vld [tilespmem:s28+$0x120];
	(pc) =	sbr.rel @p0 .LBB2_3-.Ltmp0, $4  }
0x4a: {  	v9 =	vld [tilespmem:s28+$0x130]  }
0x4b: {  	v8 =	vld [tilespmem:s28+$0x140]  }
0x4c: {  	v12 =	vadd.f32 v12, v6;
	v6 =	vld [tilespmem:s28+$0x150]  }
0x4d: {  	s29 =	sadd.s32 $0x200, s29;
	v11 =	vadd.f32 v11, v7;
	v7 =	vld [tilespmem:s28+$0x160]  }
0x4e: {  	[tilespmem:s28+$0x100] =	vst v12;
	v5 =	vadd.f32 v5, v10;
	v63 =	vld [tilespmem:s28+$0x170]  }
0x4f: {  	[tilespmem:s28+$0x110] =	vst v11;
	v4 =	vadd.f32 v4, v9  }
0x50: {  	[tilespmem:s28+$0x120] =	vst v5;
	v3 =	vadd.f32 v3, v8  }
0x51: {  	[tilespmem:s28+$0x130] =	vst v4;
	v2 =	vadd.f32 v2, v6  }
0x52: {  	[tilespmem:s28+$0x140] =	vst v3;
	v1 =	vadd.f32 v1, v7  }
0x53: {  	[tilespmem:s28+$0x150] =	vst v2;
	v0 =	vadd.f32 v0, v63  }
0x54: {  	[tilespmem:s28+$0x160] =	vst v1  }
0x55: {  	s26 =	sadd.s32 s2, s26;
	[tilespmem:s28+$0x170] =	vst v0  }
0x56: {  	[hbm4b:s26+s5] =	stream.linear.scatter [tilespmem:s17], [sflag:$0x3], $0x4000, $0x38;
	[tilespmem:$0x1BD00] =	vst v63  }
0x57: {  	s25 =	sadd.s32 $0x1, s25  }
0x58: {  	[spmem:s3] =	stream.indirect.scatter.add.f32 [tilespmem:s17], [sflag:$0x4], $0x80, s18, s18, $0xb8;
	[tilespmem:$0x1BD00] =	vst v63  }
0x59: {  	p0 =	sne.s32 s25, s10;
	_ =	swait.ge [sflag:s22], $0x4000  }
.Ltmp1:
0x5a: {  	[sflag:s22] =	ssyncset.done $0x0;
	(pc) =	sbr.rel @p0 .LBB2_2-.Ltmp1, $4  }
0x5b: {  	[sflag:s22] =	ssyncadd.s32 $0xFFFFC000  }
0x5c: {  	_ =	swait.ge [sflag:s23], $0x4000  }
0x5d: {  	[sflag:s23] =	ssyncset.done $0x0  }
0x5e: {  	[sflag:s23] =	ssyncadd.s32 $0xFFFFC000  }
0x5f: {  	s24 =	sadd.s32 $0x1, s24  }
0x60: {  	p0 =	sne.s32 s24, s14  }
.Ltmp2:
0x61: {  	[bflag:$0x0] =	sbarrier.arrive $0xFFFF;
	(pc) =	sbr.rel @p0 .LBB2_1-.Ltmp2, $4  }
0x62: {  	[hbm:s13], [sflag:s11] =	dma.local [spmem:s15], $0x2780  }
0x63: {  	_ =	swait.ge [sflag:s16], $0x2780  }
0x64: {  	[sflag:s16] =	ssyncset.done $0x0  }
0x65: {  	[sflag:s16] =	ssyncadd.s32 $0xFFFFD880  }
0x66: {  	_ =	sfence.sel $0x180000  }
0x67: {  	[bflag:$0x0] =	sbarrier.arrive $0xFFFF  }
0x68: {  	p0 =	sne.s32 s4, $0x0;
	_ =	strace $0x9000004A  }
0x69: {  	s0 =	sadd.s32 @!p0 $0x100000, s0;
	[bflag:$0x2] =	sbarrier.arrive $0xFFFF  }
0x6a: {  	[sflag:s0] =	ssyncadd.tile.s32 @!p0 $0x1;
	_ =	shalt  }
.Lfunc_end2:
_tile_overlayer_lowered:
.L_overlay_start_2:
0x6b: {  	(tag) =	ssettag $0x2  }
0x6c: {  	s0 =	rddreg [dreg:$0x0];
	s2 =	stileid.u32  }
0x6d: {  	s1 =	rddreg [dreg:$0x1];
	p0 =	sne.s32 s2, $0x0  }
0x6e: {  	s3 =	rddreg [dreg:$0x2];
	[bflag:$0x3] =	sbarrier.arrive $0xFFFF;
	s2 =	simm.s32 @!p0 $0x1C05  }
0x6f: {  	[timem:s3], [sflag:s2] =	dma.local @!p0 [hbm:s0], s1  }
0x70: {  	s0 =	simm.s32 @!p0 $0x5  }
0x71: {  	_ =	swait.ge @!p0 [sflag:s0], s1  }
0x72: {  	s1 =	ssub.s32 @!p0 $0x0, s1;
	[sflag:s0] =	ssyncset.done @!p0 $0x0  }
0x73: {  	[sflag:s0] =	ssyncadd.s32 @!p0 s1  }
0x74: {  	[bflag:$0x3] =	sbarrier.arrive $0xFFFF  }
0x75: {  	_ =	shalt  }

// kernel: kernel.15.cloned.1.call-start
scs
__scs_entry_jumppad:
0x0: {  	(pc) =	sbr.rel $0x88, $3  }
0x1: {  	(tag) =	ssettag $0x0;
	lr =	simm.s32 $0x1  }
0x2: {  	[smem:$0x3F97] =	sst lr;
	_ =	strace $0xD0000000  }
0x3: {  	_ = 	snop  }
0x4: {  	_ = 	snop  }
0x5: {  	_ = 	snop  }
0x6: {  	_ = 	snop  }
0x7: {  	_ = 	snop  }
__scs_overlays_trampoline_lowered:
0x8: {  	[smem:$0x3FA6] =	sst s0  }
0x9: {  	[smem:$0x3FA7] =	sst s1  }
0xa: {  	[smem:$0x3FA8] =	sst s2  }
0xb: {  	[smem:$0x3FA9] =	sst s3  }
0xc: {  	[smem:$0x3FAA] =	sst s4  }
0xd: {  	[smem:$0x3FAB] =	sst s5  }
0xe: {  	[smem:$0x3FAC] =	sst s6  }
0xf: {  	[smem:$0x3FAD] =	sst s7  }
0x10: {  	[smem:$0x3FAE] =	sst s8  }
0x11: {  	[smem:$0x3FAF] =	sst s9;
	s0 =	simm.s32 @!p0 $0x0  }
0x12: {  	s1 =	sld [smem:$0x3F95];
	s0 =	simm.s32 @p0 $0x1  }
0x13: {  	[smem:$0x3FB0] =	sst s0;
	s0 =	simm.s32 @!p1 $0x0  }
0x14: {  	s2 =	sld [smem:$0x3F94];
	s0 =	simm.s32 @p1 $0x1  }
0x15: {  	[smem:$0x3FB1] =	sst s0;
	s0 =	simm.s32 @!p2 $0x0  }
0x16: {  	s3 =	sld [smem:$0x3FDB];
	s0 =	simm.s32 @p2 $0x1  }
0x17: {  	s4 =	simm.s32 $0x1BF5;
	[smem:$0x3FB3] =	sst s0  }
0x18: {  	s0 =	sld [smem:$0x3F96];
	_ =	swait.ge [sflag:s4], $0x0  }
0x19: {  	s7 =	sld [smem:$0x3F97]  }
0x1a: {  	s8 =	sadd.s32 $0xFFFFE003, lr  }
0x1b: {  	s9 =	sadd.s32 $0xFFFFFEF7, lr;
	s5 =	simm.s32 $0xFFFFFFFF;
	p2 =	slt.u32 s8, $0xFFFFF086  }
0x1c: {  	p1 =	slt.u32 s9, $0xF7A;
	s5 =	simm.s32 @!p2 $0x0  }
0x1d: {  	s5 =	simm.s32 @p1 $0x1;
	p0 =	seq.s32 s7, s2  }
0x1e: {  	s7 =	smul.u32 @!p0 $0xF7A, s2;
	p2 =	seq.s32 @!p0 s5, $0x0  }
0x1f: {  	s9 =	smul.u32 $0xF7A, s1;
	s8 =	simm.s32 @!p0 $0x1BF5;
	p2 =	por !p2, p0  }
0x20: {  	[sflag:s8] =	ssyncset.s32 @!p0 $0xFFFFF086;
	s6 =	sadd.s32 @!p0 s3, s7;
	s7 =	simm.s32 @!p0 $0x108  }
0x21: {  	s3 =	sadd.s32 s3, s9;
	s6 =	sadd.s32 @!p0 $0x88, s6;
	s7 =	simm.s32 @p2 $0x1082  }
0x22: {  	[simem:s7], [sflag:s8] =	dma.local @!p0 [hbm:s6], $0xF7A  }
0x23: {  	s9 =	sor.u32 $0xD0000000, s2;
	s6 =	simm.s32 $0x108;
	_ =	swait.ge @!p0 [sflag:s8], $0x0  }
0x24: {  	s3 =	sadd.s32 $0x88, s3;
	s6 =	simm.s32 @!p1 $0x1082;
	[sflag:s4] =	ssyncset.s32 $0xFFFFF086  }
0x25: {  	[simem:s6], [sflag:s4] =	dma.local [hbm:s3], $0xF7A  }
0x26: {  	[smem:$0x3F97] =	sst s1;
	(tag) =	ssettag s2;
	_ =	strace s9  }
0x27: {  	s1 =	sld [smem:$0x3FA7]  }
0x28: {  	s2 =	sld [smem:$0x3FA8]  }
0x29: {  	s4 =	sld [smem:$0x3FAA]  }
0x2a: {  	p0 =	seq.s32 s5, $0x0;
	s5 =	sld [smem:$0x3FAB]  }
0x2b: {  	s6 =	sld [smem:$0x3FAC]  }
0x2c: {  	s7 =	sld [smem:$0x3FAD]  }
0x2d: {  	s3 =	simm.s32 $0x108;
	s8 =	sld [smem:$0x3FAE]  }
0x2e: {  	s3 =	simm.s32 @!p0 $0x1082;
	s9 =	sld [smem:$0x3FAF]  }
0x2f: {  	lr =	sadd.s32 s0, s3;
	s0 =	sld [smem:$0x3FA6]  }
0x30: {  	s3 =	sld [smem:$0x3FA9]  }
0x31: {  	[smem:$0x3FB2] =	sst s10  }
0x32: {  	s10 =	sld [smem:$0x3FB0];
	_ =	sdelay $0x3  }
0x33: {  	p0 =	seq.s32 s10, $0x1;
	s10 =	sld [smem:$0x3FB2];
	_ =	sdelay $0x3  }
0x34: {  	[smem:$0x3FB2] =	sst s10  }
0x35: {  	s10 =	sld [smem:$0x3FB1];
	_ =	sdelay $0x3  }
0x36: {  	p1 =	seq.s32 s10, $0x1;
	s10 =	sld [smem:$0x3FB2];
	_ =	sdelay $0x3  }
0x37: {  	[smem:$0x3FB2] =	sst s10  }
0x38: {  	s10 =	sld [smem:$0x3FB3]  }
0x39: {  	_ = 	snop;
	(pc) =	sbr.ind lr, $3  }
0x3a: {  	_ = 	snop  }
0x3b: {  	_ = 	snop  }
0x3c: {  	p2 =	seq.s32 s10, $0x1;
	s10 =	sld [smem:$0x3FB2]  }
0x3d: {  	_ =	shalt  }
0x3e: {  	_ =	shalt  }
0x3f: {  	_ =	shalt  }
0x40: {  	_ =	shalt  }
0x41: {  	_ =	shalt  }
0x42: {  	_ =	shalt  }
0x43: {  	_ =	shalt  }
0x44: {  	_ =	shalt  }
0x45: {  	_ =	shalt  }
0x46: {  	_ =	shalt  }
0x47: {  	_ =	shalt  }
0x48: {  	_ =	shalt  }
0x49: {  	_ =	shalt  }
0x4a: {  	_ =	shalt  }
0x4b: {  	_ =	shalt  }
0x4c: {  	_ =	shalt  }
0x4d: {  	_ =	shalt  }
0x4e: {  	_ =	shalt  }
0x4f: {  	_ =	shalt  }
0x50: {  	_ =	shalt  }
0x51: {  	_ =	shalt  }
0x52: {  	_ =	shalt  }
0x53: {  	_ =	shalt  }
0x54: {  	_ =	shalt  }
0x55: {  	_ =	shalt  }
0x56: {  	_ =	shalt  }
0x57: {  	_ =	shalt  }
0x58: {  	_ =	shalt  }
0x59: {  	_ =	shalt  }
0x5a: {  	_ =	shalt  }
0x5b: {  	_ =	shalt  }
0x5c: {  	_ =	shalt  }
0x5d: {  	_ =	shalt  }
0x5e: {  	_ =	shalt  }
0x5f: {  	_ =	shalt  }
0x60: {  	_ =	shalt  }
0x61: {  	_ =	shalt  }
0x62: {  	_ =	shalt  }
0x63: {  	_ =	shalt  }
0x64: {  	_ =	shalt  }
0x65: {  	_ =	shalt  }
0x66: {  	_ =	shalt  }
0x67: {  	_ =	shalt  }
0x68: {  	_ =	shalt  }
0x69: {  	_ =	shalt  }
0x6a: {  	_ =	shalt  }
0x6b: {  	_ =	shalt  }
0x6c: {  	_ =	shalt  }
0x6d: {  	_ =	shalt  }
0x6e: {  	_ =	shalt  }
0x6f: {  	_ =	shalt  }
0x70: {  	_ =	shalt  }
0x71: {  	_ =	shalt  }
0x72: {  	_ =	shalt  }
0x73: {  	_ =	shalt  }
0x74: {  	_ =	shalt  }
0x75: {  	_ =	shalt  }
0x76: {  	_ =	shalt  }
0x77: {  	_ =	shalt  }
0x78: {  	_ =	shalt  }
0x79: {  	_ =	shalt  }
0x7a: {  	_ =	shalt  }
0x7b: {  	_ =	shalt  }
0x7c: {  	_ =	shalt  }
0x7d: {  	_ =	shalt  }
0x7e: {  	_ =	shalt  }
0x7f: {  	_ =	shalt  }
0x80: {  	_ =	shalt  }
0x81: {  	_ =	shalt  }
0x82: {  	_ =	shalt  }
0x83: {  	_ =	shalt  }
0x84: {  	_ =	shalt  }
0x85: {  	_ =	shalt  }
0x86: {  	_ =	shalt  }
0x87: {  	_ =	shalt  }
.Lfunc_end0:
.L_simem_size_0:
called_computation.2_lowered:
.L_overlay_start_0:
0x88: {  	s2 =	sld [smem:$0x3FD9]  }
0x89: {  	s3 =	sld [smem:$0x3FFE];
	_ =	sdelay $0x1  }
0x8a: {  	s1 =	srdreg.scid  }
0x8b: {  	s0 =	sand.u32 $0x1, s1  }
0x8c: {  	s16 =	sshll.u32 s0, $0xA;
	s2 =	sadd.s32 s3, s2  }
0x8d: {  	s2 =	sadd.s32 s2, s16  }
0x8e: {  	[smem:$0x3FBE] =	sst s2  }
0x8f: {  	_ = 	snop  }
0x90: {  	(tm) =	ssettm $0x1  }
0x91: {  	s17 =	sld [smem:$0x3FFB];
	_ =	sdelay $0x3  }
0x92: {  	_ =	strace s17  }
0x93: {  	s2 =	sld [smem:$0x3FFC];
	_ =	sdelay $0x3  }
0x94: {  	_ =	strace s2  }
0x95: {  	s2 =	sld [smem:$0x3FFD];
	_ =	sdelay $0x3  }
0x96: {  	_ =	strace s2  }
0x97: {  	_ =	strace $0x8FFFFFFF  }
0x98: {  	s18 =	sld [smem:$0x3FDB];
	_ =	sdelay $0x1  }
0x99: {  	s19 =	simm.s32 $_scs_section_size  }
0x9a: {  	s4 =	simm.s32 $_size__tile_overlayer_lowered;
	s5 =	simm.s32 $_tile_overlayer_lowered  }
0x9b: {  	s22 =	simm.s32 $0x1BFF;
	s21 =	sshll.u32 s5, $0x1;
	s2 =	sadd.s32 s19, s18  }
0x9c: {  	s6 =	simm.s32 $0x0;
	s20 =	sshll.u32 s4, $0x1;
	s4 =	sadd.s32 s21, s2  }
0x9d: {  	[timem:s6], [sflag:s22] =	dma.local [hbm:s4], s20  }
0x9e: {  	_ =	swait.ge [sflag:s22], s20  }
0x9f: {  	s3 =	ssub.s32 $0x0, s20;
	[sflag:s22] =	ssyncset.done $0x0  }
0xa0: {  	[sflag:s22] =	ssyncadd.s32 s3;
	_ =	sdelay $0x1  }
0xa1: {  	s23 =	simm.s32 $0x1B8B  }
0xa2: {  	_ =	swait.ge [sflag:s23], $0x1  }
0xa3: {  	[sflag:s23] =	ssyncset.done $0x0  }
0xa4: {  	s25 =	simm.s32 $0x1B8E;
	s24 =	sld [smem:$0x3FFE];
	[sflag:s23] =	ssyncadd.s32 $0xFFFFFFFF  }
0xa5: {  	s26 =	simm.s32 $execute0_lowered;
	[smem:$0x3FD2] =	sst s25  }
0xa6: {  	s4 =	sshll.u32 s26, $0x1;
	_ =	strace $0x8000004C;
	[dreg:$0x1] =	wrdreg $0xFFFFFFFF  }
0xa7: {  	s28 =	simm.s32 $_size_execute0_lowered;
	s2 =	sadd.s32 s2, s4;
	[dreg:$0x0] =	wrdreg $0x0  }
0xa8: {  	s4 =	sshll.u32 s28, $0x1;
	[dreg:$0x2] =	wrdreg s2  }
0xa9: {  	[dreg:$0x3] =	wrdreg s4  }
0xaa: {  	[dreg:$0x4] =	wrdreg $0xC0  }
0xab: {  	_ =	task [dreg:s6], $0x5FFFF  }
0xac: {  	[dreg:$0x1] =	wrdreg $0xFFFFFFFF  }
0xad: {  	[dreg:$0x0] =	wrdreg $0x60  }
0xae: {  	[dreg:$0x2] =	wrdreg s24  }
0xaf: {  	[dreg:$0x3] =	wrdreg $0x82000  }
0xb0: {  	[dreg:$0x4] =	wrdreg $0x9  }
0xb1: {  	_ =	task.clear_ibuf [dreg:s6], $0x5FFFF;
	_ =	strace $0x9000004C  }
0xb2: {  	s29 =	simm.s32 $0x9;
	_ =	strace $0x8000004E  }
0xb3: {  	_ =	swait.ge [sflag:s29], $0x1  }
0xb4: {  	[sflag:s29] =	ssyncadd.s32 $0xFFFFFFFF  }
0xb5: {  	_ =	strace $0x9000004E  }
0xb6: {  	_ =	sfence  }
0xb7: {  	s30 =	sld [smem:$0x0];
	_ =	sdelay $0x2  }
0xb8: {  	s31 =	sshll.u32 s1, $0xD;
	s1 =	sshrl.u32 s1, $0x2  }
0xb9: {  	s3 =	sand.u32 $0x4000, s31;
	s1 =	sadd.s32 s1, s30  }
0xba: {  	s0 =	sor.u32 s3, s0;
	s1 =	sshll.u32 s1, $0x11  }
0xbb: {  	s0 =	sor.u32 s1, s0  }
0xbc: {  	s0 =	sadd.s32 $0x8F2B, s0  }
0xbd: {  	[sflag:s0] =	ssyncadd.remote.s32 $0x1  }
0xbe: {  	_ =	sfence.sel $0xFFFF  }
0xbf: {  	[dreg:$0x0] =	wrdreg $0xFFFFFFFF;
	(pc) =	sbr.abs _section_cstart, $3  }
0xc0: {  	[dreg:$0x1] =	wrdreg $0xFFFFFFFF  }
0xc1: {  	_ =	task.clear_ibuf [dreg:s6], $0x2FFFF;
	_ =	strace $0x9FFFFFFF  }
0xc2: {  	(tm) =	ssettm $0x7FFFFFFF  }
0xc3: {  	_ =	shalt  }
tec
execute0_lowered:
.L_overlay_start_1:
0x0: {  	(tag) =	ssettag $0x1  }
0x1: {  	s6 =	rddreg [dreg:$0x0]  }
0x2: {  	s1 =	rddreg [dreg:$0x1]  }
0x3: {  	s0 =	rddreg [dreg:$0x2]  }
0x4: {  	s3 =	simm.s32 $0x0;
	s2 =	srdreg.scid;
	s19 =	simm.s32 $0x80  }
0x5: {  	[smem:$0x7FF] =	sst s3;
	s7 =	sand.u32 $0x1, s2;
	s2 =	stileid.u32  }
0x6: {  	s4 =	sadd.s32 $0x21400, s6;
	s14 =	sadd.s32 $0xD800, s6;
	s8 =	smul.u32 $0x13C000, s7  }
0x7: {  	s12 =	sadd.s32 $0x3A00, s6;
	s5 =	sadd.s32 $0x503400, s6;
	s9 =	smul.u32 $0x13C00, s2  }
0x8: {  	_ =	strace $0x8000004D;
	s10 =	sshll.u32 s2, $0x1;
	s15 =	smul.u32 $0x4F000, s2  }
0x9: {  	s21 =	ssub.s32 $0x2, s7;
	s24 =	smul.u32 $0x9C, s2;
	s25 =	sshll.u32 s2, $0x6  }
0xa: {  	s17 =	smul.u32 $0x4E, s7;
	p0 =	sgt.u32 s2, $0x1;
	s20 =	sor.u32 s7, s10  }
0xb: {  	s13 =	sshrl.u32 s21, $0x1;
	s8 =	sadd.s32 s9, s8;
	s11 =	smul.u32 $0x4E, s20  }
0xc: {  	s9 =	smin.u32 s20, $0x4;
	s10 =	ssub.s32 s21, s13;
	s23 =	sshrl.u32 s15, $0x2  }
0xd: {  	s29 =	sadd.s32 s17, s24;
	s20 =	simm.s32 $0x200;
	s21 =	simm.s32 $0x4200  }
0xe: {  	s8 =	sshrl.u32 s8, $0x3;
	s18 =	sadd.s32 s23, s1;
	s13 =	sadd.s32 s9, s29  }
0xf: {  	s10 =	smax.u32 s10, $0x1;
	s23 =	simm.s32 $0x2;
	s16 =	sadd.s32 s8, s6  }
0x10: {  	s22 =	sadd.s32 s9, s11;
	s11 =	sadd.s32 s24, s9;
	s13 =	sshll.u32 s13, $0x4  }
0x11: {  	s15 =	sshrl.u32 s18, $0x3;
	s18 =	simm.s32 $0x180;
	s24 =	simm.s32 $0x0  }
0x12: {  	s6 =	sshll.u32 s22, $0x4;
	s11 =	sadd.s32 s17, s11;
	s9 =	sadd.s32 $0x48C00, s16  }
0x13: {  	s16 =	simm.s32 $0x3;
	s17 =	simm.s32 $0x100;
	s22 =	simm.s32 $0x1  }
0x14: {  	s26 =	sadd.s32 $0x4E0, s6;
	s6 =	sor.u32 $0x1C03, s25;
	s30 =	sshll.u32 s11, $0x4  }
0x15: {  	s11 =	sadd.s32 s13, s14;
	s28 =	sand.u32 $0xFFFFFF0, s26;
	s31 =	sadd.s32 s30, s12  }
0x16: {  	s7 =	sadd.s32 s12, s28;
	s8 =	sadd.s32 s14, s28;
	s14 =	sadd.s32 s30, s14  }
0x17: {  	s12 =	sadd.s32 s13, s12;
	s13 =	sadd.s32 $0x10, s31;
	s14 =	sadd.s32 $0x10, s14  }
.LBB2_1:
0x18: {  	[spmem:s15], [sflag:s6] =	dma.local [hbm:s5], $0x2780  }
0x19: {  	_ =	swait.ge [sflag:s16], $0x2780  }
0x1a: {  	[sflag:s16] =	ssyncset.done $0x0  }
0x1b: {  	[sflag:s16] =	ssyncadd.s32 $0xFFFFD880  }
0x1c: {  	s25 =	sadd.s32 $0x0, s12;
	[bflag:$0x0] =	sbarrier.arrive $0xFFFF  }
0x1d: {  	[tilespmem:s17], [sflag:$0x3] =	stream.linear.gather [hbm4b:s25+s3], $0x80, $0x38;
	[tilespmem:$0x1BE00] =	vst v63  }
0x1e: {  	_ =	swait.ge [sflag:s16], $0x80  }
0x1f: {  	[sflag:s16] =	ssyncset.done $0x0  }
0x20: {  	s29 =	sadd.s32 $0x0, s13;
	[sflag:s16] =	ssyncadd.s32 $0xFFFFFF80  }
0x21: {  	[tilespmem:s18], [sflag:$0x3] =	stream.linear.gather [hbm4b:s29+s3], $0x80, $0x38;
	[tilespmem:$0x1BE00] =	vst v63  }
0x22: {  	_ =	swait.ge [sflag:s16], $0x80  }
0x23: {  	[sflag:s16] =	ssyncset.done $0x0  }
0x24: {  	[sflag:s16] =	ssyncadd.s32 $0xFFFFFF80  }
0x25: {  	[tilespmem:s20], [sflag:$0x1] =	stream.indirect.gather [hbm4b:s4+s19], $0x80, s17, s19, $0xb8;
	[tilespmem:$0x1BE00] =	vst v63  }
0x26: {  	_ = 	snop  }
0x27: {  	[tilespmem:s21], [sflag:$0x2] =	stream.indirect.gather [hbm4b:s4+s19], $0x80, s18, s19, $0xb8;
	[tilespmem:$0x1BE00] =	vst v63  }
0x28: {  	s30 =	sadd.s32 $0x0, s11  }
0x29: {  	[tilespmem:s3], [sflag:$0x3] =	stream.linear.gather [hbm4b:s30+s3], $0x80, $0x38;
	[tilespmem:$0x1BE00] =	vst v63  }
0x2a: {  	_ =	swait.ge [sflag:s16], $0x80  }
0x2b: {  	[sflag:s16] =	ssyncset.done $0x0  }
0x2c: {  	s31 =	sadd.s32 $0x0, s14;
	[sflag:s16] =	ssyncadd.s32 $0xFFFFFF80  }
0x2d: {  	[tilespmem:s19], [sflag:$0x3] =	stream.linear.gather [hbm4b:s31+s3], $0x80, $0x38;
	[tilespmem:$0x1BE00] =	vst v63  }
0x2e: {  	_ =	swait.ge [sflag:s16], $0x80  }
0x2f: {  	[sflag:s16] =	ssyncset.done $0x0  }
0x30: {  	[sflag:s16] =	ssyncadd.s32 $0xFFFFFF80  }
0x31: {  	_ =	swait.ge [sflag:s22], $0x4000  }
0x32: {  	[sflag:s22] =	ssyncset.done $0x0  }
0x33: {  	[sflag:s22] =	ssyncadd.s32 $0xFFFFC000  }
0x34: {  	[spmem:s1] =	stream.indirect.scatter.add.f32 [tilespmem:s20], [sflag:$0x3], $0x80, s3, s19, $0xb8;
	[tilespmem:$0x1BE00] =	vst v63  }
0x35: {  	_ =	swait.ge [sflag:s16], $0x4000  }
0x36: {  	[sflag:s16] =	ssyncset.done $0x0  }
0x37: {  	[sflag:s16] =	ssyncadd.s32 $0xFFFFC000  }
0x38: {  	_ =	swait.ge [sflag:s23], $0x4000  }
0x39: {  	[sflag:s23] =	ssyncset.done $0x0  }
0x3a: {  	[sflag:s23] =	ssyncadd.s32 $0xFFFFC000  }
0x3b: {  	[spmem:s1] =	stream.indirect.scatter.add.f32 [tilespmem:s21], [sflag:$0x3], $0x80, s19, s19, $0xb8;
	[tilespmem:$0x1BE00] =	vst v63  }
0x3c: {  	_ =	swait.ge [sflag:s16], $0x4000  }
0x3d: {  	s28 =	simm.s32 $0x40;
	s25 =	simm.s32 $0x20;
	[sflag:s16] =	ssyncset.done $0x0  }
.LBB2_2:
0x3e: {  	s29 =	sadd.s32 s25, s12  }
0x3f: {  	[sflag:s16] =	ssyncadd.s32 $0xFFFFC000;
	s30 =	smov.u32 s28;
	s26 =	sadd.s32 $0x20, s28  }
0x40: {  	[tilespmem:s17], [sflag:$0x3] =	stream.linear.gather [hbm4b:s29+s3], $0x80, $0x38;
	[tilespmem:$0x1BE00] =	vst v63  }
0x41: {  	p1 =	seq.s32 s28, $0x4C0;
	_ =	swait.ge [sflag:s16], $0x80  }
0x42: {  	[sflag:s16] =	ssyncset.done $0x0  }
0x43: {  	s28 =	sadd.s32 s25, s13;
	[sflag:s16] =	ssyncadd.s32 $0xFFFFFF80  }
0x44: {  	[tilespmem:s18], [sflag:$0x3] =	stream.linear.gather [hbm4b:s28+s3], $0x80, $0x38;
	[tilespmem:$0x1BE00] =	vst v63  }
0x45: {  	_ =	swait.ge [sflag:s16], $0x80  }
0x46: {  	[sflag:s16] =	ssyncset.done $0x0  }
0x47: {  	[sflag:s16] =	ssyncadd.s32 $0xFFFFFF80  }
0x48: {  	[tilespmem:s20], [sflag:$0x1] =	stream.indirect.gather [hbm4b:s4+s19], $0x80, s17, s19, $0xb8;
	[tilespmem:$0x1BE00] =	vst v63  }
0x49: {  	_ = 	snop  }
0x4a: {  	[tilespmem:s21], [sflag:$0x2] =	stream.indirect.gather [hbm4b:s4+s19], $0x80, s18, s19, $0xb8;
	[tilespmem:$0x1BE00] =	vst v63  }
0x4b: {  	s28 =	sadd.s32 s25, s11  }
0x4c: {  	[tilespmem:s3], [sflag:$0x3] =	stream.linear.gather [hbm4b:s28+s3], $0x80, $0x38;
	[tilespmem:$0x1BE00] =	vst v63  }
0x4d: {  	_ =	swait.ge [sflag:s16], $0x80  }
0x4e: {  	[sflag:s16] =	ssyncset.done $0x0  }
0x4f: {  	s28 =	sadd.s32 s25, s14;
	s25 =	smov.u32 s30;
	[sflag:s16] =	ssyncadd.s32 $0xFFFFFF80  }
0x50: {  	[tilespmem:s19], [sflag:$0x3] =	stream.linear.gather [hbm4b:s28+s3], $0x80, $0x38;
	[tilespmem:$0x1BE00] =	vst v63  }
0x51: {  	_ =	swait.ge [sflag:s16], $0x80  }
0x52: {  	[sflag:s16] =	ssyncset.done $0x0  }
0x53: {  	[sflag:s16] =	ssyncadd.s32 $0xFFFFFF80  }
0x54: {  	_ =	swait.ge [sflag:s22], $0x4000  }
0x55: {  	[sflag:s22] =	ssyncset.done $0x0  }
0x56: {  	[sflag:s22] =	ssyncadd.s32 $0xFFFFC000  }
0x57: {  	[spmem:s1] =	stream.indirect.scatter.add.f32 [tilespmem:s20], [sflag:$0x3], $0x80, s3, s19, $0xb8;
	[tilespmem:$0x1BE00] =	vst v63  }
0x58: {  	_ =	swait.ge [sflag:s16], $0x4000  }
0x59: {  	[sflag:s16] =	ssyncset.done $0x0  }
0x5a: {  	[sflag:s16] =	ssyncadd.s32 $0xFFFFC000  }
0x5b: {  	_ =	swait.ge [sflag:s23], $0x4000  }
.Ltmp0:
0x5c: {  	[sflag:s23] =	ssyncset.done $0x0;
	(pc) =	sbr.rel @!p1 .LBB2_2-.Ltmp0, $4  }
0x5d: {  	[sflag:s23] =	ssyncadd.s32 $0xFFFFC000  }
0x5e: {  	[spmem:s1] =	stream.indirect.scatter.add.f32 [tilespmem:s21], [sflag:$0x3], $0x80, s19, s19, $0xb8;
	[tilespmem:$0x1BE00] =	vst v63  }
0x5f: {  	_ =	swait.ge [sflag:s16], $0x4000  }
0x60: {  	s28 =	smov.u32 s26;
	[sflag:s16] =	ssyncset.done $0x0  }
0x61: {  	s26 =	sadd.s32 s25, s12;
	[sflag:s16] =	ssyncadd.s32 $0xFFFFC000  }
0x62: {  	[tilespmem:s17], [sflag:$0x3] =	stream.linear.gather [hbm4b:s26+s3], $0x80, $0x38;
	[tilespmem:$0x1BE00] =	vst v63  }
0x63: {  	_ =	swait.ge [sflag:s16], $0x80  }
0x64: {  	[sflag:s16] =	ssyncset.done $0x0  }
0x65: {  	s29 =	sadd.s32 s25, s13;
	[sflag:s16] =	ssyncadd.s32 $0xFFFFFF80  }
0x66: {  	[tilespmem:s18], [sflag:$0x3] =	stream.linear.gather [hbm4b:s29+s3], $0x80, $0x38;
	[tilespmem:$0x1BE00] =	vst v63  }
0x67: {  	_ =	swait.ge [sflag:s16], $0x80  }
0x68: {  	[sflag:s16] =	ssyncset.done $0x0  }
0x69: {  	[sflag:s16] =	ssyncadd.s32 $0xFFFFFF80  }
0x6a: {  	[tilespmem:s20], [sflag:$0x1] =	stream.indirect.gather [hbm4b:s4+s19], $0x80, s17, s19, $0xb8;
	[tilespmem:$0x1BE00] =	vst v63  }
0x6b: {  	_ = 	snop  }
0x6c: {  	[tilespmem:s21], [sflag:$0x2] =	stream.indirect.gather [hbm4b:s4+s19], $0x80, s18, s19, $0xb8;
	[tilespmem:$0x1BE00] =	vst v63  }
0x6d: {  	s30 =	sadd.s32 s25, s11  }
0x6e: {  	[tilespmem:s3], [sflag:$0x3] =	stream.linear.gather [hbm4b:s30+s3], $0x80, $0x38;
	[tilespmem:$0x1BE00] =	vst v63  }
0x6f: {  	_ =	swait.ge [sflag:s16], $0x80  }
0x70: {  	[sflag:s16] =	ssyncset.done $0x0  }
0x71: {  	s31 =	sadd.s32 s25, s14;
	[sflag:s16] =	ssyncadd.s32 $0xFFFFFF80  }
0x72: {  	[tilespmem:s19], [sflag:$0x3] =	stream.linear.gather [hbm4b:s31+s3], $0x80, $0x38;
	[tilespmem:$0x1BE00] =	vst v63  }
0x73: {  	_ =	swait.ge [sflag:s16], $0x80  }
0x74: {  	[sflag:s16] =	ssyncset.done $0x0  }
0x75: {  	[sflag:s16] =	ssyncadd.s32 $0xFFFFFF80  }
0x76: {  	_ =	swait.ge [sflag:s22], $0x4000  }
0x77: {  	[sflag:s22] =	ssyncset.done $0x0  }
0x78: {  	[sflag:s22] =	ssyncadd.s32 $0xFFFFC000  }
0x79: {  	[spmem:s1] =	stream.indirect.scatter.add.f32 [tilespmem:s20], [sflag:$0x3], $0x80, s3, s19, $0xb8;
	[tilespmem:$0x1BE00] =	vst v63  }
0x7a: {  	_ =	swait.ge [sflag:s16], $0x4000  }
0x7b: {  	[sflag:s16] =	ssyncset.done $0x0  }
0x7c: {  	[sflag:s16] =	ssyncadd.s32 $0xFFFFC000  }
0x7d: {  	_ =	swait.ge [sflag:s23], $0x4000  }
0x7e: {  	[sflag:s23] =	ssyncset.done $0x0  }
0x7f: {  	[sflag:s23] =	ssyncadd.s32 $0xFFFFC000  }
0x80: {  	[spmem:s1] =	stream.indirect.scatter.add.f32 [tilespmem:s21], [sflag:$0x3], $0x80, s19, s19, $0xb8;
	[tilespmem:$0x1BE00] =	vst v63  }
0x81: {  	_ =	swait.ge [sflag:s16], $0x4000  }
0x82: {  	s25 =	simm.s32 @!p0 $0x0;
	[sflag:s16] =	ssyncset.done $0x0  }
0x83: {  	s28 =	simm.s32 @!p0 $0x3;
	s26 =	simm.s32 @!p0 $0x100;
	[sflag:s16] =	ssyncadd.s32 $0xFFFFC000  }
0x84: {  	[tilespmem:s26], [sflag:$0x3] =	stream.linear.gather @!p0 [hbm4b:s7+s25], $0x80, $0x38;
	[tilespmem:$0x1BE00] =	vst v63  }
0x85: {  	_ =	swait.ge @!p0 [sflag:s28], $0x80  }
0x86: {  	[sflag:s28] =	ssyncset.done @!p0 $0x0  }
0x87: {  	s29 =	simm.s32 @!p0 $0x80;
	s30 =	simm.s32 @!p0 $0x200;
	[sflag:s28] =	ssyncadd.s32 @!p0 $0xFFFFFF80  }
0x88: {  	[tilespmem:s30], [sflag:$0x1] =	stream.indirect.gather @!p0 [hbm4b:s4+s29], $0x80, s26, s29, $0xb8;
	[tilespmem:$0x1BE00] =	vst v63  }
0x89: {  	_ = 	snop  }
0x8a: {  	[tilespmem:s25], [sflag:$0x3] =	stream.linear.gather @!p0 [hbm4b:s8+s25], $0x80, $0x38;
	[tilespmem:$0x1BE00] =	vst v63  }
0x8b: {  	_ =	swait.ge @!p0 [sflag:s28], $0x80  }
0x8c: {  	[sflag:s28] =	ssyncset.done @!p0 $0x0  }
0x8d: {  	s26 =	simm.s32 @!p0 $0x1;
	[sflag:s28] =	ssyncadd.s32 @!p0 $0xFFFFFF80  }
0x8e: {  	_ =	swait.ge @!p0 [sflag:s26], $0x4000  }
0x8f: {  	[sflag:s26] =	ssyncset.done @!p0 $0x0  }
0x90: {  	[sflag:s26] =	ssyncadd.s32 @!p0 $0xFFFFC000  }
0x91: {  	[spmem:s1] =	stream.indirect.scatter.add.f32 @!p0 [tilespmem:s30], [sflag:$0x3], $0x80, s25, s29, $0xb8;
	[tilespmem:$0x1BE00] =	vst v63  }
0x92: {  	_ =	swait.ge @!p0 [sflag:s28], $0x4000  }
0x93: {  	s24 =	sadd.s32 $0x1, s24;
	[sflag:s28] =	ssyncset.done @!p0 $0x0  }
0x94: {  	p1 =	sne.s32 s24, s10;
	[sflag:s28] =	ssyncadd.s32 @!p0 $0xFFFFC000  }
.Ltmp1:
0x95: {  	[bflag:$0x0] =	sbarrier.arrive $0xFFFF;
	(pc) =	sbr.rel @p1 .LBB2_1-.Ltmp1, $4  }
0x96: {  	[hbm:s9], [sflag:s6] =	dma.local [spmem:s15], $0x2780  }
0x97: {  	_ =	swait.ge [sflag:s16], $0x2780  }
0x98: {  	[sflag:s16] =	ssyncset.done $0x0  }
0x99: {  	[sflag:s16] =	ssyncadd.s32 $0xFFFFD880  }
0x9a: {  	_ =	sfence.sel $0x180000  }
0x9b: {  	[bflag:$0x0] =	sbarrier.arrive $0xFFFF  }
0x9c: {  	p0 =	sne.s32 s2, $0x0;
	_ =	strace $0x9000004D  }
0x9d: {  	s0 =	sadd.s32 @!p0 $0x100000, s0;
	[bflag:$0x2] =	sbarrier.arrive $0xFFFF  }
0x9e: {  	[sflag:s0] =	ssyncadd.tile.s32 @!p0 $0x1;
	_ =	shalt  }
.Lfunc_end2:
_tile_overlayer_lowered:
.L_overlay_start_2:
0x9f: {  	(tag) =	ssettag $0x2  }
0xa0: {  	s0 =	rddreg [dreg:$0x0];
	s2 =	stileid.u32  }
0xa1: {  	s1 =	rddreg [dreg:$0x1];
	p0 =	sne.s32 s2, $0x0  }
0xa2: {  	s3 =	rddreg [dreg:$0x2];
	[bflag:$0x3] =	sbarrier.arrive $0xFFFF;
	s2 =	simm.s32 @!p0 $0x1C03  }
0xa3: {  	[timem:s3], [sflag:s2] =	dma.local @!p0 [hbm:s0], s1  }
0xa4: {  	s0 =	simm.s32 @!p0 $0x3  }
0xa5: {  	_ =	swait.ge @!p0 [sflag:s0], s1  }
0xa6: {  	s1 =	ssub.s32 @!p0 $0x0, s1;
	[sflag:s0] =	ssyncset.done @!p0 $0x0  }
0xa7: {  	[sflag:s0] =	ssyncadd.s32 @!p0 s1  }
0xa8: {  	[bflag:$0x3] =	sbarrier.arrive $0xFFFF  }
0xa9: {  	_ =	shalt  }

// kernel: kernel.9.cloned.1.call-start
scs
__scs_entry_jumppad:
0x0: {  	(pc) =	sbr.rel $0x88, $3  }
0x1: {  	(tag) =	ssettag $0x0;
	lr =	simm.s32 $0x1  }
0x2: {  	[smem:$0x3F97] =	sst lr;
	_ =	strace $0xD0000000  }
0x3: {  	_ = 	snop  }
0x4: {  	_ = 	snop  }
0x5: {  	_ = 	snop  }
0x6: {  	_ = 	snop  }
0x7: {  	_ = 	snop  }
__scs_overlays_trampoline_lowered:
0x8: {  	[smem:$0x3FA6] =	sst s0  }
0x9: {  	[smem:$0x3FA7] =	sst s1  }
0xa: {  	[smem:$0x3FA8] =	sst s2  }
0xb: {  	[smem:$0x3FA9] =	sst s3  }
0xc: {  	[smem:$0x3FAA] =	sst s4  }
0xd: {  	[smem:$0x3FAB] =	sst s5  }
0xe: {  	[smem:$0x3FAC] =	sst s6  }
0xf: {  	[smem:$0x3FAD] =	sst s7  }
0x10: {  	[smem:$0x3FAE] =	sst s8  }
0x11: {  	[smem:$0x3FAF] =	sst s9;
	s0 =	simm.s32 @!p0 $0x0  }
0x12: {  	s1 =	sld [smem:$0x3F95];
	s0 =	simm.s32 @p0 $0x1  }
0x13: {  	[smem:$0x3FB0] =	sst s0;
	s0 =	simm.s32 @!p1 $0x0  }
0x14: {  	s2 =	sld [smem:$0x3F94];
	s0 =	simm.s32 @p1 $0x1  }
0x15: {  	[smem:$0x3FB1] =	sst s0;
	s0 =	simm.s32 @!p2 $0x0  }
0x16: {  	s3 =	sld [smem:$0x3FDB];
	s0 =	simm.s32 @p2 $0x1  }
0x17: {  	s4 =	simm.s32 $0x1BF5;
	[smem:$0x3FB3] =	sst s0  }
0x18: {  	s0 =	sld [smem:$0x3F96];
	_ =	swait.ge [sflag:s4], $0x0  }
0x19: {  	s7 =	sld [smem:$0x3F97]  }
0x1a: {  	s8 =	sadd.s32 $0xFFFFE003, lr  }
0x1b: {  	s9 =	sadd.s32 $0xFFFFFEF7, lr;
	s5 =	simm.s32 $0xFFFFFFFF;
	p2 =	slt.u32 s8, $0xFFFFF086  }
0x1c: {  	p1 =	slt.u32 s9, $0xF7A;
	s5 =	simm.s32 @!p2 $0x0  }
0x1d: {  	s5 =	simm.s32 @p1 $0x1;
	p0 =	seq.s32 s7, s2  }
0x1e: {  	s7 =	smul.u32 @!p0 $0xF7A, s2;
	p2 =	seq.s32 @!p0 s5, $0x0  }
0x1f: {  	s9 =	smul.u32 $0xF7A, s1;
	s8 =	simm.s32 @!p0 $0x1BF5;
	p2 =	por !p2, p0  }
0x20: {  	[sflag:s8] =	ssyncset.s32 @!p0 $0xFFFFF086;
	s6 =	sadd.s32 @!p0 s3, s7;
	s7 =	simm.s32 @!p0 $0x108  }
0x21: {  	s3 =	sadd.s32 s3, s9;
	s6 =	sadd.s32 @!p0 $0x88, s6;
	s7 =	simm.s32 @p2 $0x1082  }
0x22: {  	[simem:s7], [sflag:s8] =	dma.local @!p0 [hbm:s6], $0xF7A  }
0x23: {  	s9 =	sor.u32 $0xD0000000, s2;
	s6 =	simm.s32 $0x108;
	_ =	swait.ge @!p0 [sflag:s8], $0x0  }
0x24: {  	s3 =	sadd.s32 $0x88, s3;
	s6 =	simm.s32 @!p1 $0x1082;
	[sflag:s4] =	ssyncset.s32 $0xFFFFF086  }
0x25: {  	[simem:s6], [sflag:s4] =	dma.local [hbm:s3], $0xF7A  }
0x26: {  	[smem:$0x3F97] =	sst s1;
	(tag) =	ssettag s2;
	_ =	strace s9  }
0x27: {  	s1 =	sld [smem:$0x3FA7]  }
0x28: {  	s2 =	sld [smem:$0x3FA8]  }
0x29: {  	s4 =	sld [smem:$0x3FAA]  }
0x2a: {  	p0 =	seq.s32 s5, $0x0;
	s5 =	sld [smem:$0x3FAB]  }
0x2b: {  	s6 =	sld [smem:$0x3FAC]  }
0x2c: {  	s7 =	sld [smem:$0x3FAD]  }
0x2d: {  	s3 =	simm.s32 $0x108;
	s8 =	sld [smem:$0x3FAE]  }
0x2e: {  	s3 =	simm.s32 @!p0 $0x1082;
	s9 =	sld [smem:$0x3FAF]  }
0x2f: {  	lr =	sadd.s32 s0, s3;
	s0 =	sld [smem:$0x3FA6]  }
0x30: {  	s3 =	sld [smem:$0x3FA9]  }
0x31: {  	[smem:$0x3FB2] =	sst s10  }
0x32: {  	s10 =	sld [smem:$0x3FB0];
	_ =	sdelay $0x3  }
0x33: {  	p0 =	seq.s32 s10, $0x1;
	s10 =	sld [smem:$0x3FB2];
	_ =	sdelay $0x3  }
0x34: {  	[smem:$0x3FB2] =	sst s10  }
0x35: {  	s10 =	sld [smem:$0x3FB1];
	_ =	sdelay $0x3  }
0x36: {  	p1 =	seq.s32 s10, $0x1;
	s10 =	sld [smem:$0x3FB2];
	_ =	sdelay $0x3  }
0x37: {  	[smem:$0x3FB2] =	sst s10  }
0x38: {  	s10 =	sld [smem:$0x3FB3]  }
0x39: {  	_ = 	snop;
	(pc) =	sbr.ind lr, $3  }
0x3a: {  	_ = 	snop  }
0x3b: {  	_ = 	snop  }
0x3c: {  	p2 =	seq.s32 s10, $0x1;
	s10 =	sld [smem:$0x3FB2]  }
0x3d: {  	_ =	shalt  }
0x3e: {  	_ =	shalt  }
0x3f: {  	_ =	shalt  }
0x40: {  	_ =	shalt  }
0x41: {  	_ =	shalt  }
0x42: {  	_ =	shalt  }
0x43: {  	_ =	shalt  }
0x44: {  	_ =	shalt  }
0x45: {  	_ =	shalt  }
0x46: {  	_ =	shalt  }
0x47: {  	_ =	shalt  }
0x48: {  	_ =	shalt  }
0x49: {  	_ =	shalt  }
0x4a: {  	_ =	shalt  }
0x4b: {  	_ =	shalt  }
0x4c: {  	_ =	shalt  }
0x4d: {  	_ =	shalt  }
0x4e: {  	_ =	shalt  }
0x4f: {  	_ =	shalt  }
0x50: {  	_ =	shalt  }
0x51: {  	_ =	shalt  }
0x52: {  	_ =	shalt  }
0x53: {  	_ =	shalt  }
0x54: {  	_ =	shalt  }
0x55: {  	_ =	shalt  }
0x56: {  	_ =	shalt  }
0x57: {  	_ =	shalt  }
0x58: {  	_ =	shalt  }
0x59: {  	_ =	shalt  }
0x5a: {  	_ =	shalt  }
0x5b: {  	_ =	shalt  }
0x5c: {  	_ =	shalt  }
0x5d: {  	_ =	shalt  }
0x5e: {  	_ =	shalt  }
0x5f: {  	_ =	shalt  }
0x60: {  	_ =	shalt  }
0x61: {  	_ =	shalt  }
0x62: {  	_ =	shalt  }
0x63: {  	_ =	shalt  }
0x64: {  	_ =	shalt  }
0x65: {  	_ =	shalt  }
0x66: {  	_ =	shalt  }
0x67: {  	_ =	shalt  }
0x68: {  	_ =	shalt  }
0x69: {  	_ =	shalt  }
0x6a: {  	_ =	shalt  }
0x6b: {  	_ =	shalt  }
0x6c: {  	_ =	shalt  }
0x6d: {  	_ =	shalt  }
0x6e: {  	_ =	shalt  }
0x6f: {  	_ =	shalt  }
0x70: {  	_ =	shalt  }
0x71: {  	_ =	shalt  }
0x72: {  	_ =	shalt  }
0x73: {  	_ =	shalt  }
0x74: {  	_ =	shalt  }
0x75: {  	_ =	shalt  }
0x76: {  	_ =	shalt  }
0x77: {  	_ =	shalt  }
0x78: {  	_ =	shalt  }
0x79: {  	_ =	shalt  }
0x7a: {  	_ =	shalt  }
0x7b: {  	_ =	shalt  }
0x7c: {  	_ =	shalt  }
0x7d: {  	_ =	shalt  }
0x7e: {  	_ =	shalt  }
0x7f: {  	_ =	shalt  }
0x80: {  	_ =	shalt  }
0x81: {  	_ =	shalt  }
0x82: {  	_ =	shalt  }
0x83: {  	_ =	shalt  }
0x84: {  	_ =	shalt  }
0x85: {  	_ =	shalt  }
0x86: {  	_ =	shalt  }
0x87: {  	_ =	shalt  }
.Lfunc_end0:
.L_simem_size_0:
called_computation_lowered:
.L_overlay_start_0:
0x88: {  	s2 =	sld [smem:$0x3FD9]  }
0x89: {  	s3 =	sld [smem:$0x3FFE];
	_ =	sdelay $0x1  }
0x8a: {  	s1 =	srdreg.scid  }
0x8b: {  	s0 =	sand.u32 $0x1, s1  }
0x8c: {  	s14 =	sshll.u32 s0, $0xA;
	s2 =	sadd.s32 s3, s2  }
0x8d: {  	s2 =	sadd.s32 s2, s14  }
0x8e: {  	[smem:$0x3FBE] =	sst s2  }
0x8f: {  	_ = 	snop  }
0x90: {  	s2 =	sld [smem:$0x3FD0];
	_ =	sdelay $0x2  }
0x91: {  	s15 =	simm.s32 $0xA;
	s4 =	simm.s32 $0x10  }
0x92: {  	[smem:s4], [sflag:s15] =	dma.local [hbm:s2], $0x1  }
0x93: {  	_ =	swait.eq [sflag:s15], $0x1  }
0x94: {  	[sflag:s15] =	ssyncset.done $0x0  }
0x95: {  	[sflag:s15] =	ssyncadd.s32 $0xFFFFFFFF  }
0x96: {  	s16 =	sld [smem:$0x10];
	(tm) =	ssettm $0x1  }
0x97: {  	s17 =	sld [smem:$0x3FFB];
	_ =	sdelay $0x3  }
0x98: {  	_ =	strace s17  }
0x99: {  	s3 =	sld [smem:$0x3FFC];
	_ =	sdelay $0x3  }
0x9a: {  	_ =	strace s3  }
0x9b: {  	s3 =	sld [smem:$0x3FFD];
	_ =	sdelay $0x3  }
0x9c: {  	_ =	strace s3  }
0x9d: {  	_ =	strace $0x8FFFFFFF  }
0x9e: {  	s18 =	sld [smem:$0x3FDB];
	_ =	sdelay $0x1  }
0x9f: {  	s19 =	simm.s32 $_scs_section_size  }
0xa0: {  	s5 =	simm.s32 $_size__tile_overlayer_lowered;
	s6 =	simm.s32 $_tile_overlayer_lowered  }
0xa1: {  	s22 =	simm.s32 $0x1BFF;
	s21 =	sshll.u32 s6, $0x1;
	s3 =	sadd.s32 s19, s18  }
0xa2: {  	s7 =	simm.s32 $0x0;
	s20 =	sshll.u32 s5, $0x1;
	s5 =	sadd.s32 s21, s3  }
0xa3: {  	[timem:s7], [sflag:s22] =	dma.local [hbm:s5], s20  }
0xa4: {  	_ =	swait.ge [sflag:s22], s20  }
0xa5: {  	s4 =	ssub.s32 $0x0, s20;
	[sflag:s22] =	ssyncset.done $0x0  }
0xa6: {  	[sflag:s22] =	ssyncadd.s32 s4;
	_ =	sdelay $0x1  }
0xa7: {  	s23 =	simm.s32 $0x1B8B  }
0xa8: {  	_ =	swait.ge [sflag:s23], $0x1  }
0xa9: {  	[sflag:s23] =	ssyncset.done $0x0  }
0xaa: {  	s25 =	simm.s32 $0x1B8E;
	s24 =	sld [smem:$0x3FFE];
	[sflag:s23] =	ssyncadd.s32 $0xFFFFFFFF  }
0xab: {  	s26 =	simm.s32 $execute0_lowered;
	[smem:$0x3FD2] =	sst s25  }
0xac: {  	s5 =	sshll.u32 s26, $0x1;
	_ =	strace $0x80000046;
	[dreg:$0x1] =	wrdreg $0xFFFFFFFF  }
0xad: {  	s28 =	simm.s32 $_size_execute0_lowered;
	s3 =	sadd.s32 s3, s5;
	[dreg:$0x0] =	wrdreg $0x0  }
0xae: {  	s5 =	sshll.u32 s28, $0x1;
	[dreg:$0x2] =	wrdreg s3  }
0xaf: {  	[dreg:$0x3] =	wrdreg s5  }
0xb0: {  	[dreg:$0x4] =	wrdreg $0xC0  }
0xb1: {  	_ =	task [dreg:s7], $0x5FFFF  }
0xb2: {  	[dreg:$0x1] =	wrdreg $0xFFFFFFFF  }
0xb3: {  	[dreg:$0x0] =	wrdreg $0x60  }
0xb4: {  	[dreg:$0x2] =	wrdreg s24  }
0xb5: {  	[dreg:$0x3] =	wrdreg s16  }
0xb6: {  	[dreg:$0x4] =	wrdreg $0x9  }
0xb7: {  	_ =	task.clear_ibuf [dreg:s7], $0x5FFFF;
	_ =	strace $0x90000046  }
0xb8: {  	s29 =	simm.s32 $0x9;
	_ =	strace $0x80000048  }
0xb9: {  	_ =	swait.ge [sflag:s29], $0x1  }
0xba: {  	[sflag:s29] =	ssyncadd.s32 $0xFFFFFFFF  }
0xbb: {  	_ =	strace $0x90000048  }
0xbc: {  	_ =	sfence  }
0xbd: {  	s30 =	sld [smem:$0x0];
	_ =	sdelay $0x2  }
0xbe: {  	s31 =	sshll.u32 s1, $0xD;
	s1 =	sshrl.u32 s1, $0x2  }
0xbf: {  	s3 =	sand.u32 $0x4000, s31;
	s1 =	sadd.s32 s1, s30  }
0xc0: {  	s0 =	sor.u32 s3, s0;
	s1 =	sshll.u32 s1, $0x11  }
0xc1: {  	s0 =	sor.u32 s1, s0  }
0xc2: {  	s0 =	sadd.s32 $0x8F2B, s0  }
0xc3: {  	[sflag:s0] =	ssyncadd.remote.s32 $0x1  }
0xc4: {  	_ =	sfence.sel $0xFFFF  }
0xc5: {  	[dreg:$0x0] =	wrdreg $0xFFFFFFFF;
	(pc) =	sbr.abs _section_cstart, $3  }
0xc6: {  	[dreg:$0x1] =	wrdreg $0xFFFFFFFF  }
0xc7: {  	_ =	task.clear_ibuf [dreg:s7], $0x2FFFF;
	_ =	strace $0x9FFFFFFF  }
0xc8: {  	(tm) =	ssettm $0x7FFFFFFF  }
0xc9: {  	_ =	shalt  }
tec
execute0_lowered:
.L_overlay_start_1:
0x0: {  	(tag) =	ssettag $0x1  }
0x1: {  	s3 =	rddreg [dreg:$0x0];
	s1 =	srdreg.scid  }
0x2: {  	s0 =	stileid.u32;
	s4 =	rddreg [dreg:$0x1];
	s2 =	simm.s32 $0x0  }
0x3: {  	s11 =	simm.s32 $0x100;
	s12 =	simm.s32 $0x2880;
	s13 =	simm.s32 $0x400  }
0x4: {  	s14 =	simm.s32 $0x0;
	s5 =	sand.u32 $0x1, s1;
	s6 =	smul.u32 $0x9C, s0  }
0x5: {  	s1 =	rddreg [dreg:$0x2];
	s9 =	sshrl.u32 s0, $0x3;
	s7 =	smul.u32 $0x4E, s5  }
0x6: {  	[smem:$0x7FF] =	sst s2;
	s10 =	sshll.u32 s0, $0x1;
	s8 =	smul.u32 $0x27800, s5  }
0x7: {  	s24 =	sshll.u32 s0, $0x7;
	p0 =	slt.u32 s0, $0x2;
	s9 =	smul.u32 $0x13C00, s9  }
0x8: {  	s23 =	sor.u32 s5, s10;
	s25 =	sand.u32 $0x380, s24;
	s5 =	ssub.s32 $0x2, s5  }
0x9: {  	_ =	strace $0x80000047;
	s10 =	simm.s32 $0x80;
	s30 =	sshrl.u32 s5, $0x1  }
0xa: {  	s6 =	sadd.s32 s7, s6;
	s7 =	smin.u32 s23, $0x4;
	s8 =	sadd.s32 s8, s9  }
0xb: {  	s31 =	ssub.s32 s5, s30;
	s6 =	sadd.s32 s7, s6;
	s26 =	sor.u32 s25, s8  }
0xc: {  	s9 =	simm.s32 $0x1;
	s6 =	sshll.u32 s6, $0x4;
	s7 =	sshrl.u32 s26, $0x3  }
0xd: {  	s28 =	sadd.s32 s6, s3;
	s29 =	sadd.s32 s7, s3;
	s3 =	simm.s32 $0x4F  }
0xe: {  	s4 =	sadd.s32 s4, s7;
	s6 =	smax.u32 s31, $0x1;
	s3 =	simm.s32 @!p0 $0x4E  }
0xf: {  	v0 =	vimm.f32 $0.0e+00;
	v1 =	vimm.f32 $1.000000000e+00;
	s5 =	sadd.s32 $0x17600, s29;
	s7 =	sadd.s32 $0xD800, s28;
	s8 =	sadd.s32 $0x3A00, s28  }
.LBB2_1:
0x10: {  	s15 =	simm.s32 $0x0  }
.LBB2_2:
0x11: {  	p0 =	sne.s32 s15, $0x9DC0  }
.Ltmp0:
0x12: {  	_ = 	snop;
	(pc) =	sbr.rel @p0 .LBB2_2-.Ltmp0, $3  }
0x13: {  	_ =	sdelay $0x1  }
0x14: {  	s16 =	sshra.s32 s15, $0x2  }
0x15: {  	s15 =	sadd.s32 $0x40, s15;
	[tilespmem:s16+$0x100] =	vst v0  }
0x16: {  	s15 =	simm.s32 $0x40;
	s16 =	simm.s32 $0x0  }
.LBB2_4:
0x17: {  	p0 =	sne.s32 s15, $0x9DC0;
	[tilespmem:s16+$0x2880] =	vst v0;
	s16 =	smov.u32 s15;
	s15 =	sadd.s32 $0x40, s15  }
.Ltmp1:
0x18: {  	(pc) =	sbr.rel @p0 .LBB2_4-.Ltmp1, $2  }
0x19: {  	_ =	sdelay $0x2  }
0x1a: {  	s16 =	sshra.s32 s16, $0x2  }
0x1b: {  	[tilespmem:s16+$0x2880] =	vst v0;
	s15 =	smov.u32 s8;
	s16 =	smov.u32 s7;
	s17 =	smov.u32 s3  }
.LBB2_6:
0x1c: {  	[tilespmem:s2], [sflag:$0x1] =	stream.linear.gather [hbm4b:s16+s2], $0x80, $0x38;
	[tilespmem:$0x5000] =	vst v63  }
0x1d: {  	_ =	swait.ge [sflag:s9], $0x80  }
0x1e: {  	[sflag:s9] =	ssyncset.done $0x0  }
0x1f: {  	[sflag:s9] =	ssyncadd.s32 $0xFFFFFF80  }
0x20: {  	[tilespmem:s10], [sflag:$0x1] =	stream.linear.gather [hbm4b:s15+s2], $0x80, $0x38;
	[tilespmem:$0x5000] =	vst v63  }
0x21: {  	_ =	swait.ge [sflag:s9], $0x80  }
0x22: {  	[sflag:s9] =	ssyncset.done $0x0  }
0x23: {  	[sflag:s9] =	ssyncadd.s32 $0xFFFFFF80  }
0x24: {  	v2 =	vld [tilespmem:$0x80];
	_ =	sdelay $0x7  }
0x25: {  	[tilespmem:v2+s11+$0x0] =	vst.idx.add.f32.msk $0xffff, v1  }
0x26: {  	v2 =	vld [tilespmem:$0x0];
	_ =	sdelay $0x7  }
0x27: {  	[tilespmem:v2+s12+$0x0] =	vst.idx.add.f32.msk $0xffff, v1  }
0x28: {  	v2 =	vld [tilespmem:$0x90];
	_ =	sdelay $0x7  }
0x29: {  	[tilespmem:v2+s11+$0x0] =	vst.idx.add.f32.msk $0xffff, v1  }
0x2a: {  	v2 =	vld [tilespmem:$0x10];
	_ =	sdelay $0x7  }
0x2b: {  	[tilespmem:v2+s12+$0x0] =	vst.idx.add.f32.msk $0xffff, v1  }
0x2c: {  	v2 =	vld [tilespmem:$0xA0];
	_ =	sdelay $0x7  }
0x2d: {  	[tilespmem:v2+s11+$0x0] =	vst.idx.add.f32.msk $0xffff, v1  }
0x2e: {  	v2 =	vld [tilespmem:$0x20];
	_ =	sdelay $0x7  }
0x2f: {  	[tilespmem:v2+s12+$0x0] =	vst.idx.add.f32.msk $0xffff, v1  }
0x30: {  	v2 =	vld [tilespmem:$0xB0];
	_ =	sdelay $0x7  }
0x31: {  	[tilespmem:v2+s11+$0x0] =	vst.idx.add.f32.msk $0xffff, v1  }
0x32: {  	v2 =	vld [tilespmem:$0x30];
	_ =	sdelay $0x7  }
0x33: {  	[tilespmem:v2+s12+$0x0] =	vst.idx.add.f32.msk $0xffff, v1  }
0x34: {  	v2 =	vld [tilespmem:$0xC0];
	_ =	sdelay $0x7  }
0x35: {  	[tilespmem:v2+s11+$0x0] =	vst.idx.add.f32.msk $0xffff, v1  }
0x36: {  	v2 =	vld [tilespmem:$0x40];
	_ =	sdelay $0x7  }
0x37: {  	[tilespmem:v2+s12+$0x0] =	vst.idx.add.f32.msk $0xffff, v1  }
0x38: {  	v2 =	vld [tilespmem:$0xD0];
	_ =	sdelay $0x7  }
0x39: {  	[tilespmem:v2+s11+$0x0] =	vst.idx.add.f32.msk $0xffff, v1  }
0x3a: {  	v2 =	vld [tilespmem:$0x50];
	_ =	sdelay $0x7  }
0x3b: {  	[tilespmem:v2+s12+$0x0] =	vst.idx.add.f32.msk $0xffff, v1  }
0x3c: {  	v2 =	vld [tilespmem:$0xE0];
	_ =	sdelay $0x7  }
0x3d: {  	[tilespmem:v2+s11+$0x0] =	vst.idx.add.f32.msk $0xffff, v1  }
0x3e: {  	v2 =	vld [tilespmem:$0x60];
	_ =	sdelay $0x7  }
0x3f: {  	[tilespmem:v2+s12+$0x0] =	vst.idx.add.f32.msk $0xffff, v1  }
0x40: {  	v2 =	vld [tilespmem:$0xF0];
	_ =	sdelay $0x7  }
0x41: {  	[tilespmem:v2+s11+$0x0] =	vst.idx.add.f32.msk $0xffff, v1  }
0x42: {  	v2 =	vld [tilespmem:$0x70];
	_ =	sdelay $0x2  }
0x43: {  	p0 =	sne.s32 s17, $0x1  }
.Ltmp2:
0x44: {  	_ = 	snop;
	(pc) =	sbr.rel @p0 .LBB2_6-.Ltmp2, $2  }
0x45: {  	_ =	sdelay $0x2  }
0x46: {  	s16 =	sadd.s32 $0x10, s16;
	s17 =	sadd.s32 $0xFFFFFFFF, s17;
	s15 =	sadd.s32 $0x10, s15;
	[tilespmem:v2+s12+$0x0] =	vst.idx.add.f32.msk $0xffff, v1  }
0x47: {  	[hbm4b:s4+s10] =	stream.strided.scatter [tilespmem:s11], [sflag:$0x1], $0x2780, s13, s10, $0x38;
	[tilespmem:$0x5000] =	vst v63  }
0x48: {  	s14 =	sadd.s32 $0x1, s14;
	_ =	swait.ge [sflag:s9], $0x2780  }
0x49: {  	p0 =	sne.s32 s14, s6;
	[sflag:s9] =	ssyncset.done $0x0  }
.Ltmp3:
0x4a: {  	[sflag:s9] =	ssyncadd.s32 $0xFFFFD880;
	(pc) =	sbr.rel @p0 .LBB2_1-.Ltmp3, $4  }
0x4b: {  	[hbm4b:s5+s10] =	stream.strided.scatter [tilespmem:s12], [sflag:$0x1], $0x2780, s13, s10, $0x38;
	[tilespmem:$0x5000] =	vst v63  }
0x4c: {  	_ =	swait.ge [sflag:s9], $0x2780  }
0x4d: {  	[sflag:s9] =	ssyncset.done $0x0  }
0x4e: {  	[sflag:s9] =	ssyncadd.s32 $0xFFFFD880  }
0x4f: {  	_ =	sfence.sel $0x180000  }
0x50: {  	[bflag:$0x0] =	sbarrier.arrive $0xFFFF  }
0x51: {  	p0 =	sne.s32 s0, $0x0;
	_ =	strace $0x90000047  }
0x52: {  	s0 =	sadd.s32 @!p0 $0x100000, s1;
	[bflag:$0x2] =	sbarrier.arrive $0xFFFF  }
0x53: {  	[sflag:s0] =	ssyncadd.tile.s32 @!p0 $0x1;
	_ =	shalt  }
.Lfunc_end2:
_tile_overlayer_lowered:
.L_overlay_start_2:
0x54: {  	(tag) =	ssettag $0x2  }
0x55: {  	s0 =	rddreg [dreg:$0x0];
	s2 =	stileid.u32  }
0x56: {  	s1 =	rddreg [dreg:$0x1];
	p0 =	sne.s32 s2, $0x0  }
0x57: {  	s3 =	rddreg [dreg:$0x2];
	[bflag:$0x3] =	sbarrier.arrive $0xFFFF;
	s2 =	simm.s32 @!p0 $0x1C01  }
0x58: {  	[timem:s3], [sflag:s2] =	dma.local @!p0 [hbm:s0], s1  }
0x59: {  	s0 =	simm.s32 @!p0 $0x1  }
0x5a: {  	_ =	swait.ge @!p0 [sflag:s0], s1  }
0x5b: {  	s1 =	ssub.s32 @!p0 $0x0, s1;
	[sflag:s0] =	ssyncset.done @!p0 $0x0  }
0x5c: {  	[sflag:s0] =	ssyncadd.s32 @!p0 s1  }
0x5d: {  	[bflag:$0x3] =	sbarrier.arrive $0xFFFF  }
0x5e: {  	_ =	shalt  }

</sc_bundles>
